<compile_context>
chip_gen: v7x
topology: tpu7x:2x2x1
jax: 0.10.2.dev20260603
libtpu: 0.0.44.dev20260713+nightly
codegen_flags: <defaults>
</compile_context>

<pallas_src>
import functools

import jax
import jax.numpy as jnp
from jax import lax
from jax.experimental import pallas as pl
from jax.experimental.pallas import tpu as pltpu
from jax.experimental.pallas import tpu_sc as plsc

NC = 2
NS = 16
NW = NC * NS
CH = 128
DW = 16


def _agg_sc(hs, srcp, dstp, n, d, cpt, agg_rows):
    zcpt = agg_rows // (NS * CH)
    mesh = plsc.VectorSubcoreMesh(core_axis_name="c", subcore_axis_name="s")

    @functools.partial(
        pl.kernel,
        out_type=jax.ShapeDtypeStruct((NC, agg_rows, d), jnp.float32),
        mesh=mesh,
        scratch_types=[
            pltpu.VMEM((cpt, CH), jnp.int32),
            pltpu.VMEM((cpt, CH), jnp.int32),
            pltpu.VMEM((CH, d), jnp.float32),
            pltpu.VMEM_SHARED((agg_rows, d), jnp.float32),
            pltpu.SemaphoreType.DMA,
        ],
    )
    def k(hs_hbm, src_hbm, dst_hbm, out_hbm, src_v, dst_v, rows_v,
          agg_sh, sem):
        c = lax.axis_index("c")
        s = lax.axis_index("s")
        wid = s * NC + c

        def zrow(i, carry):
            for kk in range(d // 16):
                rows_v[i, pl.ds(kk * 16, 16)] = jnp.zeros((16,), jnp.float32)
            return carry

        lax.fori_loop(0, CH, zrow, 0)
        for kk in range(zcpt):
            pltpu.sync_copy(rows_v, agg_sh.at[pl.ds(s * zcpt * CH + kk * CH, CH)])

        pltpu.sync_copy(src_hbm.at[wid], src_v)
        pltpu.sync_copy(dst_hbm.at[wid], dst_v)
        plsc.subcore_barrier()

        def body(j, carry):
            pltpu.async_copy(hs_hbm.at[src_v.at[j]], rows_v, sem).wait()
            pltpu.sync_copy(rows_v, agg_sh.at[dst_v.at[j]], add=True)
            return carry

        lax.fori_loop(0, cpt, body, 0)
        plsc.subcore_barrier()

        for kk in range(zcpt):
            r0 = s * zcpt * CH + kk * CH
            pltpu.sync_copy(agg_sh.at[pl.ds(r0, CH)], rows_v)
            pltpu.sync_copy(rows_v, out_hbm.at[c, pl.ds(r0, CH)])

    return k(hs, srcp, dstp)


def _deg_sc(dstp, n, cpt, agg_rows):
    zcpt = agg_rows // (NS * CH)
    degw = 128
    mesh = plsc.VectorSubcoreMesh(core_axis_name="c", subcore_axis_name="s")

    @functools.partial(
        pl.kernel,
        out_type=jax.ShapeDtypeStruct((NC, agg_rows, degw), jnp.float32),
        mesh=mesh,
        scratch_types=[
            pltpu.VMEM((cpt, CH), jnp.int32),
            pltpu.VMEM((CH, degw), jnp.float32),
            pltpu.VMEM_SHARED((agg_rows, degw), jnp.float32),
            pltpu.SemaphoreType.DMA,
        ],
    )
    def k(dst_hbm, out_hbm, dst_v, ones_v, deg_sh, sem):
        c = lax.axis_index("c")
        s = lax.axis_index("s")
        wid = s * NC + c

        def fill(val):
            def frow(i, carry):
                for kk in range(degw // 16):
                    ones_v[i, pl.ds(kk * 16, 16)] = jnp.full((16,), val, jnp.float32)
                return carry

            lax.fori_loop(0, CH, frow, 0)

        fill(0.0)
        for kk in range(zcpt):
            pltpu.sync_copy(ones_v, deg_sh.at[pl.ds(s * zcpt * CH + kk * CH, CH)])
        fill(1.0)
        pltpu.sync_copy(dst_hbm.at[wid], dst_v)
        plsc.subcore_barrier()

        def body(j, carry):
            pltpu.sync_copy(ones_v, deg_sh.at[dst_v.at[j]], add=True)
            return carry

        lax.fori_loop(0, cpt, body, 0)
        plsc.subcore_barrier()

        for kk in range(zcpt):
            r0 = s * zcpt * CH + kk * CH
            pltpu.sync_copy(deg_sh.at[pl.ds(r0, CH)], ones_v)
            pltpu.sync_copy(ones_v, out_hbm.at[c, pl.ds(r0, CH)])

    return k(dstp)


def _tc_first(x, w, degp, n, r):
    g = n // r
    din, dout = w.shape

    def body(x_ref, w_ref, deg_ref, hs_ref, dinv_ref):
        deg = deg_ref[0] + deg_ref[1] + 1.0
        dinv = lax.rsqrt(deg)
        h = jnp.dot(x_ref[...], w_ref[...], preferred_element_type=jnp.float32)
        hs_ref[...] = h * dinv[:, 0:1]
        dinv_ref[...] = dinv[:, 0:DW]

    return pl.pallas_call(
        body,
        grid=(g,),
        in_specs=[
            pl.BlockSpec((r, din), lambda i: (i, 0)),
            pl.BlockSpec((din, dout), lambda i: (0, 0)),
            pl.BlockSpec((NC, r, 128), lambda i: (0, i, 0)),
        ],
        out_specs=[
            pl.BlockSpec((r, dout), lambda i: (i, 0)),
            pl.BlockSpec((r, DW), lambda i: (i, 0)),
        ],
        out_shape=[
            jax.ShapeDtypeStruct((n, dout), jnp.float32),
            jax.ShapeDtypeStruct((n, DW), jnp.float32),
        ],
    )(x, w, degp)


def _tc_mid(parts, hs, dinv, b, w, n, r):
    g = n // r
    din, dout = w.shape

    def body(p_ref, hs_ref, dinv_ref, b_ref, w_ref, o_ref):
        s = p_ref[0] + p_ref[1] + hs_ref[...]
        z = s * dinv_ref[:, 0:1] + b_ref[...]
        z = jnp.maximum(z, 0.0)
        h = jnp.dot(z, w_ref[...], preferred_element_type=jnp.float32)
        o_ref[...] = h * dinv_ref[:, 0:1]

    return pl.pallas_call(
        body,
        grid=(g,),
        in_specs=[
            pl.BlockSpec((NC, r, din), lambda i: (0, i, 0)),
            pl.BlockSpec((r, din), lambda i: (i, 0)),
            pl.BlockSpec((r, DW), lambda i: (i, 0)),
            pl.BlockSpec((1, din), lambda i: (0, 0)),
            pl.BlockSpec((din, dout), lambda i: (0, 0)),
        ],
        out_specs=pl.BlockSpec((r, dout), lambda i: (i, 0)),
        out_shape=jax.ShapeDtypeStruct((n, dout), jnp.float32),
    )(parts, hs, dinv, b, w)


def _tc_pre(parts, hs, dinv, b, n, r):
    g = n // r
    d = hs.shape[1]

    def body(p_ref, hs_ref, dinv_ref, b_ref, o_ref):
        s = p_ref[0] + p_ref[1] + hs_ref[...]
        z = s * dinv_ref[:, 0:1] + b_ref[...]
        z = jnp.maximum(z, 0.0)
        o_ref[...] = z * dinv_ref[:, 0:1]

    return pl.pallas_call(
        body,
        grid=(g,),
        in_specs=[
            pl.BlockSpec((NC, r, d), lambda i: (0, i, 0)),
            pl.BlockSpec((r, d), lambda i: (i, 0)),
            pl.BlockSpec((r, DW), lambda i: (i, 0)),
            pl.BlockSpec((1, d), lambda i: (0, 0)),
        ],
        out_specs=pl.BlockSpec((r, d), lambda i: (i, 0)),
        out_shape=jax.ShapeDtypeStruct((n, d), jnp.float32),
    )(parts, hs, dinv, b)


def _tc_last(parts, zs, dinv, b, w, n, r):
    g = n // r
    din, dout = w.shape

    def body(p_ref, zs_ref, dinv_ref, b_ref, w_ref, o_ref):
        s = p_ref[0] + p_ref[1] + zs_ref[...]
        t = jnp.dot(s, w_ref[...], preferred_element_type=jnp.float32)
        z = t * dinv_ref[:, 0:1] + b_ref[...]
        m = jnp.max(z, axis=1, keepdims=True)
        lse = jnp.log(jnp.sum(jnp.exp(z - m), axis=1, keepdims=True)) + m
        o_ref[...] = z - lse

    return pl.pallas_call(
        body,
        grid=(g,),
        in_specs=[
            pl.BlockSpec((NC, r, din), lambda i: (0, i, 0)),
            pl.BlockSpec((r, din), lambda i: (i, 0)),
            pl.BlockSpec((r, DW), lambda i: (i, 0)),
            pl.BlockSpec((1, dout), lambda i: (0, 0)),
            pl.BlockSpec((din, dout), lambda i: (0, 0)),
        ],
        out_specs=pl.BlockSpec((r, dout), lambda i: (i, 0)),
        out_shape=jax.ShapeDtypeStruct((n, dout), jnp.float32),
    )(parts, zs, dinv, b, w)


def kernel(x, edge_index, W1, b1, Wh, bh, W2, b2):
    n, d_in = x.shape
    e = edge_index.shape[1]
    d_h = W1.shape[1]
    d_out = W2.shape[1]

    cpt = -(-e // (NW * CH))
    epad = NW * cpt * CH
    agg_rows = NS * CH * (-(-(n + 1) // (NS * CH)))
    r = 2000

    src = edge_index[0]
    dst = edge_index[1]
    pad = epad - e
    srcp = jnp.concatenate([src, jnp.zeros((pad,), jnp.int32)]).reshape(NW, cpt, CH)
    dstp = jnp.concatenate([dst, jnp.full((pad,), n, jnp.int32)]).reshape(NW, cpt, CH)

    degp = _deg_sc(dstp, n, cpt, agg_rows)
    hs1, dinv = _tc_first(x, W1, degp, n, r)
    s1 = _agg_sc(hs1, srcp, dstp, n, d_h, cpt, agg_rows)
    hs2 = _tc_mid(s1, hs1, dinv, b1.reshape(1, d_h), Wh, n, r)
    s2 = _agg_sc(hs2, srcp, dstp, n, d_h, cpt, agg_rows)
    zs2 = _tc_pre(s2, hs2, dinv, bh.reshape(1, d_h), n, r)
    s3 = _agg_sc(zs2, srcp, dstp, n, d_h, cpt, agg_rows)
    return _tc_last(s3, zs2, dinv, b2.reshape(1, d_out), W2, n, r)

# --- scband reference (transcript-rebuilt; emitter-appended) ---
"""Pipeline reference for scband-net-39041252720977 (READ-ONLY COPY).

The authoritative reference and input builder live on the scoring server;
editing this copy changes nothing except your own understanding.
"""

import jax, jax.numpy as jnp
import numpy as np

N = 10000
E = 320000
D_IN = 128
D_H = 128
D_OUT = 64


def setup_inputs(seed: int = 0) -> dict:
    key = jax.random.key(seed)
    ks = jax.random.split(key, 8)
    x = jax.random.normal(ks[0], (N, D_IN), dtype=jnp.float32)
    edge_index = jax.random.randint(ks[1], (2, E), 0, N, dtype=jnp.int32)
    W1 = jax.random.normal(ks[2], (D_IN, D_H), dtype=jnp.float32) * (1.0 / np.sqrt(D_IN))
    b1 = jnp.zeros((D_H,), dtype=jnp.float32)
    Wh = jax.random.normal(ks[3], (D_H, D_H), dtype=jnp.float32) * (1.0 / np.sqrt(D_H))
    bh = jnp.zeros((D_H,), dtype=jnp.float32)
    W2 = jax.random.normal(ks[4], (D_H, D_OUT), dtype=jnp.float32) * (1.0 / np.sqrt(D_H))
    b2 = jnp.zeros((D_OUT,), dtype=jnp.float32)
    return {"x": x, "edge_index": edge_index, "W1": W1, "b1": b1, "Wh": Wh, "bh": bh, "W2": W2, "b2": b2}


def _gcn_layer(x, W, b, src, dst):
    # GCNConv: h = x @ W, symmetric-normalized aggregation with self-loops, + bias
    h = x @ W
    deg = jnp.zeros((N,), dtype=h.dtype).at[dst].add(1.0) + 1.0  # +1 for self-loop
    dinv = 1.0 / jnp.sqrt(deg)
    norm = dinv[src] * dinv[dst]
    agg = jnp.zeros((N, h.shape[1]), dtype=h.dtype).at[dst].add(h[src] * norm[:, None])
    agg = agg + h * (dinv * dinv)[:, None]  # self-loop contribution
    return agg + b


def reference(x, edge_index, W1, b1, Wh, bh, W2, b2):
    src = edge_index[0]
    dst = edge_index[1]
    h = jax.nn.relu(_gcn_layer(x, W1, b1, src, dst))
    # dropout is identity in eval mode (training=False)
    h = jax.nn.relu(_gcn_layer(h, Wh, bh, src, dst))
    h = _gcn_layer(h, W2, b2, src, dst)
    return jax.nn.log_softmax(h, axis=1)

if __name__ == "__main__":
    import jax
    _d = setup_inputs()
    print(jax.jit(kernel)(*tuple(_d.values())))

</pallas_src>

<mosaic_0001>
#map = affine_map<(d0, d1) -> (0, 0, 0)>
module attributes {stable_mosaic.version = 14 : i64} {
  func.func @k(%arg0: i32, %arg1: i32, %arg2: memref<32x79x128xi32, #tpu.memory_space<hbm>>, %arg3: memref<2x10240x128xf32, #tpu.memory_space<hbm>>, %arg4: memref<79x128xi32, #tpu.memory_space<vmem>>, %arg5: memref<128x128xf32, #tpu.memory_space<vmem>>, %arg6: memref<10240x128xf32, #tpu.memory_space<vmem_shared>>, %arg7: memref<!tpu.dma_semaphore, #tpu.memory_space<semaphore_mem>>) attributes {dimension_semantics = [#tpu.dimension_semantics<core_parallel>, #tpu.dimension_semantics<subcore_parallel>], iteration_bounds = array<i64: 2, 16>, scalar_prefetch = 0 : i64, scratch_operands = 4 : i64, tpu.core_type = #tpu.core_type<sc_vector_subcore>, window_params = [{transform_indices = #map}, {transform_indices = #map}]} {
    %mul3A = arith.constant 2 : i32
    %mul3A_0 = arith.muli %arg1, %mul3A : i32
    %add3A = arith.addi %mul3A_0, %arg0 : i32
    %scan3A = arith.constant 0 : i32
    %scan3A_1 = arith.constant 0 : i32
    %scan3A_2 = arith.constant 128 : i32
    %scan3A_3 = arith.addi %scan3A_1, %scan3A_2 : i32
    %scan3A_4 = arith.constant 1 : i32
    scf.for %scan3A_79 = %scan3A_1 to %scan3A_3 step %scan3A_4  : i32 {
      %broadcast_in_dim3A = arith.constant 0.000000e+00 : f32
      %broadcast_in_dim3A_80 = vector.broadcast %broadcast_in_dim3A : f32 to vector<16xf32>
      %swap3A = arith.index_cast %scan3A_79 : i32 to index
      %swap3A_81 = arith.constant 0 : index
      %swap3A_82 = tpu.vector_load %arg5[%swap3A, %swap3A_81] {strides = array<i32>} : memref<128x128xf32, #tpu.memory_space<vmem>>, vector<1x16xf32>,
      %swap3A_83 = vector.shape_cast %swap3A_82 : vector<1x16xf32> to vector<16xf32>
      %swap3A_84 = vector.shape_cast %broadcast_in_dim3A_80 : vector<16xf32> to vector<1x16xf32>
      tpu.vector_store %arg5[%swap3A, %swap3A_81], %swap3A_84 {strides = array<i32>} : memref<128x128xf32, #tpu.memory_space<vmem>>, vector<1x16xf32>,
      %broadcast_in_dim3A_85 = arith.constant 0.000000e+00 : f32
      %broadcast_in_dim3A_86 = vector.broadcast %broadcast_in_dim3A_85 : f32 to vector<16xf32>
      %swap3A_87 = arith.index_cast %scan3A_79 : i32 to index
      %swap3A_88 = arith.constant 16 : index
      %swap3A_89 = tpu.vector_load %arg5[%swap3A_87, %swap3A_88] {strides = array<i32>} : memref<128x128xf32, #tpu.memory_space<vmem>>, vector<1x16xf32>,
      %swap3A_90 = vector.shape_cast %swap3A_89 : vector<1x16xf32> to vector<16xf32>
      %swap3A_91 = vector.shape_cast %broadcast_in_dim3A_86 : vector<16xf32> to vector<1x16xf32>
      tpu.vector_store %arg5[%swap3A_87, %swap3A_88], %swap3A_91 {strides = array<i32>} : memref<128x128xf32, #tpu.memory_space<vmem>>, vector<1x16xf32>,
      %broadcast_in_dim3A_92 = arith.constant 0.000000e+00 : f32
      %broadcast_in_dim3A_93 = vector.broadcast %broadcast_in_dim3A_92 : f32 to vector<16xf32>
      %swap3A_94 = arith.index_cast %scan3A_79 : i32 to index
      %swap3A_95 = arith.constant 32 : index
      %swap3A_96 = tpu.vector_load %arg5[%swap3A_94, %swap3A_95] {strides = array<i32>} : memref<128x128xf32, #tpu.memory_space<vmem>>, vector<1x16xf32>,
      %swap3A_97 = vector.shape_cast %swap3A_96 : vector<1x16xf32> to vector<16xf32>
      %swap3A_98 = vector.shape_cast %broadcast_in_dim3A_93 : vector<16xf32> to vector<1x16xf32>
      tpu.vector_store %arg5[%swap3A_94, %swap3A_95], %swap3A_98 {strides = array<i32>} : memref<128x128xf32, #tpu.memory_space<vmem>>, vector<1x16xf32>,
      %broadcast_in_dim3A_99 = arith.constant 0.000000e+00 : f32
      %broadcast_in_dim3A_100 = vector.broadcast %broadcast_in_dim3A_99 : f32 to vector<16xf32>
      %swap3A_101 = arith.index_cast %scan3A_79 : i32 to index
      %swap3A_102 = arith.constant 48 : index
      %swap3A_103 = tpu.vector_load %arg5[%swap3A_101, %swap3A_102] {strides = array<i32>} : memref<128x128xf32, #tpu.memory_space<vmem>>, vector<1x16xf32>,
      %swap3A_104 = vector.shape_cast %swap3A_103 : vector<1x16xf32> to vector<16xf32>
      %swap3A_105 = vector.shape_cast %broadcast_in_dim3A_100 : vector<16xf32> to vector<1x16xf32>
      tpu.vector_store %arg5[%swap3A_101, %swap3A_102], %swap3A_105 {strides = array<i32>} : memref<128x128xf32, #tpu.memory_space<vmem>>, vector<1x16xf32>,
      %broadcast_in_dim3A_106 = arith.constant 0.000000e+00 : f32
      %broadcast_in_dim3A_107 = vector.broadcast %broadcast_in_dim3A_106 : f32 to vector<16xf32>
      %swap3A_108 = arith.index_cast %scan3A_79 : i32 to index
      %swap3A_109 = arith.constant 64 : index
      %swap3A_110 = tpu.vector_load %arg5[%swap3A_108, %swap3A_109] {strides = array<i32>} : memref<128x128xf32, #tpu.memory_space<vmem>>, vector<1x16xf32>,
      %swap3A_111 = vector.shape_cast %swap3A_110 : vector<1x16xf32> to vector<16xf32>
      %swap3A_112 = vector.shape_cast %broadcast_in_dim3A_107 : vector<16xf32> to vector<1x16xf32>
      tpu.vector_store %arg5[%swap3A_108, %swap3A_109], %swap3A_112 {strides = array<i32>} : memref<128x128xf32, #tpu.memory_space<vmem>>, vector<1x16xf32>,
      %broadcast_in_dim3A_113 = arith.constant 0.000000e+00 : f32
      %broadcast_in_dim3A_114 = vector.broadcast %broadcast_in_dim3A_113 : f32 to vector<16xf32>
      %swap3A_115 = arith.index_cast %scan3A_79 : i32 to index
      %swap3A_116 = arith.constant 80 : index
      %swap3A_117 = tpu.vector_load %arg5[%swap3A_115, %swap3A_116] {strides = array<i32>} : memref<128x128xf32, #tpu.memory_space<vmem>>, vector<1x16xf32>,
      %swap3A_118 = vector.shape_cast %swap3A_117 : vector<1x16xf32> to vector<16xf32>
      %swap3A_119 = vector.shape_cast %broadcast_in_dim3A_114 : vector<16xf32> to vector<1x16xf32>
      tpu.vector_store %arg5[%swap3A_115, %swap3A_116], %swap3A_119 {strides = array<i32>} : memref<128x128xf32, #tpu.memory_space<vmem>>, vector<1x16xf32>,
      %broadcast_in_dim3A_120 = arith.constant 0.000000e+00 : f32
      %broadcast_in_dim3A_121 = vector.broadcast %broadcast_in_dim3A_120 : f32 to vector<16xf32>
      %swap3A_122 = arith.index_cast %scan3A_79 : i32 to index
      %swap3A_123 = arith.constant 96 : index
      %swap3A_124 = tpu.vector_load %arg5[%swap3A_122, %swap3A_123] {strides = array<i32>} : memref<128x128xf32, #tpu.memory_space<vmem>>, vector<1x16xf32>,
      %swap3A_125 = vector.shape_cast %swap3A_124 : vector<1x16xf32> to vector<16xf32>
      %swap3A_126 = vector.shape_cast %broadcast_in_dim3A_121 : vector<16xf32> to vector<1x16xf32>
      tpu.vector_store %arg5[%swap3A_122, %swap3A_123], %swap3A_126 {strides = array<i32>} : memref<128x128xf32, #tpu.memory_space<vmem>>, vector<1x16xf32>,
      %broadcast_in_dim3A_127 = arith.constant 0.000000e+00 : f32
      %broadcast_in_dim3A_128 = vector.broadcast %broadcast_in_dim3A_127 : f32 to vector<16xf32>
      %swap3A_129 = arith.index_cast %scan3A_79 : i32 to index
      %swap3A_130 = arith.constant 112 : index
      %swap3A_131 = tpu.vector_load %arg5[%swap3A_129, %swap3A_130] {strides = array<i32>} : memref<128x128xf32, #tpu.memory_space<vmem>>, vector<1x16xf32>,
      %swap3A_132 = vector.shape_cast %swap3A_131 : vector<1x16xf32> to vector<16xf32>
      %swap3A_133 = vector.shape_cast %broadcast_in_dim3A_128 : vector<16xf32> to vector<1x16xf32>
      tpu.vector_store %arg5[%swap3A_129, %swap3A_130], %swap3A_133 {strides = array<i32>} : memref<128x128xf32, #tpu.memory_space<vmem>>, vector<1x16xf32>,
    }
    %scan3A_5 = arith.constant 128 : i32
    %mul3A_6 = arith.constant 5 : i32
    %mul3A_7 = arith.muli %arg1, %mul3A_6 : i32
    %mul3A_8 = arith.constant 128 : i32
    %mul3A_9 = arith.muli %mul3A_7, %mul3A_8 : i32
    %add3A_10 = arith.constant 0 : i32
    %add3A_11 = arith.addi %mul3A_9, %add3A_10 : i32
    "tpu.region"() ({
      %run_scoped3A = tpu.sem_alloc : memref<!tpu.dma_semaphore, #tpu.memory_space<semaphore_mem>>
      %dma_start3A = arith.constant 0 : i32
      %dma_start3A_79 = tpu.memref_slice %arg6[%add3A_11, %dma_start3A] : memref<10240x128xf32, #tpu.memory_space<vmem_shared>> -> memref<128x128xf32, #tpu.memory_space<vmem_shared>>
      %dma_start3A_80 = arith.constant 0 : i32
      %dma_start3A_81 = tpu.memref_slice %arg6[%add3A_11, %dma_start3A_80] : memref<10240x128xf32, #tpu.memory_space<vmem_shared>> -> memref<128x128xf32, #tpu.memory_space<vmem_shared>>
      tpu.enqueue_dma source(%arg5 : memref<128x128xf32, #tpu.memory_space<vmem>>) target(%dma_start3A_81 : memref<128x128xf32, #tpu.memory_space<vmem_shared>>) target_semaphore(%run_scoped3A : memref<!tpu.dma_semaphore, #tpu.memory_space<semaphore_mem>>)
      %dma_wait3A = arith.constant 0 : i32
      %dma_wait3A_82 = tpu.memref_slice %arg6[%add3A_11, %dma_wait3A] : memref<10240x128xf32, #tpu.memory_space<vmem_shared>> -> memref<128x128xf32, #tpu.memory_space<vmem_shared>>
      %dma_wait3A_83 = arith.constant 0 : i32
      %dma_wait3A_84 = tpu.memref_slice %arg6[%add3A_11, %dma_wait3A_83] : memref<10240x128xf32, #tpu.memory_space<vmem_shared>> -> memref<128x128xf32, #tpu.memory_space<vmem_shared>>
      tpu.wait_dma2 semaphore(%run_scoped3A : memref<!tpu.dma_semaphore, #tpu.memory_space<semaphore_mem>>) src(%arg5 : memref<128x128xf32, #tpu.memory_space<vmem>>) dst(%dma_wait3A_84 : memref<128x128xf32, #tpu.memory_space<vmem_shared>>)
      tpu.yield
    }) : () -> ()
    %mul3A_12 = arith.constant 5 : i32
    %mul3A_13 = arith.muli %arg1, %mul3A_12 : i32
    %mul3A_14 = arith.constant 128 : i32
    %mul3A_15 = arith.muli %mul3A_13, %mul3A_14 : i32
    %add3A_16 = arith.constant 128 : i32
    %add3A_17 = arith.addi %mul3A_15, %add3A_16 : i32
    "tpu.region"() ({
      %run_scoped3A = tpu.sem_alloc : memref<!tpu.dma_semaphore, #tpu.memory_space<semaphore_mem>>
      %dma_start3A = arith.constant 0 : i32
      %dma_start3A_79 = tpu.memref_slice %arg6[%add3A_17, %dma_start3A] : memref<10240x128xf32, #tpu.memory_space<vmem_shared>> -> memref<128x128xf32, #tpu.memory_space<vmem_shared>>
      %dma_start3A_80 = arith.constant 0 : i32
      %dma_start3A_81 = tpu.memref_slice %arg6[%add3A_17, %dma_start3A_80] : memref<10240x128xf32, #tpu.memory_space<vmem_shared>> -> memref<128x128xf32, #tpu.memory_space<vmem_shared>>
      tpu.enqueue_dma source(%arg5 : memref<128x128xf32, #tpu.memory_space<vmem>>) target(%dma_start3A_81 : memref<128x128xf32, #tpu.memory_space<vmem_shared>>) target_semaphore(%run_scoped3A : memref<!tpu.dma_semaphore, #tpu.memory_space<semaphore_mem>>)
      %dma_wait3A = arith.constant 0 : i32
      %dma_wait3A_82 = tpu.memref_slice %arg6[%add3A_17, %dma_wait3A] : memref<10240x128xf32, #tpu.memory_space<vmem_shared>> -> memref<128x128xf32, #tpu.memory_space<vmem_shared>>
      %dma_wait3A_83 = arith.constant 0 : i32
      %dma_wait3A_84 = tpu.memref_slice %arg6[%add3A_17, %dma_wait3A_83] : memref<10240x128xf32, #tpu.memory_space<vmem_shared>> -> memref<128x128xf32, #tpu.memory_space<vmem_shared>>
      tpu.wait_dma2 semaphore(%run_scoped3A : memref<!tpu.dma_semaphore, #tpu.memory_space<semaphore_mem>>) src(%arg5 : memref<128x128xf32, #tpu.memory_space<vmem>>) dst(%dma_wait3A_84 : memref<128x128xf32, #tpu.memory_space<vmem_shared>>)
      tpu.yield
    }) : () -> ()
    %mul3A_18 = arith.constant 5 : i32
    %mul3A_19 = arith.muli %arg1, %mul3A_18 : i32
    %mul3A_20 = arith.constant 128 : i32
    %mul3A_21 = arith.muli %mul3A_19, %mul3A_20 : i32
    %add3A_22 = arith.constant 256 : i32
    %add3A_23 = arith.addi %mul3A_21, %add3A_22 : i32
    "tpu.region"() ({
      %run_scoped3A = tpu.sem_alloc : memref<!tpu.dma_semaphore, #tpu.memory_space<semaphore_mem>>
      %dma_start3A = arith.constant 0 : i32
      %dma_start3A_79 = tpu.memref_slice %arg6[%add3A_23, %dma_start3A] : memref<10240x128xf32, #tpu.memory_space<vmem_shared>> -> memref<128x128xf32, #tpu.memory_space<vmem_shared>>
      %dma_start3A_80 = arith.constant 0 : i32
      %dma_start3A_81 = tpu.memref_slice %arg6[%add3A_23, %dma_start3A_80] : memref<10240x128xf32, #tpu.memory_space<vmem_shared>> -> memref<128x128xf32, #tpu.memory_space<vmem_shared>>
      tpu.enqueue_dma source(%arg5 : memref<128x128xf32, #tpu.memory_space<vmem>>) target(%dma_start3A_81 : memref<128x128xf32, #tpu.memory_space<vmem_shared>>) target_semaphore(%run_scoped3A : memref<!tpu.dma_semaphore, #tpu.memory_space<semaphore_mem>>)
      %dma_wait3A = arith.constant 0 : i32
      %dma_wait3A_82 = tpu.memref_slice %arg6[%add3A_23, %dma_wait3A] : memref<10240x128xf32, #tpu.memory_space<vmem_shared>> -> memref<128x128xf32, #tpu.memory_space<vmem_shared>>
      %dma_wait3A_83 = arith.constant 0 : i32
      %dma_wait3A_84 = tpu.memref_slice %arg6[%add3A_23, %dma_wait3A_83] : memref<10240x128xf32, #tpu.memory_space<vmem_shared>> -> memref<128x128xf32, #tpu.memory_space<vmem_shared>>
      tpu.wait_dma2 semaphore(%run_scoped3A : memref<!tpu.dma_semaphore, #tpu.memory_space<semaphore_mem>>) src(%arg5 : memref<128x128xf32, #tpu.memory_space<vmem>>) dst(%dma_wait3A_84 : memref<128x128xf32, #tpu.memory_space<vmem_shared>>)
      tpu.yield
    }) : () -> ()
    %mul3A_24 = arith.constant 5 : i32
    %mul3A_25 = arith.muli %arg1, %mul3A_24 : i32
    %mul3A_26 = arith.constant 128 : i32
    %mul3A_27 = arith.muli %mul3A_25, %mul3A_26 : i32
    %add3A_28 = arith.constant 384 : i32
    %add3A_29 = arith.addi %mul3A_27, %add3A_28 : i32
    "tpu.region"() ({
      %run_scoped3A = tpu.sem_alloc : memref<!tpu.dma_semaphore, #tpu.memory_space<semaphore_mem>>
      %dma_start3A = arith.constant 0 : i32
      %dma_start3A_79 = tpu.memref_slice %arg6[%add3A_29, %dma_start3A] : memref<10240x128xf32, #tpu.memory_space<vmem_shared>> -> memref<128x128xf32, #tpu.memory_space<vmem_shared>>
      %dma_start3A_80 = arith.constant 0 : i32
      %dma_start3A_81 = tpu.memref_slice %arg6[%add3A_29, %dma_start3A_80] : memref<10240x128xf32, #tpu.memory_space<vmem_shared>> -> memref<128x128xf32, #tpu.memory_space<vmem_shared>>
      tpu.enqueue_dma source(%arg5 : memref<128x128xf32, #tpu.memory_space<vmem>>) target(%dma_start3A_81 : memref<128x128xf32, #tpu.memory_space<vmem_shared>>) target_semaphore(%run_scoped3A : memref<!tpu.dma_semaphore, #tpu.memory_space<semaphore_mem>>)
      %dma_wait3A = arith.constant 0 : i32
      %dma_wait3A_82 = tpu.memref_slice %arg6[%add3A_29, %dma_wait3A] : memref<10240x128xf32, #tpu.memory_space<vmem_shared>> -> memref<128x128xf32, #tpu.memory_space<vmem_shared>>
      %dma_wait3A_83 = arith.constant 0 : i32
      %dma_wait3A_84 = tpu.memref_slice %arg6[%add3A_29, %dma_wait3A_83] : memref<10240x128xf32, #tpu.memory_space<vmem_shared>> -> memref<128x128xf32, #tpu.memory_space<vmem_shared>>
      tpu.wait_dma2 semaphore(%run_scoped3A : memref<!tpu.dma_semaphore, #tpu.memory_space<semaphore_mem>>) src(%arg5 : memref<128x128xf32, #tpu.memory_space<vmem>>) dst(%dma_wait3A_84 : memref<128x128xf32, #tpu.memory_space<vmem_shared>>)
      tpu.yield
    }) : () -> ()
    %mul3A_30 = arith.constant 5 : i32
    %mul3A_31 = arith.muli %arg1, %mul3A_30 : i32
    %mul3A_32 = arith.constant 128 : i32
    %mul3A_33 = arith.muli %mul3A_31, %mul3A_32 : i32
    %add3A_34 = arith.constant 512 : i32
    %add3A_35 = arith.addi %mul3A_33, %add3A_34 : i32
    "tpu.region"() ({
      %run_scoped3A = tpu.sem_alloc : memref<!tpu.dma_semaphore, #tpu.memory_space<semaphore_mem>>
      %dma_start3A = arith.constant 0 : i32
      %dma_start3A_79 = tpu.memref_slice %arg6[%add3A_35, %dma_start3A] : memref<10240x128xf32, #tpu.memory_space<vmem_shared>> -> memref<128x128xf32, #tpu.memory_space<vmem_shared>>
      %dma_start3A_80 = arith.constant 0 : i32
      %dma_start3A_81 = tpu.memref_slice %arg6[%add3A_35, %dma_start3A_80] : memref<10240x128xf32, #tpu.memory_space<vmem_shared>> -> memref<128x128xf32, #tpu.memory_space<vmem_shared>>
      tpu.enqueue_dma source(%arg5 : memref<128x128xf32, #tpu.memory_space<vmem>>) target(%dma_start3A_81 : memref<128x128xf32, #tpu.memory_space<vmem_shared>>) target_semaphore(%run_scoped3A : memref<!tpu.dma_semaphore, #tpu.memory_space<semaphore_mem>>)
      %dma_wait3A = arith.constant 0 : i32
      %dma_wait3A_82 = tpu.memref_slice %arg6[%add3A_35, %dma_wait3A] : memref<10240x128xf32, #tpu.memory_space<vmem_shared>> -> memref<128x128xf32, #tpu.memory_space<vmem_shared>>
      %dma_wait3A_83 = arith.constant 0 : i32
      %dma_wait3A_84 = tpu.memref_slice %arg6[%add3A_35, %dma_wait3A_83] : memref<10240x128xf32, #tpu.memory_space<vmem_shared>> -> memref<128x128xf32, #tpu.memory_space<vmem_shared>>
      tpu.wait_dma2 semaphore(%run_scoped3A : memref<!tpu.dma_semaphore, #tpu.memory_space<semaphore_mem>>) src(%arg5 : memref<128x128xf32, #tpu.memory_space<vmem>>) dst(%dma_wait3A_84 : memref<128x128xf32, #tpu.memory_space<vmem_shared>>)
      tpu.yield
    }) : () -> ()
    %scan3A_36 = arith.constant 0 : i32
    %scan3A_37 = arith.constant 0 : i32
    %scan3A_38 = arith.constant 128 : i32
    %scan3A_39 = arith.addi %scan3A_37, %scan3A_38 : i32
    %scan3A_40 = arith.constant 1 : i32
    scf.for %scan3A_79 = %scan3A_37 to %scan3A_39 step %scan3A_40  : i32 {
      %broadcast_in_dim3A = arith.constant 1.000000e+00 : f32
      %broadcast_in_dim3A_80 = vector.broadcast %broadcast_in_dim3A : f32 to vector<16xf32>
      %swap3A = arith.index_cast %scan3A_79 : i32 to index
      %swap3A_81 = arith.constant 0 : index
      %swap3A_82 = tpu.vector_load %arg5[%swap3A, %swap3A_81] {strides = array<i32>} : memref<128x128xf32, #tpu.memory_space<vmem>>, vector<1x16xf32>,
      %swap3A_83 = vector.shape_cast %swap3A_82 : vector<1x16xf32> to vector<16xf32>
      %swap3A_84 = vector.shape_cast %broadcast_in_dim3A_80 : vector<16xf32> to vector<1x16xf32>
      tpu.vector_store %arg5[%swap3A, %swap3A_81], %swap3A_84 {strides = array<i32>} : memref<128x128xf32, #tpu.memory_space<vmem>>, vector<1x16xf32>,
      %broadcast_in_dim3A_85 = arith.constant 1.000000e+00 : f32
      %broadcast_in_dim3A_86 = vector.broadcast %broadcast_in_dim3A_85 : f32 to vector<16xf32>
      %swap3A_87 = arith.index_cast %scan3A_79 : i32 to index
      %swap3A_88 = arith.constant 16 : index
      %swap3A_89 = tpu.vector_load %arg5[%swap3A_87, %swap3A_88] {strides = array<i32>} : memref<128x128xf32, #tpu.memory_space<vmem>>, vector<1x16xf32>,
      %swap3A_90 = vector.shape_cast %swap3A_89 : vector<1x16xf32> to vector<16xf32>
      %swap3A_91 = vector.shape_cast %broadcast_in_dim3A_86 : vector<16xf32> to vector<1x16xf32>
      tpu.vector_store %arg5[%swap3A_87, %swap3A_88], %swap3A_91 {strides = array<i32>} : memref<128x128xf32, #tpu.memory_space<vmem>>, vector<1x16xf32>,
      %broadcast_in_dim3A_92 = arith.constant 1.000000e+00 : f32
      %broadcast_in_dim3A_93 = vector.broadcast %broadcast_in_dim3A_92 : f32 to vector<16xf32>
      %swap3A_94 = arith.index_cast %scan3A_79 : i32 to index
      %swap3A_95 = arith.constant 32 : index
      %swap3A_96 = tpu.vector_load %arg5[%swap3A_94, %swap3A_95] {strides = array<i32>} : memref<128x128xf32, #tpu.memory_space<vmem>>, vector<1x16xf32>,
      %swap3A_97 = vector.shape_cast %swap3A_96 : vector<1x16xf32> to vector<16xf32>
      %swap3A_98 = vector.shape_cast %broadcast_in_dim3A_93 : vector<16xf32> to vector<1x16xf32>
      tpu.vector_store %arg5[%swap3A_94, %swap3A_95], %swap3A_98 {strides = array<i32>} : memref<128x128xf32, #tpu.memory_space<vmem>>, vector<1x16xf32>,
      %broadcast_in_dim3A_99 = arith.constant 1.000000e+00 : f32
      %broadcast_in_dim3A_100 = vector.broadcast %broadcast_in_dim3A_99 : f32 to vector<16xf32>
      %swap3A_101 = arith.index_cast %scan3A_79 : i32 to index
      %swap3A_102 = arith.constant 48 : index
      %swap3A_103 = tpu.vector_load %arg5[%swap3A_101, %swap3A_102] {strides = array<i32>} : memref<128x128xf32, #tpu.memory_space<vmem>>, vector<1x16xf32>,
      %swap3A_104 = vector.shape_cast %swap3A_103 : vector<1x16xf32> to vector<16xf32>
      %swap3A_105 = vector.shape_cast %broadcast_in_dim3A_100 : vector<16xf32> to vector<1x16xf32>
      tpu.vector_store %arg5[%swap3A_101, %swap3A_102], %swap3A_105 {strides = array<i32>} : memref<128x128xf32, #tpu.memory_space<vmem>>, vector<1x16xf32>,
      %broadcast_in_dim3A_106 = arith.constant 1.000000e+00 : f32
      %broadcast_in_dim3A_107 = vector.broadcast %broadcast_in_dim3A_106 : f32 to vector<16xf32>
      %swap3A_108 = arith.index_cast %scan3A_79 : i32 to index
      %swap3A_109 = arith.constant 64 : index
      %swap3A_110 = tpu.vector_load %arg5[%swap3A_108, %swap3A_109] {strides = array<i32>} : memref<128x128xf32, #tpu.memory_space<vmem>>, vector<1x16xf32>,
      %swap3A_111 = vector.shape_cast %swap3A_110 : vector<1x16xf32> to vector<16xf32>
      %swap3A_112 = vector.shape_cast %broadcast_in_dim3A_107 : vector<16xf32> to vector<1x16xf32>
      tpu.vector_store %arg5[%swap3A_108, %swap3A_109], %swap3A_112 {strides = array<i32>} : memref<128x128xf32, #tpu.memory_space<vmem>>, vector<1x16xf32>,
      %broadcast_in_dim3A_113 = arith.constant 1.000000e+00 : f32
      %broadcast_in_dim3A_114 = vector.broadcast %broadcast_in_dim3A_113 : f32 to vector<16xf32>
      %swap3A_115 = arith.index_cast %scan3A_79 : i32 to index
      %swap3A_116 = arith.constant 80 : index
      %swap3A_117 = tpu.vector_load %arg5[%swap3A_115, %swap3A_116] {strides = array<i32>} : memref<128x128xf32, #tpu.memory_space<vmem>>, vector<1x16xf32>,
      %swap3A_118 = vector.shape_cast %swap3A_117 : vector<1x16xf32> to vector<16xf32>
      %swap3A_119 = vector.shape_cast %broadcast_in_dim3A_114 : vector<16xf32> to vector<1x16xf32>
      tpu.vector_store %arg5[%swap3A_115, %swap3A_116], %swap3A_119 {strides = array<i32>} : memref<128x128xf32, #tpu.memory_space<vmem>>, vector<1x16xf32>,
      %broadcast_in_dim3A_120 = arith.constant 1.000000e+00 : f32
      %broadcast_in_dim3A_121 = vector.broadcast %broadcast_in_dim3A_120 : f32 to vector<16xf32>
      %swap3A_122 = arith.index_cast %scan3A_79 : i32 to index
      %swap3A_123 = arith.constant 96 : index
      %swap3A_124 = tpu.vector_load %arg5[%swap3A_122, %swap3A_123] {strides = array<i32>} : memref<128x128xf32, #tpu.memory_space<vmem>>, vector<1x16xf32>,
      %swap3A_125 = vector.shape_cast %swap3A_124 : vector<1x16xf32> to vector<16xf32>
      %swap3A_126 = vector.shape_cast %broadcast_in_dim3A_121 : vector<16xf32> to vector<1x16xf32>
      tpu.vector_store %arg5[%swap3A_122, %swap3A_123], %swap3A_126 {strides = array<i32>} : memref<128x128xf32, #tpu.memory_space<vmem>>, vector<1x16xf32>,
      %broadcast_in_dim3A_127 = arith.constant 1.000000e+00 : f32
      %broadcast_in_dim3A_128 = vector.broadcast %broadcast_in_dim3A_127 : f32 to vector<16xf32>
      %swap3A_129 = arith.index_cast %scan3A_79 : i32 to index
      %swap3A_130 = arith.constant 112 : index
      %swap3A_131 = tpu.vector_load %arg5[%swap3A_129, %swap3A_130] {strides = array<i32>} : memref<128x128xf32, #tpu.memory_space<vmem>>, vector<1x16xf32>,
      %swap3A_132 = vector.shape_cast %swap3A_131 : vector<1x16xf32> to vector<16xf32>
      %swap3A_133 = vector.shape_cast %broadcast_in_dim3A_128 : vector<16xf32> to vector<1x16xf32>
      tpu.vector_store %arg5[%swap3A_129, %swap3A_130], %swap3A_133 {strides = array<i32>} : memref<128x128xf32, #tpu.memory_space<vmem>>, vector<1x16xf32>,
    }
    %scan3A_41 = arith.constant 128 : i32
    "tpu.region"() ({
      %run_scoped3A = tpu.sem_alloc : memref<!tpu.dma_semaphore, #tpu.memory_space<semaphore_mem>>
      %dma_start3A = arith.constant 0 : i32
      %dma_start3A_79 = arith.constant 0 : i32
      %dma_start3A_80 = tpu.memref_slice %arg2[%add3A, %dma_start3A, %dma_start3A_79] : memref<32x79x128xi32, #tpu.memory_space<hbm>> -> memref<1x79x128xi32, #tpu.memory_space<hbm>>
      %dma_start3A_81 = tpu.memref_squeeze %dma_start3A_80 : memref<1x79x128xi32, #tpu.memory_space<hbm>> -> memref<79x128xi32, #tpu.memory_space<hbm>>
      %dma_start3A_82 = arith.constant 0 : i32
      %dma_start3A_83 = arith.constant 0 : i32
      %dma_start3A_84 = tpu.memref_slice %arg2[%add3A, %dma_start3A_82, %dma_start3A_83] : memref<32x79x128xi32, #tpu.memory_space<hbm>> -> memref<1x79x128xi32, #tpu.memory_space<hbm>>
      %dma_start3A_85 = tpu.memref_squeeze %dma_start3A_84 : memref<1x79x128xi32, #tpu.memory_space<hbm>> -> memref<79x128xi32, #tpu.memory_space<hbm>>
      tpu.enqueue_dma source(%dma_start3A_85 : memref<79x128xi32, #tpu.memory_space<hbm>>) target(%arg4 : memref<79x128xi32, #tpu.memory_space<vmem>>) target_semaphore(%run_scoped3A : memref<!tpu.dma_semaphore, #tpu.memory_space<semaphore_mem>>)
      %dma_wait3A = arith.constant 0 : i32
      %dma_wait3A_86 = arith.constant 0 : i32
      %dma_wait3A_87 = tpu.memref_slice %arg2[%add3A, %dma_wait3A, %dma_wait3A_86] : memref<32x79x128xi32, #tpu.memory_space<hbm>> -> memref<1x79x128xi32, #tpu.memory_space<hbm>>
      %dma_wait3A_88 = tpu.memref_squeeze %dma_wait3A_87 : memref<1x79x128xi32, #tpu.memory_space<hbm>> -> memref<79x128xi32, #tpu.memory_space<hbm>>
      %dma_wait3A_89 = arith.constant 0 : i32
      %dma_wait3A_90 = arith.constant 0 : i32
      %dma_wait3A_91 = tpu.memref_slice %arg2[%add3A, %dma_wait3A_89, %dma_wait3A_90] : memref<32x79x128xi32, #tpu.memory_space<hbm>> -> memref<1x79x128xi32, #tpu.memory_space<hbm>>
      %dma_wait3A_92 = tpu.memref_squeeze %dma_wait3A_91 : memref<1x79x128xi32, #tpu.memory_space<hbm>> -> memref<79x128xi32, #tpu.memory_space<hbm>>
      tpu.wait_dma2 semaphore(%run_scoped3A : memref<!tpu.dma_semaphore, #tpu.memory_space<semaphore_mem>>) src(%dma_wait3A_92 : memref<79x128xi32, #tpu.memory_space<hbm>>) dst(%arg4 : memref<79x128xi32, #tpu.memory_space<vmem>>)
      tpu.yield
    }) : () -> ()
    %barrier3A = arith.constant 0 : index
    tpu.barrier barrier_id(%barrier3A)
    %scan3A_42 = arith.constant 0 : i32
    %scan3A_43 = arith.constant 0 : i32
    %scan3A_44 = arith.constant 79 : i32
    %scan3A_45 = arith.addi %scan3A_43, %scan3A_44 : i32
    %scan3A_46 = arith.constant 1 : i32
    scf.for %scan3A_79 = %scan3A_43 to %scan3A_45 step %scan3A_46  : i32 {
      "tpu.region"() ({
        %run_scoped3A = tpu.sem_alloc : memref<!tpu.dma_semaphore, #tpu.memory_space<semaphore_mem>>
        %dma_start3A = arith.constant 0 : i32
        %dma_start3A_80 = tpu.memref_slice %arg4[%scan3A_79, %dma_start3A] : memref<79x128xi32, #tpu.memory_space<vmem>> -> memref<1x128xi32, #tpu.memory_space<vmem>>
        %dma_start3A_81 = tpu.memref_squeeze %dma_start3A_80 : memref<1x128xi32, #tpu.memory_space<vmem>> -> memref<128xi32, #tpu.memory_space<vmem>>
        %dma_start3A_82 = arith.constant 0 : i32
        %dma_start3A_83 = arith.constant 0 : i32
        %dma_start3A_84 = tpu.memref_slice %arg6[%dma_start3A_82, %dma_start3A_83] : memref<10240x128xf32, #tpu.memory_space<vmem_shared>> -> memref<10240x128xf32, #tpu.memory_space<vmem_shared>>
        tpu.enqueue_indirect_dma source(%arg5 : memref<128x128xf32, #tpu.memory_space<vmem>>) target(%dma_start3A_84 : memref<10240x128xf32, #tpu.memory_space<vmem_shared>>) offsets(%dma_start3A_81 : memref<128xi32, #tpu.memory_space<vmem>>) semaphore(%run_scoped3A : memref<!tpu.dma_semaphore, #tpu.memory_space<semaphore_mem>>) {add = true}
        %dma_wait3A = arith.constant 0 : i32
        %dma_wait3A_85 = tpu.memref_slice %arg4[%scan3A_79, %dma_wait3A] : memref<79x128xi32, #tpu.memory_space<vmem>> -> memref<1x128xi32, #tpu.memory_space<vmem>>
        %dma_wait3A_86 = tpu.memref_squeeze %dma_wait3A_85 : memref<1x128xi32, #tpu.memory_space<vmem>> -> memref<128xi32, #tpu.memory_space<vmem>>
        %dma_wait3A_87 = arith.constant 0 : i32
        %dma_wait3A_88 = arith.constant 0 : i32
        %dma_wait3A_89 = tpu.memref_slice %arg6[%dma_wait3A_87, %dma_wait3A_88] : memref<10240x128xf32, #tpu.memory_space<vmem_shared>> -> memref<10240x128xf32, #tpu.memory_space<vmem_shared>>
        tpu.wait_indirect_dma semaphore(%run_scoped3A : memref<!tpu.dma_semaphore, #tpu.memory_space<semaphore_mem>>) src(%arg5 : memref<128x128xf32, #tpu.memory_space<vmem>>) dst(%dma_wait3A_89 : memref<10240x128xf32, #tpu.memory_space<vmem_shared>>)
        tpu.yield
      }) : () -> ()
    }
    %scan3A_47 = arith.constant 79 : i32
    %barrier3A_48 = arith.constant 0 : index
    tpu.barrier barrier_id(%barrier3A_48)
    %mul3A_49 = arith.constant 5 : i32
    %mul3A_50 = arith.muli %arg1, %mul3A_49 : i32
    %mul3A_51 = arith.constant 128 : i32
    %mul3A_52 = arith.muli %mul3A_50, %mul3A_51 : i32
    %add3A_53 = arith.constant 0 : i32
    %add3A_54 = arith.addi %mul3A_52, %add3A_53 : i32
    "tpu.region"() ({
      %run_scoped3A = tpu.sem_alloc : memref<!tpu.dma_semaphore, #tpu.memory_space<semaphore_mem>>
      %dma_start3A = arith.constant 0 : i32
      %dma_start3A_79 = tpu.memref_slice %arg6[%add3A_54, %dma_start3A] : memref<10240x128xf32, #tpu.memory_space<vmem_shared>> -> memref<128x128xf32, #tpu.memory_space<vmem_shared>>
      %dma_start3A_80 = arith.constant 0 : i32
      %dma_start3A_81 = tpu.memref_slice %arg6[%add3A_54, %dma_start3A_80] : memref<10240x128xf32, #tpu.memory_space<vmem_shared>> -> memref<128x128xf32, #tpu.memory_space<vmem_shared>>
      tpu.enqueue_dma source(%dma_start3A_81 : memref<128x128xf32, #tpu.memory_space<vmem_shared>>) target(%arg5 : memref<128x128xf32, #tpu.memory_space<vmem>>) target_semaphore(%run_scoped3A : memref<!tpu.dma_semaphore, #tpu.memory_space<semaphore_mem>>)
      %dma_wait3A = arith.constant 0 : i32
      %dma_wait3A_82 = tpu.memref_slice %arg6[%add3A_54, %dma_wait3A] : memref<10240x128xf32, #tpu.memory_space<vmem_shared>> -> memref<128x128xf32, #tpu.memory_space<vmem_shared>>
      %dma_wait3A_83 = arith.constant 0 : i32
      %dma_wait3A_84 = tpu.memref_slice %arg6[%add3A_54, %dma_wait3A_83] : memref<10240x128xf32, #tpu.memory_space<vmem_shared>> -> memref<128x128xf32, #tpu.memory_space<vmem_shared>>
      tpu.wait_dma2 semaphore(%run_scoped3A : memref<!tpu.dma_semaphore, #tpu.memory_space<semaphore_mem>>) src(%dma_wait3A_84 : memref<128x128xf32, #tpu.memory_space<vmem_shared>>) dst(%arg5 : memref<128x128xf32, #tpu.memory_space<vmem>>)
      tpu.yield
    }) : () -> ()
    "tpu.region"() ({
      %run_scoped3A = tpu.sem_alloc : memref<!tpu.dma_semaphore, #tpu.memory_space<semaphore_mem>>
      %dma_start3A = arith.constant 0 : i32
      %dma_start3A_79 = tpu.memref_slice %arg3[%arg0, %add3A_54, %dma_start3A] : memref<2x10240x128xf32, #tpu.memory_space<hbm>> -> memref<1x128x128xf32, #tpu.memory_space<hbm>>
      %dma_start3A_80 = tpu.memref_squeeze %dma_start3A_79 : memref<1x128x128xf32, #tpu.memory_space<hbm>> -> memref<128x128xf32, #tpu.memory_space<hbm>>
      %dma_start3A_81 = arith.constant 0 : i32
      %dma_start3A_82 = tpu.memref_slice %arg3[%arg0, %add3A_54, %dma_start3A_81] : memref<2x10240x128xf32, #tpu.memory_space<hbm>> -> memref<1x128x128xf32, #tpu.memory_space<hbm>>
      %dma_start3A_83 = tpu.memref_squeeze %dma_start3A_82 : memref<1x128x128xf32, #tpu.memory_space<hbm>> -> memref<128x128xf32, #tpu.memory_space<hbm>>
      tpu.enqueue_dma source(%arg5 : memref<128x128xf32, #tpu.memory_space<vmem>>) target(%dma_start3A_83 : memref<128x128xf32, #tpu.memory_space<hbm>>) target_semaphore(%run_scoped3A : memref<!tpu.dma_semaphore, #tpu.memory_space<semaphore_mem>>)
      %dma_wait3A = arith.constant 0 : i32
      %dma_wait3A_84 = tpu.memref_slice %arg3[%arg0, %add3A_54, %dma_wait3A] : memref<2x10240x128xf32, #tpu.memory_space<hbm>> -> memref<1x128x128xf32, #tpu.memory_space<hbm>>
      %dma_wait3A_85 = tpu.memref_squeeze %dma_wait3A_84 : memref<1x128x128xf32, #tpu.memory_space<hbm>> -> memref<128x128xf32, #tpu.memory_space<hbm>>
      %dma_wait3A_86 = arith.constant 0 : i32
      %dma_wait3A_87 = tpu.memref_slice %arg3[%arg0, %add3A_54, %dma_wait3A_86] : memref<2x10240x128xf32, #tpu.memory_space<hbm>> -> memref<1x128x128xf32, #tpu.memory_space<hbm>>
      %dma_wait3A_88 = tpu.memref_squeeze %dma_wait3A_87 : memref<1x128x128xf32, #tpu.memory_space<hbm>> -> memref<128x128xf32, #tpu.memory_space<hbm>>
      tpu.wait_dma2 semaphore(%run_scoped3A : memref<!tpu.dma_semaphore, #tpu.memory_space<semaphore_mem>>) src(%arg5 : memref<128x128xf32, #tpu.memory_space<vmem>>) dst(%dma_wait3A_88 : memref<128x128xf32, #tpu.memory_space<hbm>>)
      tpu.yield
    }) : () -> ()
    %mul3A_55 = arith.constant 5 : i32
    %mul3A_56 = arith.muli %arg1, %mul3A_55 : i32
    %mul3A_57 = arith.constant 128 : i32
    %mul3A_58 = arith.muli %mul3A_56, %mul3A_57 : i32
    %add3A_59 = arith.constant 128 : i32
    %add3A_60 = arith.addi %mul3A_58, %add3A_59 : i32
    "tpu.region"() ({
      %run_scoped3A = tpu.sem_alloc : memref<!tpu.dma_semaphore, #tpu.memory_space<semaphore_mem>>
      %dma_start3A = arith.constant 0 : i32
      %dma_start3A_79 = tpu.memref_slice %arg6[%add3A_60, %dma_start3A] : memref<10240x128xf32, #tpu.memory_space<vmem_shared>> -> memref<128x128xf32, #tpu.memory_space<vmem_shared>>
      %dma_start3A_80 = arith.constant 0 : i32
      %dma_start3A_81 = tpu.memref_slice %arg6[%add3A_60, %dma_start3A_80] : memref<10240x128xf32, #tpu.memory_space<vmem_shared>> -> memref<128x128xf32, #tpu.memory_space<vmem_shared>>
      tpu.enqueue_dma source(%dma_start3A_81 : memref<128x128xf32, #tpu.memory_space<vmem_shared>>) target(%arg5 : memref<128x128xf32, #tpu.memory_space<vmem>>) target_semaphore(%run_scoped3A : memref<!tpu.dma_semaphore, #tpu.memory_space<semaphore_mem>>)
      %dma_wait3A = arith.constant 0 : i32
      %dma_wait3A_82 = tpu.memref_slice %arg6[%add3A_60, %dma_wait3A] : memref<10240x128xf32, #tpu.memory_space<vmem_shared>> -> memref<128x128xf32, #tpu.memory_space<vmem_shared>>
      %dma_wait3A_83 = arith.constant 0 : i32
      %dma_wait3A_84 = tpu.memref_slice %arg6[%add3A_60, %dma_wait3A_83] : memref<10240x128xf32, #tpu.memory_space<vmem_shared>> -> memref<128x128xf32, #tpu.memory_space<vmem_shared>>
      tpu.wait_dma2 semaphore(%run_scoped3A : memref<!tpu.dma_semaphore, #tpu.memory_space<semaphore_mem>>) src(%dma_wait3A_84 : memref<128x128xf32, #tpu.memory_space<vmem_shared>>) dst(%arg5 : memref<128x128xf32, #tpu.memory_space<vmem>>)
      tpu.yield
    }) : () -> ()
    "tpu.region"() ({
      %run_scoped3A = tpu.sem_alloc : memref<!tpu.dma_semaphore, #tpu.memory_space<semaphore_mem>>
      %dma_start3A = arith.constant 0 : i32
      %dma_start3A_79 = tpu.memref_slice %arg3[%arg0, %add3A_60, %dma_start3A] : memref<2x10240x128xf32, #tpu.memory_space<hbm>> -> memref<1x128x128xf32, #tpu.memory_space<hbm>>
      %dma_start3A_80 = tpu.memref_squeeze %dma_start3A_79 : memref<1x128x128xf32, #tpu.memory_space<hbm>> -> memref<128x128xf32, #tpu.memory_space<hbm>>
      %dma_start3A_81 = arith.constant 0 : i32
      %dma_start3A_82 = tpu.memref_slice %arg3[%arg0, %add3A_60, %dma_start3A_81] : memref<2x10240x128xf32, #tpu.memory_space<hbm>> -> memref<1x128x128xf32, #tpu.memory_space<hbm>>
      %dma_start3A_83 = tpu.memref_squeeze %dma_start3A_82 : memref<1x128x128xf32, #tpu.memory_space<hbm>> -> memref<128x128xf32, #tpu.memory_space<hbm>>
      tpu.enqueue_dma source(%arg5 : memref<128x128xf32, #tpu.memory_space<vmem>>) target(%dma_start3A_83 : memref<128x128xf32, #tpu.memory_space<hbm>>) target_semaphore(%run_scoped3A : memref<!tpu.dma_semaphore, #tpu.memory_space<semaphore_mem>>)
      %dma_wait3A = arith.constant 0 : i32
      %dma_wait3A_84 = tpu.memref_slice %arg3[%arg0, %add3A_60, %dma_wait3A] : memref<2x10240x128xf32, #tpu.memory_space<hbm>> -> memref<1x128x128xf32, #tpu.memory_space<hbm>>
      %dma_wait3A_85 = tpu.memref_squeeze %dma_wait3A_84 : memref<1x128x128xf32, #tpu.memory_space<hbm>> -> memref<128x128xf32, #tpu.memory_space<hbm>>
      %dma_wait3A_86 = arith.constant 0 : i32
      %dma_wait3A_87 = tpu.memref_slice %arg3[%arg0, %add3A_60, %dma_wait3A_86] : memref<2x10240x128xf32, #tpu.memory_space<hbm>> -> memref<1x128x128xf32, #tpu.memory_space<hbm>>
      %dma_wait3A_88 = tpu.memref_squeeze %dma_wait3A_87 : memref<1x128x128xf32, #tpu.memory_space<hbm>> -> memref<128x128xf32, #tpu.memory_space<hbm>>
      tpu.wait_dma2 semaphore(%run_scoped3A : memref<!tpu.dma_semaphore, #tpu.memory_space<semaphore_mem>>) src(%arg5 : memref<128x128xf32, #tpu.memory_space<vmem>>) dst(%dma_wait3A_88 : memref<128x128xf32, #tpu.memory_space<hbm>>)
      tpu.yield
    }) : () -> ()
    %mul3A_61 = arith.constant 5 : i32
    %mul3A_62 = arith.muli %arg1, %mul3A_61 : i32
    %mul3A_63 = arith.constant 128 : i32
    %mul3A_64 = arith.muli %mul3A_62, %mul3A_63 : i32
    %add3A_65 = arith.constant 256 : i32
    %add3A_66 = arith.addi %mul3A_64, %add3A_65 : i32
    "tpu.region"() ({
      %run_scoped3A = tpu.sem_alloc : memref<!tpu.dma_semaphore, #tpu.memory_space<semaphore_mem>>
      %dma_start3A = arith.constant 0 : i32
      %dma_start3A_79 = tpu.memref_slice %arg6[%add3A_66, %dma_start3A] : memref<10240x128xf32, #tpu.memory_space<vmem_shared>> -> memref<128x128xf32, #tpu.memory_space<vmem_shared>>
      %dma_start3A_80 = arith.constant 0 : i32
      %dma_start3A_81 = tpu.memref_slice %arg6[%add3A_66, %dma_start3A_80] : memref<10240x128xf32, #tpu.memory_space<vmem_shared>> -> memref<128x128xf32, #tpu.memory_space<vmem_shared>>
      tpu.enqueue_dma source(%dma_start3A_81 : memref<128x128xf32, #tpu.memory_space<vmem_shared>>) target(%arg5 : memref<128x128xf32, #tpu.memory_space<vmem>>) target_semaphore(%run_scoped3A : memref<!tpu.dma_semaphore, #tpu.memory_space<semaphore_mem>>)
      %dma_wait3A = arith.constant 0 : i32
      %dma_wait3A_82 = tpu.memref_slice %arg6[%add3A_66, %dma_wait3A] : memref<10240x128xf32, #tpu.memory_space<vmem_shared>> -> memref<128x128xf32, #tpu.memory_space<vmem_shared>>
      %dma_wait3A_83 = arith.constant 0 : i32
      %dma_wait3A_84 = tpu.memref_slice %arg6[%add3A_66, %dma_wait3A_83] : memref<10240x128xf32, #tpu.memory_space<vmem_shared>> -> memref<128x128xf32, #tpu.memory_space<vmem_shared>>
      tpu.wait_dma2 semaphore(%run_scoped3A : memref<!tpu.dma_semaphore, #tpu.memory_space<semaphore_mem>>) src(%dma_wait3A_84 : memref<128x128xf32, #tpu.memory_space<vmem_shared>>) dst(%arg5 : memref<128x128xf32, #tpu.memory_space<vmem>>)
      tpu.yield
    }) : () -> ()
    "tpu.region"() ({
      %run_scoped3A = tpu.sem_alloc : memref<!tpu.dma_semaphore, #tpu.memory_space<semaphore_mem>>
      %dma_start3A = arith.constant 0 : i32
      %dma_start3A_79 = tpu.memref_slice %arg3[%arg0, %add3A_66, %dma_start3A] : memref<2x10240x128xf32, #tpu.memory_space<hbm>> -> memref<1x128x128xf32, #tpu.memory_space<hbm>>
      %dma_start3A_80 = tpu.memref_squeeze %dma_start3A_79 : memref<1x128x128xf32, #tpu.memory_space<hbm>> -> memref<128x128xf32, #tpu.memory_space<hbm>>
      %dma_start3A_81 = arith.constant 0 : i32
      %dma_start3A_82 = tpu.memref_slice %arg3[%arg0, %add3A_66, %dma_start3A_81] : memref<2x10240x128xf32, #tpu.memory_space<hbm>> -> memref<1x128x128xf32, #tpu.memory_space<hbm>>
      %dma_start3A_83 = tpu.memref_squeeze %dma_start3A_82 : memref<1x128x128xf32, #tpu.memory_space<hbm>> -> memref<128x128xf32, #tpu.memory_space<hbm>>
      tpu.enqueue_dma source(%arg5 : memref<128x128xf32, #tpu.memory_space<vmem>>) target(%dma_start3A_83 : memref<128x128xf32, #tpu.memory_space<hbm>>) target_semaphore(%run_scoped3A : memref<!tpu.dma_semaphore, #tpu.memory_space<semaphore_mem>>)
      %dma_wait3A = arith.constant 0 : i32
      %dma_wait3A_84 = tpu.memref_slice %arg3[%arg0, %add3A_66, %dma_wait3A] : memref<2x10240x128xf32, #tpu.memory_space<hbm>> -> memref<1x128x128xf32, #tpu.memory_space<hbm>>
      %dma_wait3A_85 = tpu.memref_squeeze %dma_wait3A_84 : memref<1x128x128xf32, #tpu.memory_space<hbm>> -> memref<128x128xf32, #tpu.memory_space<hbm>>
      %dma_wait3A_86 = arith.constant 0 : i32
      %dma_wait3A_87 = tpu.memref_slice %arg3[%arg0, %add3A_66, %dma_wait3A_86] : memref<2x10240x128xf32, #tpu.memory_space<hbm>> -> memref<1x128x128xf32, #tpu.memory_space<hbm>>
      %dma_wait3A_88 = tpu.memref_squeeze %dma_wait3A_87 : memref<1x128x128xf32, #tpu.memory_space<hbm>> -> memref<128x128xf32, #tpu.memory_space<hbm>>
      tpu.wait_dma2 semaphore(%run_scoped3A : memref<!tpu.dma_semaphore, #tpu.memory_space<semaphore_mem>>) src(%arg5 : memref<128x128xf32, #tpu.memory_space<vmem>>) dst(%dma_wait3A_88 : memref<128x128xf32, #tpu.memory_space<hbm>>)
      tpu.yield
    }) : () -> ()
    %mul3A_67 = arith.constant 5 : i32
    %mul3A_68 = arith.muli %arg1, %mul3A_67 : i32
    %mul3A_69 = arith.constant 128 : i32
    %mul3A_70 = arith.muli %mul3A_68, %mul3A_69 : i32
    %add3A_71 = arith.constant 384 : i32
    %add3A_72 = arith.addi %mul3A_70, %add3A_71 : i32
    "tpu.region"() ({
      %run_scoped3A = tpu.sem_alloc : memref<!tpu.dma_semaphore, #tpu.memory_space<semaphore_mem>>
      %dma_start3A = arith.constant 0 : i32
      %dma_start3A_79 = tpu.memref_slice %arg6[%add3A_72, %dma_start3A] : memref<10240x128xf32, #tpu.memory_space<vmem_shared>> -> memref<128x128xf32, #tpu.memory_space<vmem_shared>>
      %dma_start3A_80 = arith.constant 0 : i32
      %dma_start3A_81 = tpu.memref_slice %arg6[%add3A_72, %dma_start3A_80] : memref<10240x128xf32, #tpu.memory_space<vmem_shared>> -> memref<128x128xf32, #tpu.memory_space<vmem_shared>>
      tpu.enqueue_dma source(%dma_start3A_81 : memref<128x128xf32, #tpu.memory_space<vmem_shared>>) target(%arg5 : memref<128x128xf32, #tpu.memory_space<vmem>>) target_semaphore(%run_scoped3A : memref<!tpu.dma_semaphore, #tpu.memory_space<semaphore_mem>>)
      %dma_wait3A = arith.constant 0 : i32
      %dma_wait3A_82 = tpu.memref_slice %arg6[%add3A_72, %dma_wait3A] : memref<10240x128xf32, #tpu.memory_space<vmem_shared>> -> memref<128x128xf32, #tpu.memory_space<vmem_shared>>
      %dma_wait3A_83 = arith.constant 0 : i32
      %dma_wait3A_84 = tpu.memref_slice %arg6[%add3A_72, %dma_wait3A_83] : memref<10240x128xf32, #tpu.memory_space<vmem_shared>> -> memref<128x128xf32, #tpu.memory_space<vmem_shared>>
      tpu.wait_dma2 semaphore(%run_scoped3A : memref<!tpu.dma_semaphore, #tpu.memory_space<semaphore_mem>>) src(%dma_wait3A_84 : memref<128x128xf32, #tpu.memory_space<vmem_shared>>) dst(%arg5 : memref<128x128xf32, #tpu.memory_space<vmem>>)
      tpu.yield
    }) : () -> ()
    "tpu.region"() ({
      %run_scoped3A = tpu.sem_alloc : memref<!tpu.dma_semaphore, #tpu.memory_space<semaphore_mem>>
      %dma_start3A = arith.constant 0 : i32
      %dma_start3A_79 = tpu.memref_slice %arg3[%arg0, %add3A_72, %dma_start3A] : memref<2x10240x128xf32, #tpu.memory_space<hbm>> -> memref<1x128x128xf32, #tpu.memory_space<hbm>>
      %dma_start3A_80 = tpu.memref_squeeze %dma_start3A_79 : memref<1x128x128xf32, #tpu.memory_space<hbm>> -> memref<128x128xf32, #tpu.memory_space<hbm>>
      %dma_start3A_81 = arith.constant 0 : i32
      %dma_start3A_82 = tpu.memref_slice %arg3[%arg0, %add3A_72, %dma_start3A_81] : memref<2x10240x128xf32, #tpu.memory_space<hbm>> -> memref<1x128x128xf32, #tpu.memory_space<hbm>>
      %dma_start3A_83 = tpu.memref_squeeze %dma_start3A_82 : memref<1x128x128xf32, #tpu.memory_space<hbm>> -> memref<128x128xf32, #tpu.memory_space<hbm>>
      tpu.enqueue_dma source(%arg5 : memref<128x128xf32, #tpu.memory_space<vmem>>) target(%dma_start3A_83 : memref<128x128xf32, #tpu.memory_space<hbm>>) target_semaphore(%run_scoped3A : memref<!tpu.dma_semaphore, #tpu.memory_space<semaphore_mem>>)
      %dma_wait3A = arith.constant 0 : i32
      %dma_wait3A_84 = tpu.memref_slice %arg3[%arg0, %add3A_72, %dma_wait3A] : memref<2x10240x128xf32, #tpu.memory_space<hbm>> -> memref<1x128x128xf32, #tpu.memory_space<hbm>>
      %dma_wait3A_85 = tpu.memref_squeeze %dma_wait3A_84 : memref<1x128x128xf32, #tpu.memory_space<hbm>> -> memref<128x128xf32, #tpu.memory_space<hbm>>
      %dma_wait3A_86 = arith.constant 0 : i32
      %dma_wait3A_87 = tpu.memref_slice %arg3[%arg0, %add3A_72, %dma_wait3A_86] : memref<2x10240x128xf32, #tpu.memory_space<hbm>> -> memref<1x128x128xf32, #tpu.memory_space<hbm>>
      %dma_wait3A_88 = tpu.memref_squeeze %dma_wait3A_87 : memref<1x128x128xf32, #tpu.memory_space<hbm>> -> memref<128x128xf32, #tpu.memory_space<hbm>>
      tpu.wait_dma2 semaphore(%run_scoped3A : memref<!tpu.dma_semaphore, #tpu.memory_space<semaphore_mem>>) src(%arg5 : memref<128x128xf32, #tpu.memory_space<vmem>>) dst(%dma_wait3A_88 : memref<128x128xf32, #tpu.memory_space<hbm>>)
      tpu.yield
    }) : () -> ()
    %mul3A_73 = arith.constant 5 : i32
    %mul3A_74 = arith.muli %arg1, %mul3A_73 : i32
    %mul3A_75 = arith.constant 128 : i32
    %mul3A_76 = arith.muli %mul3A_74, %mul3A_75 : i32
    %add3A_77 = arith.constant 512 : i32
    %add3A_78 = arith.addi %mul3A_76, %add3A_77 : i32
    "tpu.region"() ({
      %run_scoped3A = tpu.sem_alloc : memref<!tpu.dma_semaphore, #tpu.memory_space<semaphore_mem>>
      %dma_start3A = arith.constant 0 : i32
      %dma_start3A_79 = tpu.memref_slice %arg6[%add3A_78, %dma_start3A] : memref<10240x128xf32, #tpu.memory_space<vmem_shared>> -> memref<128x128xf32, #tpu.memory_space<vmem_shared>>
      %dma_start3A_80 = arith.constant 0 : i32
      %dma_start3A_81 = tpu.memref_slice %arg6[%add3A_78, %dma_start3A_80] : memref<10240x128xf32, #tpu.memory_space<vmem_shared>> -> memref<128x128xf32, #tpu.memory_space<vmem_shared>>
      tpu.enqueue_dma source(%dma_start3A_81 : memref<128x128xf32, #tpu.memory_space<vmem_shared>>) target(%arg5 : memref<128x128xf32, #tpu.memory_space<vmem>>) target_semaphore(%run_scoped3A : memref<!tpu.dma_semaphore, #tpu.memory_space<semaphore_mem>>)
      %dma_wait3A = arith.constant 0 : i32
      %dma_wait3A_82 = tpu.memref_slice %arg6[%add3A_78, %dma_wait3A] : memref<10240x128xf32, #tpu.memory_space<vmem_shared>> -> memref<128x128xf32, #tpu.memory_space<vmem_shared>>
      %dma_wait3A_83 = arith.constant 0 : i32
      %dma_wait3A_84 = tpu.memref_slice %arg6[%add3A_78, %dma_wait3A_83] : memref<10240x128xf32, #tpu.memory_space<vmem_shared>> -> memref<128x128xf32, #tpu.memory_space<vmem_shared>>
      tpu.wait_dma2 semaphore(%run_scoped3A : memref<!tpu.dma_semaphore, #tpu.memory_space<semaphore_mem>>) src(%dma_wait3A_84 : memref<128x128xf32, #tpu.memory_space<vmem_shared>>) dst(%arg5 : memref<128x128xf32, #tpu.memory_space<vmem>>)
      tpu.yield
    }) : () -> ()
    "tpu.region"() ({
      %run_scoped3A = tpu.sem_alloc : memref<!tpu.dma_semaphore, #tpu.memory_space<semaphore_mem>>
      %dma_start3A = arith.constant 0 : i32
      %dma_start3A_79 = tpu.memref_slice %arg3[%arg0, %add3A_78, %dma_start3A] : memref<2x10240x128xf32, #tpu.memory_space<hbm>> -> memref<1x128x128xf32, #tpu.memory_space<hbm>>
      %dma_start3A_80 = tpu.memref_squeeze %dma_start3A_79 : memref<1x128x128xf32, #tpu.memory_space<hbm>> -> memref<128x128xf32, #tpu.memory_space<hbm>>
      %dma_start3A_81 = arith.constant 0 : i32
      %dma_start3A_82 = tpu.memref_slice %arg3[%arg0, %add3A_78, %dma_start3A_81] : memref<2x10240x128xf32, #tpu.memory_space<hbm>> -> memref<1x128x128xf32, #tpu.memory_space<hbm>>
      %dma_start3A_83 = tpu.memref_squeeze %dma_start3A_82 : memref<1x128x128xf32, #tpu.memory_space<hbm>> -> memref<128x128xf32, #tpu.memory_space<hbm>>
      tpu.enqueue_dma source(%arg5 : memref<128x128xf32, #tpu.memory_space<vmem>>) target(%dma_start3A_83 : memref<128x128xf32, #tpu.memory_space<hbm>>) target_semaphore(%run_scoped3A : memref<!tpu.dma_semaphore, #tpu.memory_space<semaphore_mem>>)
      %dma_wait3A = arith.constant 0 : i32
      %dma_wait3A_84 = tpu.memref_slice %arg3[%arg0, %add3A_78, %dma_wait3A] : memref<2x10240x128xf32, #tpu.memory_space<hbm>> -> memref<1x128x128xf32, #tpu.memory_space<hbm>>
      %dma_wait3A_85 = tpu.memref_squeeze %dma_wait3A_84 : memref<1x128x128xf32, #tpu.memory_space<hbm>> -> memref<128x128xf32, #tpu.memory_space<hbm>>
      %dma_wait3A_86 = arith.constant 0 : i32
      %dma_wait3A_87 = tpu.memref_slice %arg3[%arg0, %add3A_78, %dma_wait3A_86] : memref<2x10240x128xf32, #tpu.memory_space<hbm>> -> memref<1x128x128xf32, #tpu.memory_space<hbm>>
      %dma_wait3A_88 = tpu.memref_squeeze %dma_wait3A_87 : memref<1x128x128xf32, #tpu.memory_space<hbm>> -> memref<128x128xf32, #tpu.memory_space<hbm>>
      tpu.wait_dma2 semaphore(%run_scoped3A : memref<!tpu.dma_semaphore, #tpu.memory_space<semaphore_mem>>) src(%arg5 : memref<128x128xf32, #tpu.memory_space<vmem>>) dst(%dma_wait3A_88 : memref<128x128xf32, #tpu.memory_space<hbm>>)
      tpu.yield
    }) : () -> ()
    return
  }
}

#map = affine_map<(d0, d1) -> (0, 0)>
#map1 = affine_map<(d0, d1) -> (0, 0, 0)>
module attributes {stable_mosaic.version = 14 : i64} {
  func.func @k(%arg0: i32, %arg1: i32, %arg2: memref<10000x128xf32, #tpu.memory_space<hbm>>, %arg3: memref<32x79x128xi32, #tpu.memory_space<hbm>>, %arg4: memref<32x79x128xi32, #tpu.memory_space<hbm>>, %arg5: memref<2x10240x128xf32, #tpu.memory_space<hbm>>, %arg6: memref<79x128xi32, #tpu.memory_space<vmem>>, %arg7: memref<79x128xi32, #tpu.memory_space<vmem>>, %arg8: memref<128x128xf32, #tpu.memory_space<vmem>>, %arg9: memref<10240x128xf32, #tpu.memory_space<vmem_shared>>, %arg10: memref<!tpu.dma_semaphore, #tpu.memory_space<semaphore_mem>>) attributes {dimension_semantics = [#tpu.dimension_semantics<core_parallel>, #tpu.dimension_semantics<subcore_parallel>], iteration_bounds = array<i64: 2, 16>, scalar_prefetch = 0 : i64, scratch_operands = 5 : i64, tpu.core_type = #tpu.core_type<sc_vector_subcore>, window_params = [{transform_indices = #map}, {transform_indices = #map1}, {transform_indices = #map1}, {transform_indices = #map1}]} {
    %mul3A = arith.constant 2 : i32
    %mul3A_0 = arith.muli %arg1, %mul3A : i32
    %add3A = arith.addi %mul3A_0, %arg0 : i32
    %scan3A = arith.constant 0 : i32
    %scan3A_1 = arith.constant 0 : i32
    %scan3A_2 = arith.constant 128 : i32
    %scan3A_3 = arith.addi %scan3A_1, %scan3A_2 : i32
    %scan3A_4 = arith.constant 1 : i32
    scf.for %scan3A_73 = %scan3A_1 to %scan3A_3 step %scan3A_4  : i32 {
      %broadcast_in_dim3A = arith.constant 0.000000e+00 : f32
      %broadcast_in_dim3A_74 = vector.broadcast %broadcast_in_dim3A : f32 to vector<16xf32>
      %swap3A = arith.index_cast %scan3A_73 : i32 to index
      %swap3A_75 = arith.constant 0 : index
      %swap3A_76 = tpu.vector_load %arg8[%swap3A, %swap3A_75] {strides = array<i32>} : memref<128x128xf32, #tpu.memory_space<vmem>>, vector<1x16xf32>,
      %swap3A_77 = vector.shape_cast %swap3A_76 : vector<1x16xf32> to vector<16xf32>
      %swap3A_78 = vector.shape_cast %broadcast_in_dim3A_74 : vector<16xf32> to vector<1x16xf32>
      tpu.vector_store %arg8[%swap3A, %swap3A_75], %swap3A_78 {strides = array<i32>} : memref<128x128xf32, #tpu.memory_space<vmem>>, vector<1x16xf32>,
      %broadcast_in_dim3A_79 = arith.constant 0.000000e+00 : f32
      %broadcast_in_dim3A_80 = vector.broadcast %broadcast_in_dim3A_79 : f32 to vector<16xf32>
      %swap3A_81 = arith.index_cast %scan3A_73 : i32 to index
      %swap3A_82 = arith.constant 16 : index
      %swap3A_83 = tpu.vector_load %arg8[%swap3A_81, %swap3A_82] {strides = array<i32>} : memref<128x128xf32, #tpu.memory_space<vmem>>, vector<1x16xf32>,
      %swap3A_84 = vector.shape_cast %swap3A_83 : vector<1x16xf32> to vector<16xf32>
      %swap3A_85 = vector.shape_cast %broadcast_in_dim3A_80 : vector<16xf32> to vector<1x16xf32>
      tpu.vector_store %arg8[%swap3A_81, %swap3A_82], %swap3A_85 {strides = array<i32>} : memref<128x128xf32, #tpu.memory_space<vmem>>, vector<1x16xf32>,
      %broadcast_in_dim3A_86 = arith.constant 0.000000e+00 : f32
      %broadcast_in_dim3A_87 = vector.broadcast %broadcast_in_dim3A_86 : f32 to vector<16xf32>
      %swap3A_88 = arith.index_cast %scan3A_73 : i32 to index
      %swap3A_89 = arith.constant 32 : index
      %swap3A_90 = tpu.vector_load %arg8[%swap3A_88, %swap3A_89] {strides = array<i32>} : memref<128x128xf32, #tpu.memory_space<vmem>>, vector<1x16xf32>,
      %swap3A_91 = vector.shape_cast %swap3A_90 : vector<1x16xf32> to vector<16xf32>
      %swap3A_92 = vector.shape_cast %broadcast_in_dim3A_87 : vector<16xf32> to vector<1x16xf32>
      tpu.vector_store %arg8[%swap3A_88, %swap3A_89], %swap3A_92 {strides = array<i32>} : memref<128x128xf32, #tpu.memory_space<vmem>>, vector<1x16xf32>,
      %broadcast_in_dim3A_93 = arith.constant 0.000000e+00 : f32
      %broadcast_in_dim3A_94 = vector.broadcast %broadcast_in_dim3A_93 : f32 to vector<16xf32>
      %swap3A_95 = arith.index_cast %scan3A_73 : i32 to index
      %swap3A_96 = arith.constant 48 : index
      %swap3A_97 = tpu.vector_load %arg8[%swap3A_95, %swap3A_96] {strides = array<i32>} : memref<128x128xf32, #tpu.memory_space<vmem>>, vector<1x16xf32>,
      %swap3A_98 = vector.shape_cast %swap3A_97 : vector<1x16xf32> to vector<16xf32>
      %swap3A_99 = vector.shape_cast %broadcast_in_dim3A_94 : vector<16xf32> to vector<1x16xf32>
      tpu.vector_store %arg8[%swap3A_95, %swap3A_96], %swap3A_99 {strides = array<i32>} : memref<128x128xf32, #tpu.memory_space<vmem>>, vector<1x16xf32>,
      %broadcast_in_dim3A_100 = arith.constant 0.000000e+00 : f32
      %broadcast_in_dim3A_101 = vector.broadcast %broadcast_in_dim3A_100 : f32 to vector<16xf32>
      %swap3A_102 = arith.index_cast %scan3A_73 : i32 to index
      %swap3A_103 = arith.constant 64 : index
      %swap3A_104 = tpu.vector_load %arg8[%swap3A_102, %swap3A_103] {strides = array<i32>} : memref<128x128xf32, #tpu.memory_space<vmem>>, vector<1x16xf32>,
      %swap3A_105 = vector.shape_cast %swap3A_104 : vector<1x16xf32> to vector<16xf32>
      %swap3A_106 = vector.shape_cast %broadcast_in_dim3A_101 : vector<16xf32> to vector<1x16xf32>
      tpu.vector_store %arg8[%swap3A_102, %swap3A_103], %swap3A_106 {strides = array<i32>} : memref<128x128xf32, #tpu.memory_space<vmem>>, vector<1x16xf32>,
      %broadcast_in_dim3A_107 = arith.constant 0.000000e+00 : f32
      %broadcast_in_dim3A_108 = vector.broadcast %broadcast_in_dim3A_107 : f32 to vector<16xf32>
      %swap3A_109 = arith.index_cast %scan3A_73 : i32 to index
      %swap3A_110 = arith.constant 80 : index
      %swap3A_111 = tpu.vector_load %arg8[%swap3A_109, %swap3A_110] {strides = array<i32>} : memref<128x128xf32, #tpu.memory_space<vmem>>, vector<1x16xf32>,
      %swap3A_112 = vector.shape_cast %swap3A_111 : vector<1x16xf32> to vector<16xf32>
      %swap3A_113 = vector.shape_cast %broadcast_in_dim3A_108 : vector<16xf32> to vector<1x16xf32>
      tpu.vector_store %arg8[%swap3A_109, %swap3A_110], %swap3A_113 {strides = array<i32>} : memref<128x128xf32, #tpu.memory_space<vmem>>, vector<1x16xf32>,
      %broadcast_in_dim3A_114 = arith.constant 0.000000e+00 : f32
      %broadcast_in_dim3A_115 = vector.broadcast %broadcast_in_dim3A_114 : f32 to vector<16xf32>
      %swap3A_116 = arith.index_cast %scan3A_73 : i32 to index
      %swap3A_117 = arith.constant 96 : index
      %swap3A_118 = tpu.vector_load %arg8[%swap3A_116, %swap3A_117] {strides = array<i32>} : memref<128x128xf32, #tpu.memory_space<vmem>>, vector<1x16xf32>,
      %swap3A_119 = vector.shape_cast %swap3A_118 : vector<1x16xf32> to vector<16xf32>
      %swap3A_120 = vector.shape_cast %broadcast_in_dim3A_115 : vector<16xf32> to vector<1x16xf32>
      tpu.vector_store %arg8[%swap3A_116, %swap3A_117], %swap3A_120 {strides = array<i32>} : memref<128x128xf32, #tpu.memory_space<vmem>>, vector<1x16xf32>,
      %broadcast_in_dim3A_121 = arith.constant 0.000000e+00 : f32
      %broadcast_in_dim3A_122 = vector.broadcast %broadcast_in_dim3A_121 : f32 to vector<16xf32>
      %swap3A_123 = arith.index_cast %scan3A_73 : i32 to index
      %swap3A_124 = arith.constant 112 : index
      %swap3A_125 = tpu.vector_load %arg8[%swap3A_123, %swap3A_124] {strides = array<i32>} : memref<128x128xf32, #tpu.memory_space<vmem>>, vector<1x16xf32>,
      %swap3A_126 = vector.shape_cast %swap3A_125 : vector<1x16xf32> to vector<16xf32>
      %swap3A_127 = vector.shape_cast %broadcast_in_dim3A_122 : vector<16xf32> to vector<1x16xf32>
      tpu.vector_store %arg8[%swap3A_123, %swap3A_124], %swap3A_127 {strides = array<i32>} : memref<128x128xf32, #tpu.memory_space<vmem>>, vector<1x16xf32>,
    }
    %scan3A_5 = arith.constant 128 : i32
    %mul3A_6 = arith.constant 5 : i32
    %mul3A_7 = arith.muli %arg1, %mul3A_6 : i32
    %mul3A_8 = arith.constant 128 : i32
    %mul3A_9 = arith.muli %mul3A_7, %mul3A_8 : i32
    %add3A_10 = arith.constant 0 : i32
    %add3A_11 = arith.addi %mul3A_9, %add3A_10 : i32
    "tpu.region"() ({
      %run_scoped3A = tpu.sem_alloc : memref<!tpu.dma_semaphore, #tpu.memory_space<semaphore_mem>>
      %dma_start3A = arith.constant 0 : i32
      %dma_start3A_73 = tpu.memref_slice %arg9[%add3A_11, %dma_start3A] : memref<10240x128xf32, #tpu.memory_space<vmem_shared>> -> memref<128x128xf32, #tpu.memory_space<vmem_shared>>
      %dma_start3A_74 = arith.constant 0 : i32
      %dma_start3A_75 = tpu.memref_slice %arg9[%add3A_11, %dma_start3A_74] : memref<10240x128xf32, #tpu.memory_space<vmem_shared>> -> memref<128x128xf32, #tpu.memory_space<vmem_shared>>
      tpu.enqueue_dma source(%arg8 : memref<128x128xf32, #tpu.memory_space<vmem>>) target(%dma_start3A_75 : memref<128x128xf32, #tpu.memory_space<vmem_shared>>) target_semaphore(%run_scoped3A : memref<!tpu.dma_semaphore, #tpu.memory_space<semaphore_mem>>)
      %dma_wait3A = arith.constant 0 : i32
      %dma_wait3A_76 = tpu.memref_slice %arg9[%add3A_11, %dma_wait3A] : memref<10240x128xf32, #tpu.memory_space<vmem_shared>> -> memref<128x128xf32, #tpu.memory_space<vmem_shared>>
      %dma_wait3A_77 = arith.constant 0 : i32
      %dma_wait3A_78 = tpu.memref_slice %arg9[%add3A_11, %dma_wait3A_77] : memref<10240x128xf32, #tpu.memory_space<vmem_shared>> -> memref<128x128xf32, #tpu.memory_space<vmem_shared>>
      tpu.wait_dma2 semaphore(%run_scoped3A : memref<!tpu.dma_semaphore, #tpu.memory_space<semaphore_mem>>) src(%arg8 : memref<128x128xf32, #tpu.memory_space<vmem>>) dst(%dma_wait3A_78 : memref<128x128xf32, #tpu.memory_space<vmem_shared>>)
      tpu.yield
    }) : () -> ()
    %mul3A_12 = arith.constant 5 : i32
    %mul3A_13 = arith.muli %arg1, %mul3A_12 : i32
    %mul3A_14 = arith.constant 128 : i32
    %mul3A_15 = arith.muli %mul3A_13, %mul3A_14 : i32
    %add3A_16 = arith.constant 128 : i32
    %add3A_17 = arith.addi %mul3A_15, %add3A_16 : i32
    "tpu.region"() ({
      %run_scoped3A = tpu.sem_alloc : memref<!tpu.dma_semaphore, #tpu.memory_space<semaphore_mem>>
      %dma_start3A = arith.constant 0 : i32
      %dma_start3A_73 = tpu.memref_slice %arg9[%add3A_17, %dma_start3A] : memref<10240x128xf32, #tpu.memory_space<vmem_shared>> -> memref<128x128xf32, #tpu.memory_space<vmem_shared>>
      %dma_start3A_74 = arith.constant 0 : i32
      %dma_start3A_75 = tpu.memref_slice %arg9[%add3A_17, %dma_start3A_74] : memref<10240x128xf32, #tpu.memory_space<vmem_shared>> -> memref<128x128xf32, #tpu.memory_space<vmem_shared>>
      tpu.enqueue_dma source(%arg8 : memref<128x128xf32, #tpu.memory_space<vmem>>) target(%dma_start3A_75 : memref<128x128xf32, #tpu.memory_space<vmem_shared>>) target_semaphore(%run_scoped3A : memref<!tpu.dma_semaphore, #tpu.memory_space<semaphore_mem>>)
      %dma_wait3A = arith.constant 0 : i32
      %dma_wait3A_76 = tpu.memref_slice %arg9[%add3A_17, %dma_wait3A] : memref<10240x128xf32, #tpu.memory_space<vmem_shared>> -> memref<128x128xf32, #tpu.memory_space<vmem_shared>>
      %dma_wait3A_77 = arith.constant 0 : i32
      %dma_wait3A_78 = tpu.memref_slice %arg9[%add3A_17, %dma_wait3A_77] : memref<10240x128xf32, #tpu.memory_space<vmem_shared>> -> memref<128x128xf32, #tpu.memory_space<vmem_shared>>
      tpu.wait_dma2 semaphore(%run_scoped3A : memref<!tpu.dma_semaphore, #tpu.memory_space<semaphore_mem>>) src(%arg8 : memref<128x128xf32, #tpu.memory_space<vmem>>) dst(%dma_wait3A_78 : memref<128x128xf32, #tpu.memory_space<vmem_shared>>)
      tpu.yield
    }) : () -> ()
    %mul3A_18 = arith.constant 5 : i32
    %mul3A_19 = arith.muli %arg1, %mul3A_18 : i32
    %mul3A_20 = arith.constant 128 : i32
    %mul3A_21 = arith.muli %mul3A_19, %mul3A_20 : i32
    %add3A_22 = arith.constant 256 : i32
    %add3A_23 = arith.addi %mul3A_21, %add3A_22 : i32
    "tpu.region"() ({
      %run_scoped3A = tpu.sem_alloc : memref<!tpu.dma_semaphore, #tpu.memory_space<semaphore_mem>>
      %dma_start3A = arith.constant 0 : i32
      %dma_start3A_73 = tpu.memref_slice %arg9[%add3A_23, %dma_start3A] : memref<10240x128xf32, #tpu.memory_space<vmem_shared>> -> memref<128x128xf32, #tpu.memory_space<vmem_shared>>
      %dma_start3A_74 = arith.constant 0 : i32
      %dma_start3A_75 = tpu.memref_slice %arg9[%add3A_23, %dma_start3A_74] : memref<10240x128xf32, #tpu.memory_space<vmem_shared>> -> memref<128x128xf32, #tpu.memory_space<vmem_shared>>
      tpu.enqueue_dma source(%arg8 : memref<128x128xf32, #tpu.memory_space<vmem>>) target(%dma_start3A_75 : memref<128x128xf32, #tpu.memory_space<vmem_shared>>) target_semaphore(%run_scoped3A : memref<!tpu.dma_semaphore, #tpu.memory_space<semaphore_mem>>)
      %dma_wait3A = arith.constant 0 : i32
      %dma_wait3A_76 = tpu.memref_slice %arg9[%add3A_23, %dma_wait3A] : memref<10240x128xf32, #tpu.memory_space<vmem_shared>> -> memref<128x128xf32, #tpu.memory_space<vmem_shared>>
      %dma_wait3A_77 = arith.constant 0 : i32
      %dma_wait3A_78 = tpu.memref_slice %arg9[%add3A_23, %dma_wait3A_77] : memref<10240x128xf32, #tpu.memory_space<vmem_shared>> -> memref<128x128xf32, #tpu.memory_space<vmem_shared>>
      tpu.wait_dma2 semaphore(%run_scoped3A : memref<!tpu.dma_semaphore, #tpu.memory_space<semaphore_mem>>) src(%arg8 : memref<128x128xf32, #tpu.memory_space<vmem>>) dst(%dma_wait3A_78 : memref<128x128xf32, #tpu.memory_space<vmem_shared>>)
      tpu.yield
    }) : () -> ()
    %mul3A_24 = arith.constant 5 : i32
    %mul3A_25 = arith.muli %arg1, %mul3A_24 : i32
    %mul3A_26 = arith.constant 128 : i32
    %mul3A_27 = arith.muli %mul3A_25, %mul3A_26 : i32
    %add3A_28 = arith.constant 384 : i32
    %add3A_29 = arith.addi %mul3A_27, %add3A_28 : i32
    "tpu.region"() ({
      %run_scoped3A = tpu.sem_alloc : memref<!tpu.dma_semaphore, #tpu.memory_space<semaphore_mem>>
      %dma_start3A = arith.constant 0 : i32
      %dma_start3A_73 = tpu.memref_slice %arg9[%add3A_29, %dma_start3A] : memref<10240x128xf32, #tpu.memory_space<vmem_shared>> -> memref<128x128xf32, #tpu.memory_space<vmem_shared>>
      %dma_start3A_74 = arith.constant 0 : i32
      %dma_start3A_75 = tpu.memref_slice %arg9[%add3A_29, %dma_start3A_74] : memref<10240x128xf32, #tpu.memory_space<vmem_shared>> -> memref<128x128xf32, #tpu.memory_space<vmem_shared>>
      tpu.enqueue_dma source(%arg8 : memref<128x128xf32, #tpu.memory_space<vmem>>) target(%dma_start3A_75 : memref<128x128xf32, #tpu.memory_space<vmem_shared>>) target_semaphore(%run_scoped3A : memref<!tpu.dma_semaphore, #tpu.memory_space<semaphore_mem>>)
      %dma_wait3A = arith.constant 0 : i32
      %dma_wait3A_76 = tpu.memref_slice %arg9[%add3A_29, %dma_wait3A] : memref<10240x128xf32, #tpu.memory_space<vmem_shared>> -> memref<128x128xf32, #tpu.memory_space<vmem_shared>>
      %dma_wait3A_77 = arith.constant 0 : i32
      %dma_wait3A_78 = tpu.memref_slice %arg9[%add3A_29, %dma_wait3A_77] : memref<10240x128xf32, #tpu.memory_space<vmem_shared>> -> memref<128x128xf32, #tpu.memory_space<vmem_shared>>
      tpu.wait_dma2 semaphore(%run_scoped3A : memref<!tpu.dma_semaphore, #tpu.memory_space<semaphore_mem>>) src(%arg8 : memref<128x128xf32, #tpu.memory_space<vmem>>) dst(%dma_wait3A_78 : memref<128x128xf32, #tpu.memory_space<vmem_shared>>)
      tpu.yield
    }) : () -> ()
    %mul3A_30 = arith.constant 5 : i32
    %mul3A_31 = arith.muli %arg1, %mul3A_30 : i32
    %mul3A_32 = arith.constant 128 : i32
    %mul3A_33 = arith.muli %mul3A_31, %mul3A_32 : i32
    %add3A_34 = arith.constant 512 : i32
    %add3A_35 = arith.addi %mul3A_33, %add3A_34 : i32
    "tpu.region"() ({
      %run_scoped3A = tpu.sem_alloc : memref<!tpu.dma_semaphore, #tpu.memory_space<semaphore_mem>>
      %dma_start3A = arith.constant 0 : i32
      %dma_start3A_73 = tpu.memref_slice %arg9[%add3A_35, %dma_start3A] : memref<10240x128xf32, #tpu.memory_space<vmem_shared>> -> memref<128x128xf32, #tpu.memory_space<vmem_shared>>
      %dma_start3A_74 = arith.constant 0 : i32
      %dma_start3A_75 = tpu.memref_slice %arg9[%add3A_35, %dma_start3A_74] : memref<10240x128xf32, #tpu.memory_space<vmem_shared>> -> memref<128x128xf32, #tpu.memory_space<vmem_shared>>
      tpu.enqueue_dma source(%arg8 : memref<128x128xf32, #tpu.memory_space<vmem>>) target(%dma_start3A_75 : memref<128x128xf32, #tpu.memory_space<vmem_shared>>) target_semaphore(%run_scoped3A : memref<!tpu.dma_semaphore, #tpu.memory_space<semaphore_mem>>)
      %dma_wait3A = arith.constant 0 : i32
      %dma_wait3A_76 = tpu.memref_slice %arg9[%add3A_35, %dma_wait3A] : memref<10240x128xf32, #tpu.memory_space<vmem_shared>> -> memref<128x128xf32, #tpu.memory_space<vmem_shared>>
      %dma_wait3A_77 = arith.constant 0 : i32
      %dma_wait3A_78 = tpu.memref_slice %arg9[%add3A_35, %dma_wait3A_77] : memref<10240x128xf32, #tpu.memory_space<vmem_shared>> -> memref<128x128xf32, #tpu.memory_space<vmem_shared>>
      tpu.wait_dma2 semaphore(%run_scoped3A : memref<!tpu.dma_semaphore, #tpu.memory_space<semaphore_mem>>) src(%arg8 : memref<128x128xf32, #tpu.memory_space<vmem>>) dst(%dma_wait3A_78 : memref<128x128xf32, #tpu.memory_space<vmem_shared>>)
      tpu.yield
    }) : () -> ()
    "tpu.region"() ({
      %run_scoped3A = tpu.sem_alloc : memref<!tpu.dma_semaphore, #tpu.memory_space<semaphore_mem>>
      %dma_start3A = arith.constant 0 : i32
      %dma_start3A_73 = arith.constant 0 : i32
      %dma_start3A_74 = tpu.memref_slice %arg3[%add3A, %dma_start3A, %dma_start3A_73] : memref<32x79x128xi32, #tpu.memory_space<hbm>> -> memref<1x79x128xi32, #tpu.memory_space<hbm>>
      %dma_start3A_75 = tpu.memref_squeeze %dma_start3A_74 : memref<1x79x128xi32, #tpu.memory_space<hbm>> -> memref<79x128xi32, #tpu.memory_space<hbm>>
      %dma_start3A_76 = arith.constant 0 : i32
      %dma_start3A_77 = arith.constant 0 : i32
      %dma_start3A_78 = tpu.memref_slice %arg3[%add3A, %dma_start3A_76, %dma_start3A_77] : memref<32x79x128xi32, #tpu.memory_space<hbm>> -> memref<1x79x128xi32, #tpu.memory_space<hbm>>
      %dma_start3A_79 = tpu.memref_squeeze %dma_start3A_78 : memref<1x79x128xi32, #tpu.memory_space<hbm>> -> memref<79x128xi32, #tpu.memory_space<hbm>>
      tpu.enqueue_dma source(%dma_start3A_79 : memref<79x128xi32, #tpu.memory_space<hbm>>) target(%arg6 : memref<79x128xi32, #tpu.memory_space<vmem>>) target_semaphore(%run_scoped3A : memref<!tpu.dma_semaphore, #tpu.memory_space<semaphore_mem>>)
      %dma_wait3A = arith.constant 0 : i32
      %dma_wait3A_80 = arith.constant 0 : i32
      %dma_wait3A_81 = tpu.memref_slice %arg3[%add3A, %dma_wait3A, %dma_wait3A_80] : memref<32x79x128xi32, #tpu.memory_space<hbm>> -> memref<1x79x128xi32, #tpu.memory_space<hbm>>
      %dma_wait3A_82 = tpu.memref_squeeze %dma_wait3A_81 : memref<1x79x128xi32, #tpu.memory_space<hbm>> -> memref<79x128xi32, #tpu.memory_space<hbm>>
      %dma_wait3A_83 = arith.constant 0 : i32
      %dma_wait3A_84 = arith.constant 0 : i32
      %dma_wait3A_85 = tpu.memref_slice %arg3[%add3A, %dma_wait3A_83, %dma_wait3A_84] : memref<32x79x128xi32, #tpu.memory_space<hbm>> -> memref<1x79x128xi32, #tpu.memory_space<hbm>>
      %dma_wait3A_86 = tpu.memref_squeeze %dma_wait3A_85 : memref<1x79x128xi32, #tpu.memory_space<hbm>> -> memref<79x128xi32, #tpu.memory_space<hbm>>
      tpu.wait_dma2 semaphore(%run_scoped3A : memref<!tpu.dma_semaphore, #tpu.memory_space<semaphore_mem>>) src(%dma_wait3A_86 : memref<79x128xi32, #tpu.memory_space<hbm>>) dst(%arg6 : memref<79x128xi32, #tpu.memory_space<vmem>>)
      tpu.yield
    }) : () -> ()
    "tpu.region"() ({
      %run_scoped3A = tpu.sem_alloc : memref<!tpu.dma_semaphore, #tpu.memory_space<semaphore_mem>>
      %dma_start3A = arith.constant 0 : i32
      %dma_start3A_73 = arith.constant 0 : i32
      %dma_start3A_74 = tpu.memref_slice %arg4[%add3A, %dma_start3A, %dma_start3A_73] : memref<32x79x128xi32, #tpu.memory_space<hbm>> -> memref<1x79x128xi32, #tpu.memory_space<hbm>>
      %dma_start3A_75 = tpu.memref_squeeze %dma_start3A_74 : memref<1x79x128xi32, #tpu.memory_space<hbm>> -> memref<79x128xi32, #tpu.memory_space<hbm>>
      %dma_start3A_76 = arith.constant 0 : i32
      %dma_start3A_77 = arith.constant 0 : i32
      %dma_start3A_78 = tpu.memref_slice %arg4[%add3A, %dma_start3A_76, %dma_start3A_77] : memref<32x79x128xi32, #tpu.memory_space<hbm>> -> memref<1x79x128xi32, #tpu.memory_space<hbm>>
      %dma_start3A_79 = tpu.memref_squeeze %dma_start3A_78 : memref<1x79x128xi32, #tpu.memory_space<hbm>> -> memref<79x128xi32, #tpu.memory_space<hbm>>
      tpu.enqueue_dma source(%dma_start3A_79 : memref<79x128xi32, #tpu.memory_space<hbm>>) target(%arg7 : memref<79x128xi32, #tpu.memory_space<vmem>>) target_semaphore(%run_scoped3A : memref<!tpu.dma_semaphore, #tpu.memory_space<semaphore_mem>>)
      %dma_wait3A = arith.constant 0 : i32
      %dma_wait3A_80 = arith.constant 0 : i32
      %dma_wait3A_81 = tpu.memref_slice %arg4[%add3A, %dma_wait3A, %dma_wait3A_80] : memref<32x79x128xi32, #tpu.memory_space<hbm>> -> memref<1x79x128xi32, #tpu.memory_space<hbm>>
      %dma_wait3A_82 = tpu.memref_squeeze %dma_wait3A_81 : memref<1x79x128xi32, #tpu.memory_space<hbm>> -> memref<79x128xi32, #tpu.memory_space<hbm>>
      %dma_wait3A_83 = arith.constant 0 : i32
      %dma_wait3A_84 = arith.constant 0 : i32
      %dma_wait3A_85 = tpu.memref_slice %arg4[%add3A, %dma_wait3A_83, %dma_wait3A_84] : memref<32x79x128xi32, #tpu.memory_space<hbm>> -> memref<1x79x128xi32, #tpu.memory_space<hbm>>
      %dma_wait3A_86 = tpu.memref_squeeze %dma_wait3A_85 : memref<1x79x128xi32, #tpu.memory_space<hbm>> -> memref<79x128xi32, #tpu.memory_space<hbm>>
      tpu.wait_dma2 semaphore(%run_scoped3A : memref<!tpu.dma_semaphore, #tpu.memory_space<semaphore_mem>>) src(%dma_wait3A_86 : memref<79x128xi32, #tpu.memory_space<hbm>>) dst(%arg7 : memref<79x128xi32, #tpu.memory_space<vmem>>)
      tpu.yield
    }) : () -> ()
    %barrier3A = arith.constant 0 : index
    tpu.barrier barrier_id(%barrier3A)
    %scan3A_36 = arith.constant 0 : i32
    %scan3A_37 = arith.constant 0 : i32
    %scan3A_38 = arith.constant 79 : i32
    %scan3A_39 = arith.addi %scan3A_37, %scan3A_38 : i32
    %scan3A_40 = arith.constant 1 : i32
    scf.for %scan3A_73 = %scan3A_37 to %scan3A_39 step %scan3A_40  : i32 {
      %dma_start3A = arith.constant 0 : i32
      %dma_start3A_74 = tpu.memref_slice %arg6[%scan3A_73, %dma_start3A] : memref<79x128xi32, #tpu.memory_space<vmem>> -> memref<1x128xi32, #tpu.memory_space<vmem>>
      %dma_start3A_75 = tpu.memref_squeeze %dma_start3A_74 : memref<1x128xi32, #tpu.memory_space<vmem>> -> memref<128xi32, #tpu.memory_space<vmem>>
      %dma_start3A_76 = arith.constant 0 : i32
      %dma_start3A_77 = arith.constant 0 : i32
      %dma_start3A_78 = tpu.memref_slice %arg2[%dma_start3A_76, %dma_start3A_77] : memref<10000x128xf32, #tpu.memory_space<hbm>> -> memref<10000x128xf32, #tpu.memory_space<hbm>>
      tpu.enqueue_indirect_dma source(%dma_start3A_78 : memref<10000x128xf32, #tpu.memory_space<hbm>>) target(%arg8 : memref<128x128xf32, #tpu.memory_space<vmem>>) offsets(%dma_start3A_75 : memref<128xi32, #tpu.memory_space<vmem>>) semaphore(%arg10 : memref<!tpu.dma_semaphore, #tpu.memory_space<semaphore_mem>>)
      %dma_wait3A = arith.constant 0 : i32
      %dma_wait3A_79 = tpu.memref_slice %arg6[%scan3A_73, %dma_wait3A] : memref<79x128xi32, #tpu.memory_space<vmem>> -> memref<1x128xi32, #tpu.memory_space<vmem>>
      %dma_wait3A_80 = tpu.memref_squeeze %dma_wait3A_79 : memref<1x128xi32, #tpu.memory_space<vmem>> -> memref<128xi32, #tpu.memory_space<vmem>>
      %dma_wait3A_81 = arith.constant 0 : i32
      %dma_wait3A_82 = arith.constant 0 : i32
      %dma_wait3A_83 = tpu.memref_slice %arg2[%dma_wait3A_81, %dma_wait3A_82] : memref<10000x128xf32, #tpu.memory_space<hbm>> -> memref<10000x128xf32, #tpu.memory_space<hbm>>
      tpu.wait_indirect_dma semaphore(%arg10 : memref<!tpu.dma_semaphore, #tpu.memory_space<semaphore_mem>>) src(%dma_wait3A_83 : memref<10000x128xf32, #tpu.memory_space<hbm>>) dst(%arg8 : memref<128x128xf32, #tpu.memory_space<vmem>>)
      "tpu.region"() ({
        %run_scoped3A = tpu.sem_alloc : memref<!tpu.dma_semaphore, #tpu.memory_space<semaphore_mem>>
        %dma_start3A_84 = arith.constant 0 : i32
        %dma_start3A_85 = tpu.memref_slice %arg7[%scan3A_73, %dma_start3A_84] : memref<79x128xi32, #tpu.memory_space<vmem>> -> memref<1x128xi32, #tpu.memory_space<vmem>>
        %dma_start3A_86 = tpu.memref_squeeze %dma_start3A_85 : memref<1x128xi32, #tpu.memory_space<vmem>> -> memref<128xi32, #tpu.memory_space<vmem>>
        %dma_start3A_87 = arith.constant 0 : i32
        %dma_start3A_88 = arith.constant 0 : i32
        %dma_start3A_89 = tpu.memref_slice %arg9[%dma_start3A_87, %dma_start3A_88] : memref<10240x128xf32, #tpu.memory_space<vmem_shared>> -> memref<10240x128xf32, #tpu.memory_space<vmem_shared>>
        tpu.enqueue_indirect_dma source(%arg8 : memref<128x128xf32, #tpu.memory_space<vmem>>) target(%dma_start3A_89 : memref<10240x128xf32, #tpu.memory_space<vmem_shared>>) offsets(%dma_start3A_86 : memref<128xi32, #tpu.memory_space<vmem>>) semaphore(%run_scoped3A : memref<!tpu.dma_semaphore, #tpu.memory_space<semaphore_mem>>) {add = true}
        %dma_wait3A_90 = arith.constant 0 : i32
        %dma_wait3A_91 = tpu.memref_slice %arg7[%scan3A_73, %dma_wait3A_90] : memref<79x128xi32, #tpu.memory_space<vmem>> -> memref<1x128xi32, #tpu.memory_space<vmem>>
        %dma_wait3A_92 = tpu.memref_squeeze %dma_wait3A_91 : memref<1x128xi32, #tpu.memory_space<vmem>> -> memref<128xi32, #tpu.memory_space<vmem>>
        %dma_wait3A_93 = arith.constant 0 : i32
        %dma_wait3A_94 = arith.constant 0 : i32
        %dma_wait3A_95 = tpu.memref_slice %arg9[%dma_wait3A_93, %dma_wait3A_94] : memref<10240x128xf32, #tpu.memory_space<vmem_shared>> -> memref<10240x128xf32, #tpu.memory_space<vmem_shared>>
        tpu.wait_indirect_dma semaphore(%run_scoped3A : memref<!tpu.dma_semaphore, #tpu.memory_space<semaphore_mem>>) src(%arg8 : memref<128x128xf32, #tpu.memory_space<vmem>>) dst(%dma_wait3A_95 : memref<10240x128xf32, #tpu.memory_space<vmem_shared>>)
        tpu.yield
      }) : () -> ()
    }
    %scan3A_41 = arith.constant 79 : i32
    %barrier3A_42 = arith.constant 0 : index
    tpu.barrier barrier_id(%barrier3A_42)
    %mul3A_43 = arith.constant 5 : i32
    %mul3A_44 = arith.muli %arg1, %mul3A_43 : i32
    %mul3A_45 = arith.constant 128 : i32
    %mul3A_46 = arith.muli %mul3A_44, %mul3A_45 : i32
    %add3A_47 = arith.constant 0 : i32
    %add3A_48 = arith.addi %mul3A_46, %add3A_47 : i32
    "tpu.region"() ({
      %run_scoped3A = tpu.sem_alloc : memref<!tpu.dma_semaphore, #tpu.memory_space<semaphore_mem>>
      %dma_start3A = arith.constant 0 : i32
      %dma_start3A_73 = tpu.memref_slice %arg9[%add3A_48, %dma_start3A] : memref<10240x128xf32, #tpu.memory_space<vmem_shared>> -> memref<128x128xf32, #tpu.memory_space<vmem_shared>>
      %dma_start3A_74 = arith.constant 0 : i32
      %dma_start3A_75 = tpu.memref_slice %arg9[%add3A_48, %dma_start3A_74] : memref<10240x128xf32, #tpu.memory_space<vmem_shared>> -> memref<128x128xf32, #tpu.memory_space<vmem_shared>>
      tpu.enqueue_dma source(%dma_start3A_75 : memref<128x128xf32, #tpu.memory_space<vmem_shared>>) target(%arg8 : memref<128x128xf32, #tpu.memory_space<vmem>>) target_semaphore(%run_scoped3A : memref<!tpu.dma_semaphore, #tpu.memory_space<semaphore_mem>>)
      %dma_wait3A = arith.constant 0 : i32
      %dma_wait3A_76 = tpu.memref_slice %arg9[%add3A_48, %dma_wait3A] : memref<10240x128xf32, #tpu.memory_space<vmem_shared>> -> memref<128x128xf32, #tpu.memory_space<vmem_shared>>
      %dma_wait3A_77 = arith.constant 0 : i32
      %dma_wait3A_78 = tpu.memref_slice %arg9[%add3A_48, %dma_wait3A_77] : memref<10240x128xf32, #tpu.memory_space<vmem_shared>> -> memref<128x128xf32, #tpu.memory_space<vmem_shared>>
      tpu.wait_dma2 semaphore(%run_scoped3A : memref<!tpu.dma_semaphore, #tpu.memory_space<semaphore_mem>>) src(%dma_wait3A_78 : memref<128x128xf32, #tpu.memory_space<vmem_shared>>) dst(%arg8 : memref<128x128xf32, #tpu.memory_space<vmem>>)
      tpu.yield
    }) : () -> ()
    "tpu.region"() ({
      %run_scoped3A = tpu.sem_alloc : memref<!tpu.dma_semaphore, #tpu.memory_space<semaphore_mem>>
      %dma_start3A = arith.constant 0 : i32
      %dma_start3A_73 = tpu.memref_slice %arg5[%arg0, %add3A_48, %dma_start3A] : memref<2x10240x128xf32, #tpu.memory_space<hbm>> -> memref<1x128x128xf32, #tpu.memory_space<hbm>>
      %dma_start3A_74 = tpu.memref_squeeze %dma_start3A_73 : memref<1x128x128xf32, #tpu.memory_space<hbm>> -> memref<128x128xf32, #tpu.memory_space<hbm>>
      %dma_start3A_75 = arith.constant 0 : i32
      %dma_start3A_76 = tpu.memref_slice %arg5[%arg0, %add3A_48, %dma_start3A_75] : memref<2x10240x128xf32, #tpu.memory_space<hbm>> -> memref<1x128x128xf32, #tpu.memory_space<hbm>>
      %dma_start3A_77 = tpu.memref_squeeze %dma_start3A_76 : memref<1x128x128xf32, #tpu.memory_space<hbm>> -> memref<128x128xf32, #tpu.memory_space<hbm>>
      tpu.enqueue_dma source(%arg8 : memref<128x128xf32, #tpu.memory_space<vmem>>) target(%dma_start3A_77 : memref<128x128xf32, #tpu.memory_space<hbm>>) target_semaphore(%run_scoped3A : memref<!tpu.dma_semaphore, #tpu.memory_space<semaphore_mem>>)
      %dma_wait3A = arith.constant 0 : i32
      %dma_wait3A_78 = tpu.memref_slice %arg5[%arg0, %add3A_48, %dma_wait3A] : memref<2x10240x128xf32, #tpu.memory_space<hbm>> -> memref<1x128x128xf32, #tpu.memory_space<hbm>>
      %dma_wait3A_79 = tpu.memref_squeeze %dma_wait3A_78 : memref<1x128x128xf32, #tpu.memory_space<hbm>> -> memref<128x128xf32, #tpu.memory_space<hbm>>
      %dma_wait3A_80 = arith.constant 0 : i32
      %dma_wait3A_81 = tpu.memref_slice %arg5[%arg0, %add3A_48, %dma_wait3A_80] : memref<2x10240x128xf32, #tpu.memory_space<hbm>> -> memref<1x128x128xf32, #tpu.memory_space<hbm>>
      %dma_wait3A_82 = tpu.memref_squeeze %dma_wait3A_81 : memref<1x128x128xf32, #tpu.memory_space<hbm>> -> memref<128x128xf32, #tpu.memory_space<hbm>>
      tpu.wait_dma2 semaphore(%run_scoped3A : memref<!tpu.dma_semaphore, #tpu.memory_space<semaphore_mem>>) src(%arg8 : memref<128x128xf32, #tpu.memory_space<vmem>>) dst(%dma_wait3A_82 : memref<128x128xf32, #tpu.memory_space<hbm>>)
      tpu.yield
    }) : () -> ()
    %mul3A_49 = arith.constant 5 : i32
    %mul3A_50 = arith.muli %arg1, %mul3A_49 : i32
    %mul3A_51 = arith.constant 128 : i32
    %mul3A_52 = arith.muli %mul3A_50, %mul3A_51 : i32
    %add3A_53 = arith.constant 128 : i32
    %add3A_54 = arith.addi %mul3A_52, %add3A_53 : i32
    "tpu.region"() ({
      %run_scoped3A = tpu.sem_alloc : memref<!tpu.dma_semaphore, #tpu.memory_space<semaphore_mem>>
      %dma_start3A = arith.constant 0 : i32
      %dma_start3A_73 = tpu.memref_slice %arg9[%add3A_54, %dma_start3A] : memref<10240x128xf32, #tpu.memory_space<vmem_shared>> -> memref<128x128xf32, #tpu.memory_space<vmem_shared>>
      %dma_start3A_74 = arith.constant 0 : i32
      %dma_start3A_75 = tpu.memref_slice %arg9[%add3A_54, %dma_start3A_74] : memref<10240x128xf32, #tpu.memory_space<vmem_shared>> -> memref<128x128xf32, #tpu.memory_space<vmem_shared>>
      tpu.enqueue_dma source(%dma_start3A_75 : memref<128x128xf32, #tpu.memory_space<vmem_shared>>) target(%arg8 : memref<128x128xf32, #tpu.memory_space<vmem>>) target_semaphore(%run_scoped3A : memref<!tpu.dma_semaphore, #tpu.memory_space<semaphore_mem>>)
      %dma_wait3A = arith.constant 0 : i32
      %dma_wait3A_76 = tpu.memref_slice %arg9[%add3A_54, %dma_wait3A] : memref<10240x128xf32, #tpu.memory_space<vmem_shared>> -> memref<128x128xf32, #tpu.memory_space<vmem_shared>>
      %dma_wait3A_77 = arith.constant 0 : i32
      %dma_wait3A_78 = tpu.memref_slice %arg9[%add3A_54, %dma_wait3A_77] : memref<10240x128xf32, #tpu.memory_space<vmem_shared>> -> memref<128x128xf32, #tpu.memory_space<vmem_shared>>
      tpu.wait_dma2 semaphore(%run_scoped3A : memref<!tpu.dma_semaphore, #tpu.memory_space<semaphore_mem>>) src(%dma_wait3A_78 : memref<128x128xf32, #tpu.memory_space<vmem_shared>>) dst(%arg8 : memref<128x128xf32, #tpu.memory_space<vmem>>)
      tpu.yield
    }) : () -> ()
    "tpu.region"() ({
      %run_scoped3A = tpu.sem_alloc : memref<!tpu.dma_semaphore, #tpu.memory_space<semaphore_mem>>
      %dma_start3A = arith.constant 0 : i32
      %dma_start3A_73 = tpu.memref_slice %arg5[%arg0, %add3A_54, %dma_start3A] : memref<2x10240x128xf32, #tpu.memory_space<hbm>> -> memref<1x128x128xf32, #tpu.memory_space<hbm>>
      %dma_start3A_74 = tpu.memref_squeeze %dma_start3A_73 : memref<1x128x128xf32, #tpu.memory_space<hbm>> -> memref<128x128xf32, #tpu.memory_space<hbm>>
      %dma_start3A_75 = arith.constant 0 : i32
      %dma_start3A_76 = tpu.memref_slice %arg5[%arg0, %add3A_54, %dma_start3A_75] : memref<2x10240x128xf32, #tpu.memory_space<hbm>> -> memref<1x128x128xf32, #tpu.memory_space<hbm>>
      %dma_start3A_77 = tpu.memref_squeeze %dma_start3A_76 : memref<1x128x128xf32, #tpu.memory_space<hbm>> -> memref<128x128xf32, #tpu.memory_space<hbm>>
      tpu.enqueue_dma source(%arg8 : memref<128x128xf32, #tpu.memory_space<vmem>>) target(%dma_start3A_77 : memref<128x128xf32, #tpu.memory_space<hbm>>) target_semaphore(%run_scoped3A : memref<!tpu.dma_semaphore, #tpu.memory_space<semaphore_mem>>)
      %dma_wait3A = arith.constant 0 : i32
      %dma_wait3A_78 = tpu.memref_slice %arg5[%arg0, %add3A_54, %dma_wait3A] : memref<2x10240x128xf32, #tpu.memory_space<hbm>> -> memref<1x128x128xf32, #tpu.memory_space<hbm>>
      %dma_wait3A_79 = tpu.memref_squeeze %dma_wait3A_78 : memref<1x128x128xf32, #tpu.memory_space<hbm>> -> memref<128x128xf32, #tpu.memory_space<hbm>>
      %dma_wait3A_80 = arith.constant 0 : i32
      %dma_wait3A_81 = tpu.memref_slice %arg5[%arg0, %add3A_54, %dma_wait3A_80] : memref<2x10240x128xf32, #tpu.memory_space<hbm>> -> memref<1x128x128xf32, #tpu.memory_space<hbm>>
      %dma_wait3A_82 = tpu.memref_squeeze %dma_wait3A_81 : memref<1x128x128xf32, #tpu.memory_space<hbm>> -> memref<128x128xf32, #tpu.memory_space<hbm>>
      tpu.wait_dma2 semaphore(%run_scoped3A : memref<!tpu.dma_semaphore, #tpu.memory_space<semaphore_mem>>) src(%arg8 : memref<128x128xf32, #tpu.memory_space<vmem>>) dst(%dma_wait3A_82 : memref<128x128xf32, #tpu.memory_space<hbm>>)
      tpu.yield
    }) : () -> ()
    %mul3A_55 = arith.constant 5 : i32
    %mul3A_56 = arith.muli %arg1, %mul3A_55 : i32
    %mul3A_57 = arith.constant 128 : i32
    %mul3A_58 = arith.muli %mul3A_56, %mul3A_57 : i32
    %add3A_59 = arith.constant 256 : i32
    %add3A_60 = arith.addi %mul3A_58, %add3A_59 : i32
    "tpu.region"() ({
      %run_scoped3A = tpu.sem_alloc : memref<!tpu.dma_semaphore, #tpu.memory_space<semaphore_mem>>
      %dma_start3A = arith.constant 0 : i32
      %dma_start3A_73 = tpu.memref_slice %arg9[%add3A_60, %dma_start3A] : memref<10240x128xf32, #tpu.memory_space<vmem_shared>> -> memref<128x128xf32, #tpu.memory_space<vmem_shared>>
      %dma_start3A_74 = arith.constant 0 : i32
      %dma_start3A_75 = tpu.memref_slice %arg9[%add3A_60, %dma_start3A_74] : memref<10240x128xf32, #tpu.memory_space<vmem_shared>> -> memref<128x128xf32, #tpu.memory_space<vmem_shared>>
      tpu.enqueue_dma source(%dma_start3A_75 : memref<128x128xf32, #tpu.memory_space<vmem_shared>>) target(%arg8 : memref<128x128xf32, #tpu.memory_space<vmem>>) target_semaphore(%run_scoped3A : memref<!tpu.dma_semaphore, #tpu.memory_space<semaphore_mem>>)
      %dma_wait3A = arith.constant 0 : i32
      %dma_wait3A_76 = tpu.memref_slice %arg9[%add3A_60, %dma_wait3A] : memref<10240x128xf32, #tpu.memory_space<vmem_shared>> -> memref<128x128xf32, #tpu.memory_space<vmem_shared>>
      %dma_wait3A_77 = arith.constant 0 : i32
      %dma_wait3A_78 = tpu.memref_slice %arg9[%add3A_60, %dma_wait3A_77] : memref<10240x128xf32, #tpu.memory_space<vmem_shared>> -> memref<128x128xf32, #tpu.memory_space<vmem_shared>>
      tpu.wait_dma2 semaphore(%run_scoped3A : memref<!tpu.dma_semaphore, #tpu.memory_space<semaphore_mem>>) src(%dma_wait3A_78 : memref<128x128xf32, #tpu.memory_space<vmem_shared>>) dst(%arg8 : memref<128x128xf32, #tpu.memory_space<vmem>>)
      tpu.yield
    }) : () -> ()
    "tpu.region"() ({
      %run_scoped3A = tpu.sem_alloc : memref<!tpu.dma_semaphore, #tpu.memory_space<semaphore_mem>>
      %dma_start3A = arith.constant 0 : i32
      %dma_start3A_73 = tpu.memref_slice %arg5[%arg0, %add3A_60, %dma_start3A] : memref<2x10240x128xf32, #tpu.memory_space<hbm>> -> memref<1x128x128xf32, #tpu.memory_space<hbm>>
      %dma_start3A_74 = tpu.memref_squeeze %dma_start3A_73 : memref<1x128x128xf32, #tpu.memory_space<hbm>> -> memref<128x128xf32, #tpu.memory_space<hbm>>
      %dma_start3A_75 = arith.constant 0 : i32
      %dma_start3A_76 = tpu.memref_slice %arg5[%arg0, %add3A_60, %dma_start3A_75] : memref<2x10240x128xf32, #tpu.memory_space<hbm>> -> memref<1x128x128xf32, #tpu.memory_space<hbm>>
      %dma_start3A_77 = tpu.memref_squeeze %dma_start3A_76 : memref<1x128x128xf32, #tpu.memory_space<hbm>> -> memref<128x128xf32, #tpu.memory_space<hbm>>
      tpu.enqueue_dma source(%arg8 : memref<128x128xf32, #tpu.memory_space<vmem>>) target(%dma_start3A_77 : memref<128x128xf32, #tpu.memory_space<hbm>>) target_semaphore(%run_scoped3A : memref<!tpu.dma_semaphore, #tpu.memory_space<semaphore_mem>>)
      %dma_wait3A = arith.constant 0 : i32
      %dma_wait3A_78 = tpu.memref_slice %arg5[%arg0, %add3A_60, %dma_wait3A] : memref<2x10240x128xf32, #tpu.memory_space<hbm>> -> memref<1x128x128xf32, #tpu.memory_space<hbm>>
      %dma_wait3A_79 = tpu.memref_squeeze %dma_wait3A_78 : memref<1x128x128xf32, #tpu.memory_space<hbm>> -> memref<128x128xf32, #tpu.memory_space<hbm>>
      %dma_wait3A_80 = arith.constant 0 : i32
      %dma_wait3A_81 = tpu.memref_slice %arg5[%arg0, %add3A_60, %dma_wait3A_80] : memref<2x10240x128xf32, #tpu.memory_space<hbm>> -> memref<1x128x128xf32, #tpu.memory_space<hbm>>
      %dma_wait3A_82 = tpu.memref_squeeze %dma_wait3A_81 : memref<1x128x128xf32, #tpu.memory_space<hbm>> -> memref<128x128xf32, #tpu.memory_space<hbm>>
      tpu.wait_dma2 semaphore(%run_scoped3A : memref<!tpu.dma_semaphore, #tpu.memory_space<semaphore_mem>>) src(%arg8 : memref<128x128xf32, #tpu.memory_space<vmem>>) dst(%dma_wait3A_82 : memref<128x128xf32, #tpu.memory_space<hbm>>)
      tpu.yield
    }) : () -> ()
    %mul3A_61 = arith.constant 5 : i32
    %mul3A_62 = arith.muli %arg1, %mul3A_61 : i32
    %mul3A_63 = arith.constant 128 : i32
    %mul3A_64 = arith.muli %mul3A_62, %mul3A_63 : i32
    %add3A_65 = arith.constant 384 : i32
    %add3A_66 = arith.addi %mul3A_64, %add3A_65 : i32
    "tpu.region"() ({
      %run_scoped3A = tpu.sem_alloc : memref<!tpu.dma_semaphore, #tpu.memory_space<semaphore_mem>>
      %dma_start3A = arith.constant 0 : i32
      %dma_start3A_73 = tpu.memref_slice %arg9[%add3A_66, %dma_start3A] : memref<10240x128xf32, #tpu.memory_space<vmem_shared>> -> memref<128x128xf32, #tpu.memory_space<vmem_shared>>
      %dma_start3A_74 = arith.constant 0 : i32
      %dma_start3A_75 = tpu.memref_slice %arg9[%add3A_66, %dma_start3A_74] : memref<10240x128xf32, #tpu.memory_space<vmem_shared>> -> memref<128x128xf32, #tpu.memory_space<vmem_shared>>
      tpu.enqueue_dma source(%dma_start3A_75 : memref<128x128xf32, #tpu.memory_space<vmem_shared>>) target(%arg8 : memref<128x128xf32, #tpu.memory_space<vmem>>) target_semaphore(%run_scoped3A : memref<!tpu.dma_semaphore, #tpu.memory_space<semaphore_mem>>)
      %dma_wait3A = arith.constant 0 : i32
      %dma_wait3A_76 = tpu.memref_slice %arg9[%add3A_66, %dma_wait3A] : memref<10240x128xf32, #tpu.memory_space<vmem_shared>> -> memref<128x128xf32, #tpu.memory_space<vmem_shared>>
      %dma_wait3A_77 = arith.constant 0 : i32
      %dma_wait3A_78 = tpu.memref_slice %arg9[%add3A_66, %dma_wait3A_77] : memref<10240x128xf32, #tpu.memory_space<vmem_shared>> -> memref<128x128xf32, #tpu.memory_space<vmem_shared>>
      tpu.wait_dma2 semaphore(%run_scoped3A : memref<!tpu.dma_semaphore, #tpu.memory_space<semaphore_mem>>) src(%dma_wait3A_78 : memref<128x128xf32, #tpu.memory_space<vmem_shared>>) dst(%arg8 : memref<128x128xf32, #tpu.memory_space<vmem>>)
      tpu.yield
    }) : () -> ()
    "tpu.region"() ({
      %run_scoped3A = tpu.sem_alloc : memref<!tpu.dma_semaphore, #tpu.memory_space<semaphore_mem>>
      %dma_start3A = arith.constant 0 : i32
      %dma_start3A_73 = tpu.memref_slice %arg5[%arg0, %add3A_66, %dma_start3A] : memref<2x10240x128xf32, #tpu.memory_space<hbm>> -> memref<1x128x128xf32, #tpu.memory_space<hbm>>
      %dma_start3A_74 = tpu.memref_squeeze %dma_start3A_73 : memref<1x128x128xf32, #tpu.memory_space<hbm>> -> memref<128x128xf32, #tpu.memory_space<hbm>>
      %dma_start3A_75 = arith.constant 0 : i32
      %dma_start3A_76 = tpu.memref_slice %arg5[%arg0, %add3A_66, %dma_start3A_75] : memref<2x10240x128xf32, #tpu.memory_space<hbm>> -> memref<1x128x128xf32, #tpu.memory_space<hbm>>
      %dma_start3A_77 = tpu.memref_squeeze %dma_start3A_76 : memref<1x128x128xf32, #tpu.memory_space<hbm>> -> memref<128x128xf32, #tpu.memory_space<hbm>>
      tpu.enqueue_dma source(%arg8 : memref<128x128xf32, #tpu.memory_space<vmem>>) target(%dma_start3A_77 : memref<128x128xf32, #tpu.memory_space<hbm>>) target_semaphore(%run_scoped3A : memref<!tpu.dma_semaphore, #tpu.memory_space<semaphore_mem>>)
      %dma_wait3A = arith.constant 0 : i32
      %dma_wait3A_78 = tpu.memref_slice %arg5[%arg0, %add3A_66, %dma_wait3A] : memref<2x10240x128xf32, #tpu.memory_space<hbm>> -> memref<1x128x128xf32, #tpu.memory_space<hbm>>
      %dma_wait3A_79 = tpu.memref_squeeze %dma_wait3A_78 : memref<1x128x128xf32, #tpu.memory_space<hbm>> -> memref<128x128xf32, #tpu.memory_space<hbm>>
      %dma_wait3A_80 = arith.constant 0 : i32
      %dma_wait3A_81 = tpu.memref_slice %arg5[%arg0, %add3A_66, %dma_wait3A_80] : memref<2x10240x128xf32, #tpu.memory_space<hbm>> -> memref<1x128x128xf32, #tpu.memory_space<hbm>>
      %dma_wait3A_82 = tpu.memref_squeeze %dma_wait3A_81 : memref<1x128x128xf32, #tpu.memory_space<hbm>> -> memref<128x128xf32, #tpu.memory_space<hbm>>
      tpu.wait_dma2 semaphore(%run_scoped3A : memref<!tpu.dma_semaphore, #tpu.memory_space<semaphore_mem>>) src(%arg8 : memref<128x128xf32, #tpu.memory_space<vmem>>) dst(%dma_wait3A_82 : memref<128x128xf32, #tpu.memory_space<hbm>>)
      tpu.yield
    }) : () -> ()
    %mul3A_67 = arith.constant 5 : i32
    %mul3A_68 = arith.muli %arg1, %mul3A_67 : i32
    %mul3A_69 = arith.constant 128 : i32
    %mul3A_70 = arith.muli %mul3A_68, %mul3A_69 : i32
    %add3A_71 = arith.constant 512 : i32
    %add3A_72 = arith.addi %mul3A_70, %add3A_71 : i32
    "tpu.region"() ({
      %run_scoped3A = tpu.sem_alloc : memref<!tpu.dma_semaphore, #tpu.memory_space<semaphore_mem>>
      %dma_start3A = arith.constant 0 : i32
      %dma_start3A_73 = tpu.memref_slice %arg9[%add3A_72, %dma_start3A] : memref<10240x128xf32, #tpu.memory_space<vmem_shared>> -> memref<128x128xf32, #tpu.memory_space<vmem_shared>>
      %dma_start3A_74 = arith.constant 0 : i32
      %dma_start3A_75 = tpu.memref_slice %arg9[%add3A_72, %dma_start3A_74] : memref<10240x128xf32, #tpu.memory_space<vmem_shared>> -> memref<128x128xf32, #tpu.memory_space<vmem_shared>>
      tpu.enqueue_dma source(%dma_start3A_75 : memref<128x128xf32, #tpu.memory_space<vmem_shared>>) target(%arg8 : memref<128x128xf32, #tpu.memory_space<vmem>>) target_semaphore(%run_scoped3A : memref<!tpu.dma_semaphore, #tpu.memory_space<semaphore_mem>>)
      %dma_wait3A = arith.constant 0 : i32
      %dma_wait3A_76 = tpu.memref_slice %arg9[%add3A_72, %dma_wait3A] : memref<10240x128xf32, #tpu.memory_space<vmem_shared>> -> memref<128x128xf32, #tpu.memory_space<vmem_shared>>
      %dma_wait3A_77 = arith.constant 0 : i32
      %dma_wait3A_78 = tpu.memref_slice %arg9[%add3A_72, %dma_wait3A_77] : memref<10240x128xf32, #tpu.memory_space<vmem_shared>> -> memref<128x128xf32, #tpu.memory_space<vmem_shared>>
      tpu.wait_dma2 semaphore(%run_scoped3A : memref<!tpu.dma_semaphore, #tpu.memory_space<semaphore_mem>>) src(%dma_wait3A_78 : memref<128x128xf32, #tpu.memory_space<vmem_shared>>) dst(%arg8 : memref<128x128xf32, #tpu.memory_space<vmem>>)
      tpu.yield
    }) : () -> ()
    "tpu.region"() ({
      %run_scoped3A = tpu.sem_alloc : memref<!tpu.dma_semaphore, #tpu.memory_space<semaphore_mem>>
      %dma_start3A = arith.constant 0 : i32
      %dma_start3A_73 = tpu.memref_slice %arg5[%arg0, %add3A_72, %dma_start3A] : memref<2x10240x128xf32, #tpu.memory_space<hbm>> -> memref<1x128x128xf32, #tpu.memory_space<hbm>>
      %dma_start3A_74 = tpu.memref_squeeze %dma_start3A_73 : memref<1x128x128xf32, #tpu.memory_space<hbm>> -> memref<128x128xf32, #tpu.memory_space<hbm>>
      %dma_start3A_75 = arith.constant 0 : i32
      %dma_start3A_76 = tpu.memref_slice %arg5[%arg0, %add3A_72, %dma_start3A_75] : memref<2x10240x128xf32, #tpu.memory_space<hbm>> -> memref<1x128x128xf32, #tpu.memory_space<hbm>>
      %dma_start3A_77 = tpu.memref_squeeze %dma_start3A_76 : memref<1x128x128xf32, #tpu.memory_space<hbm>> -> memref<128x128xf32, #tpu.memory_space<hbm>>
      tpu.enqueue_dma source(%arg8 : memref<128x128xf32, #tpu.memory_space<vmem>>) target(%dma_start3A_77 : memref<128x128xf32, #tpu.memory_space<hbm>>) target_semaphore(%run_scoped3A : memref<!tpu.dma_semaphore, #tpu.memory_space<semaphore_mem>>)
      %dma_wait3A = arith.constant 0 : i32
      %dma_wait3A_78 = tpu.memref_slice %arg5[%arg0, %add3A_72, %dma_wait3A] : memref<2x10240x128xf32, #tpu.memory_space<hbm>> -> memref<1x128x128xf32, #tpu.memory_space<hbm>>
      %dma_wait3A_79 = tpu.memref_squeeze %dma_wait3A_78 : memref<1x128x128xf32, #tpu.memory_space<hbm>> -> memref<128x128xf32, #tpu.memory_space<hbm>>
      %dma_wait3A_80 = arith.constant 0 : i32
      %dma_wait3A_81 = tpu.memref_slice %arg5[%arg0, %add3A_72, %dma_wait3A_80] : memref<2x10240x128xf32, #tpu.memory_space<hbm>> -> memref<1x128x128xf32, #tpu.memory_space<hbm>>
      %dma_wait3A_82 = tpu.memref_squeeze %dma_wait3A_81 : memref<1x128x128xf32, #tpu.memory_space<hbm>> -> memref<128x128xf32, #tpu.memory_space<hbm>>
      tpu.wait_dma2 semaphore(%run_scoped3A : memref<!tpu.dma_semaphore, #tpu.memory_space<semaphore_mem>>) src(%arg8 : memref<128x128xf32, #tpu.memory_space<vmem>>) dst(%dma_wait3A_82 : memref<128x128xf32, #tpu.memory_space<hbm>>)
      tpu.yield
    }) : () -> ()
    return
  }
}

#map = affine_map<(d0, d1) -> (0, 0)>
#map1 = affine_map<(d0, d1) -> (0, 0, 0)>
module attributes {stable_mosaic.version = 14 : i64} {
  func.func @k(%arg0: i32, %arg1: i32, %arg2: memref<10000x128xf32, #tpu.memory_space<hbm>>, %arg3: memref<32x79x128xi32, #tpu.memory_space<hbm>>, %arg4: memref<32x79x128xi32, #tpu.memory_space<hbm>>, %arg5: memref<2x10240x128xf32, #tpu.memory_space<hbm>>, %arg6: memref<79x128xi32, #tpu.memory_space<vmem>>, %arg7: memref<79x128xi32, #tpu.memory_space<vmem>>, %arg8: memref<128x128xf32, #tpu.memory_space<vmem>>, %arg9: memref<10240x128xf32, #tpu.memory_space<vmem_shared>>, %arg10: memref<!tpu.dma_semaphore, #tpu.memory_space<semaphore_mem>>) attributes {dimension_semantics = [#tpu.dimension_semantics<core_parallel>, #tpu.dimension_semantics<subcore_parallel>], iteration_bounds = array<i64: 2, 16>, scalar_prefetch = 0 : i64, scratch_operands = 5 : i64, tpu.core_type = #tpu.core_type<sc_vector_subcore>, window_params = [{transform_indices = #map}, {transform_indices = #map1}, {transform_indices = #map1}, {transform_indices = #map1}]} {
    %mul3A = arith.constant 2 : i32
    %mul3A_0 = arith.muli %arg1, %mul3A : i32
    %add3A = arith.addi %mul3A_0, %arg0 : i32
    %scan3A = arith.constant 0 : i32
    %scan3A_1 = arith.constant 0 : i32
    %scan3A_2 = arith.constant 128 : i32
    %scan3A_3 = arith.addi %scan3A_1, %scan3A_2 : i32
    %scan3A_4 = arith.constant 1 : i32
    scf.for %scan3A_73 = %scan3A_1 to %scan3A_3 step %scan3A_4  : i32 {
      %broadcast_in_dim3A = arith.constant 0.000000e+00 : f32
      %broadcast_in_dim3A_74 = vector.broadcast %broadcast_in_dim3A : f32 to vector<16xf32>
      %swap3A = arith.index_cast %scan3A_73 : i32 to index
      %swap3A_75 = arith.constant 0 : index
      %swap3A_76 = tpu.vector_load %arg8[%swap3A, %swap3A_75] {strides = array<i32>} : memref<128x128xf32, #tpu.memory_space<vmem>>, vector<1x16xf32>,
      %swap3A_77 = vector.shape_cast %swap3A_76 : vector<1x16xf32> to vector<16xf32>
      %swap3A_78 = vector.shape_cast %broadcast_in_dim3A_74 : vector<16xf32> to vector<1x16xf32>
      tpu.vector_store %arg8[%swap3A, %swap3A_75], %swap3A_78 {strides = array<i32>} : memref<128x128xf32, #tpu.memory_space<vmem>>, vector<1x16xf32>,
      %broadcast_in_dim3A_79 = arith.constant 0.000000e+00 : f32
      %broadcast_in_dim3A_80 = vector.broadcast %broadcast_in_dim3A_79 : f32 to vector<16xf32>
      %swap3A_81 = arith.index_cast %scan3A_73 : i32 to index
      %swap3A_82 = arith.constant 16 : index
      %swap3A_83 = tpu.vector_load %arg8[%swap3A_81, %swap3A_82] {strides = array<i32>} : memref<128x128xf32, #tpu.memory_space<vmem>>, vector<1x16xf32>,
      %swap3A_84 = vector.shape_cast %swap3A_83 : vector<1x16xf32> to vector<16xf32>
      %swap3A_85 = vector.shape_cast %broadcast_in_dim3A_80 : vector<16xf32> to vector<1x16xf32>
      tpu.vector_store %arg8[%swap3A_81, %swap3A_82], %swap3A_85 {strides = array<i32>} : memref<128x128xf32, #tpu.memory_space<vmem>>, vector<1x16xf32>,
      %broadcast_in_dim3A_86 = arith.constant 0.000000e+00 : f32
      %broadcast_in_dim3A_87 = vector.broadcast %broadcast_in_dim3A_86 : f32 to vector<16xf32>
      %swap3A_88 = arith.index_cast %scan3A_73 : i32 to index
      %swap3A_89 = arith.constant 32 : index
      %swap3A_90 = tpu.vector_load %arg8[%swap3A_88, %swap3A_89] {strides = array<i32>} : memref<128x128xf32, #tpu.memory_space<vmem>>, vector<1x16xf32>,
      %swap3A_91 = vector.shape_cast %swap3A_90 : vector<1x16xf32> to vector<16xf32>
      %swap3A_92 = vector.shape_cast %broadcast_in_dim3A_87 : vector<16xf32> to vector<1x16xf32>
      tpu.vector_store %arg8[%swap3A_88, %swap3A_89], %swap3A_92 {strides = array<i32>} : memref<128x128xf32, #tpu.memory_space<vmem>>, vector<1x16xf32>,
      %broadcast_in_dim3A_93 = arith.constant 0.000000e+00 : f32
      %broadcast_in_dim3A_94 = vector.broadcast %broadcast_in_dim3A_93 : f32 to vector<16xf32>
      %swap3A_95 = arith.index_cast %scan3A_73 : i32 to index
      %swap3A_96 = arith.constant 48 : index
      %swap3A_97 = tpu.vector_load %arg8[%swap3A_95, %swap3A_96] {strides = array<i32>} : memref<128x128xf32, #tpu.memory_space<vmem>>, vector<1x16xf32>,
      %swap3A_98 = vector.shape_cast %swap3A_97 : vector<1x16xf32> to vector<16xf32>
      %swap3A_99 = vector.shape_cast %broadcast_in_dim3A_94 : vector<16xf32> to vector<1x16xf32>
      tpu.vector_store %arg8[%swap3A_95, %swap3A_96], %swap3A_99 {strides = array<i32>} : memref<128x128xf32, #tpu.memory_space<vmem>>, vector<1x16xf32>,
      %broadcast_in_dim3A_100 = arith.constant 0.000000e+00 : f32
      %broadcast_in_dim3A_101 = vector.broadcast %broadcast_in_dim3A_100 : f32 to vector<16xf32>
      %swap3A_102 = arith.index_cast %scan3A_73 : i32 to index
      %swap3A_103 = arith.constant 64 : index
      %swap3A_104 = tpu.vector_load %arg8[%swap3A_102, %swap3A_103] {strides = array<i32>} : memref<128x128xf32, #tpu.memory_space<vmem>>, vector<1x16xf32>,
      %swap3A_105 = vector.shape_cast %swap3A_104 : vector<1x16xf32> to vector<16xf32>
      %swap3A_106 = vector.shape_cast %broadcast_in_dim3A_101 : vector<16xf32> to vector<1x16xf32>
      tpu.vector_store %arg8[%swap3A_102, %swap3A_103], %swap3A_106 {strides = array<i32>} : memref<128x128xf32, #tpu.memory_space<vmem>>, vector<1x16xf32>,
      %broadcast_in_dim3A_107 = arith.constant 0.000000e+00 : f32
      %broadcast_in_dim3A_108 = vector.broadcast %broadcast_in_dim3A_107 : f32 to vector<16xf32>
      %swap3A_109 = arith.index_cast %scan3A_73 : i32 to index
      %swap3A_110 = arith.constant 80 : index
      %swap3A_111 = tpu.vector_load %arg8[%swap3A_109, %swap3A_110] {strides = array<i32>} : memref<128x128xf32, #tpu.memory_space<vmem>>, vector<1x16xf32>,
      %swap3A_112 = vector.shape_cast %swap3A_111 : vector<1x16xf32> to vector<16xf32>
      %swap3A_113 = vector.shape_cast %broadcast_in_dim3A_108 : vector<16xf32> to vector<1x16xf32>
      tpu.vector_store %arg8[%swap3A_109, %swap3A_110], %swap3A_113 {strides = array<i32>} : memref<128x128xf32, #tpu.memory_space<vmem>>, vector<1x16xf32>,
      %broadcast_in_dim3A_114 = arith.constant 0.000000e+00 : f32
      %broadcast_in_dim3A_115 = vector.broadcast %broadcast_in_dim3A_114 : f32 to vector<16xf32>
      %swap3A_116 = arith.index_cast %scan3A_73 : i32 to index
      %swap3A_117 = arith.constant 96 : index
      %swap3A_118 = tpu.vector_load %arg8[%swap3A_116, %swap3A_117] {strides = array<i32>} : memref<128x128xf32, #tpu.memory_space<vmem>>, vector<1x16xf32>,
      %swap3A_119 = vector.shape_cast %swap3A_118 : vector<1x16xf32> to vector<16xf32>
      %swap3A_120 = vector.shape_cast %broadcast_in_dim3A_115 : vector<16xf32> to vector<1x16xf32>
      tpu.vector_store %arg8[%swap3A_116, %swap3A_117], %swap3A_120 {strides = array<i32>} : memref<128x128xf32, #tpu.memory_space<vmem>>, vector<1x16xf32>,
      %broadcast_in_dim3A_121 = arith.constant 0.000000e+00 : f32
      %broadcast_in_dim3A_122 = vector.broadcast %broadcast_in_dim3A_121 : f32 to vector<16xf32>
      %swap3A_123 = arith.index_cast %scan3A_73 : i32 to index
      %swap3A_124 = arith.constant 112 : index
      %swap3A_125 = tpu.vector_load %arg8[%swap3A_123, %swap3A_124] {strides = array<i32>} : memref<128x128xf32, #tpu.memory_space<vmem>>, vector<1x16xf32>,
      %swap3A_126 = vector.shape_cast %swap3A_125 : vector<1x16xf32> to vector<16xf32>
      %swap3A_127 = vector.shape_cast %broadcast_in_dim3A_122 : vector<16xf32> to vector<1x16xf32>
      tpu.vector_store %arg8[%swap3A_123, %swap3A_124], %swap3A_127 {strides = array<i32>} : memref<128x128xf32, #tpu.memory_space<vmem>>, vector<1x16xf32>,
    }
    %scan3A_5 = arith.constant 128 : i32
    %mul3A_6 = arith.constant 5 : i32
    %mul3A_7 = arith.muli %arg1, %mul3A_6 : i32
    %mul3A_8 = arith.constant 128 : i32
    %mul3A_9 = arith.muli %mul3A_7, %mul3A_8 : i32
    %add3A_10 = arith.constant 0 : i32
    %add3A_11 = arith.addi %mul3A_9, %add3A_10 : i32
    "tpu.region"() ({
      %run_scoped3A = tpu.sem_alloc : memref<!tpu.dma_semaphore, #tpu.memory_space<semaphore_mem>>
      %dma_start3A = arith.constant 0 : i32
      %dma_start3A_73 = tpu.memref_slice %arg9[%add3A_11, %dma_start3A] : memref<10240x128xf32, #tpu.memory_space<vmem_shared>> -> memref<128x128xf32, #tpu.memory_space<vmem_shared>>
      %dma_start3A_74 = arith.constant 0 : i32
      %dma_start3A_75 = tpu.memref_slice %arg9[%add3A_11, %dma_start3A_74] : memref<10240x128xf32, #tpu.memory_space<vmem_shared>> -> memref<128x128xf32, #tpu.memory_space<vmem_shared>>
      tpu.enqueue_dma source(%arg8 : memref<128x128xf32, #tpu.memory_space<vmem>>) target(%dma_start3A_75 : memref<128x128xf32, #tpu.memory_space<vmem_shared>>) target_semaphore(%run_scoped3A : memref<!tpu.dma_semaphore, #tpu.memory_space<semaphore_mem>>)
      %dma_wait3A = arith.constant 0 : i32
      %dma_wait3A_76 = tpu.memref_slice %arg9[%add3A_11, %dma_wait3A] : memref<10240x128xf32, #tpu.memory_space<vmem_shared>> -> memref<128x128xf32, #tpu.memory_space<vmem_shared>>
      %dma_wait3A_77 = arith.constant 0 : i32
      %dma_wait3A_78 = tpu.memref_slice %arg9[%add3A_11, %dma_wait3A_77] : memref<10240x128xf32, #tpu.memory_space<vmem_shared>> -> memref<128x128xf32, #tpu.memory_space<vmem_shared>>
      tpu.wait_dma2 semaphore(%run_scoped3A : memref<!tpu.dma_semaphore, #tpu.memory_space<semaphore_mem>>) src(%arg8 : memref<128x128xf32, #tpu.memory_space<vmem>>) dst(%dma_wait3A_78 : memref<128x128xf32, #tpu.memory_space<vmem_shared>>)
      tpu.yield
    }) : () -> ()
    %mul3A_12 = arith.constant 5 : i32
    %mul3A_13 = arith.muli %arg1, %mul3A_12 : i32
    %mul3A_14 = arith.constant 128 : i32
    %mul3A_15 = arith.muli %mul3A_13, %mul3A_14 : i32
    %add3A_16 = arith.constant 128 : i32
    %add3A_17 = arith.addi %mul3A_15, %add3A_16 : i32
    "tpu.region"() ({
      %run_scoped3A = tpu.sem_alloc : memref<!tpu.dma_semaphore, #tpu.memory_space<semaphore_mem>>
      %dma_start3A = arith.constant 0 : i32
      %dma_start3A_73 = tpu.memref_slice %arg9[%add3A_17, %dma_start3A] : memref<10240x128xf32, #tpu.memory_space<vmem_shared>> -> memref<128x128xf32, #tpu.memory_space<vmem_shared>>
      %dma_start3A_74 = arith.constant 0 : i32
      %dma_start3A_75 = tpu.memref_slice %arg9[%add3A_17, %dma_start3A_74] : memref<10240x128xf32, #tpu.memory_space<vmem_shared>> -> memref<128x128xf32, #tpu.memory_space<vmem_shared>>
      tpu.enqueue_dma source(%arg8 : memref<128x128xf32, #tpu.memory_space<vmem>>) target(%dma_start3A_75 : memref<128x128xf32, #tpu.memory_space<vmem_shared>>) target_semaphore(%run_scoped3A : memref<!tpu.dma_semaphore, #tpu.memory_space<semaphore_mem>>)
      %dma_wait3A = arith.constant 0 : i32
      %dma_wait3A_76 = tpu.memref_slice %arg9[%add3A_17, %dma_wait3A] : memref<10240x128xf32, #tpu.memory_space<vmem_shared>> -> memref<128x128xf32, #tpu.memory_space<vmem_shared>>
      %dma_wait3A_77 = arith.constant 0 : i32
      %dma_wait3A_78 = tpu.memref_slice %arg9[%add3A_17, %dma_wait3A_77] : memref<10240x128xf32, #tpu.memory_space<vmem_shared>> -> memref<128x128xf32, #tpu.memory_space<vmem_shared>>
      tpu.wait_dma2 semaphore(%run_scoped3A : memref<!tpu.dma_semaphore, #tpu.memory_space<semaphore_mem>>) src(%arg8 : memref<128x128xf32, #tpu.memory_space<vmem>>) dst(%dma_wait3A_78 : memref<128x128xf32, #tpu.memory_space<vmem_shared>>)
      tpu.yield
    }) : () -> ()
    %mul3A_18 = arith.constant 5 : i32
    %mul3A_19 = arith.muli %arg1, %mul3A_18 : i32
    %mul3A_20 = arith.constant 128 : i32
    %mul3A_21 = arith.muli %mul3A_19, %mul3A_20 : i32
    %add3A_22 = arith.constant 256 : i32
    %add3A_23 = arith.addi %mul3A_21, %add3A_22 : i32
    "tpu.region"() ({
      %run_scoped3A = tpu.sem_alloc : memref<!tpu.dma_semaphore, #tpu.memory_space<semaphore_mem>>
      %dma_start3A = arith.constant 0 : i32
      %dma_start3A_73 = tpu.memref_slice %arg9[%add3A_23, %dma_start3A] : memref<10240x128xf32, #tpu.memory_space<vmem_shared>> -> memref<128x128xf32, #tpu.memory_space<vmem_shared>>
      %dma_start3A_74 = arith.constant 0 : i32
      %dma_start3A_75 = tpu.memref_slice %arg9[%add3A_23, %dma_start3A_74] : memref<10240x128xf32, #tpu.memory_space<vmem_shared>> -> memref<128x128xf32, #tpu.memory_space<vmem_shared>>
      tpu.enqueue_dma source(%arg8 : memref<128x128xf32, #tpu.memory_space<vmem>>) target(%dma_start3A_75 : memref<128x128xf32, #tpu.memory_space<vmem_shared>>) target_semaphore(%run_scoped3A : memref<!tpu.dma_semaphore, #tpu.memory_space<semaphore_mem>>)
      %dma_wait3A = arith.constant 0 : i32
      %dma_wait3A_76 = tpu.memref_slice %arg9[%add3A_23, %dma_wait3A] : memref<10240x128xf32, #tpu.memory_space<vmem_shared>> -> memref<128x128xf32, #tpu.memory_space<vmem_shared>>
      %dma_wait3A_77 = arith.constant 0 : i32
      %dma_wait3A_78 = tpu.memref_slice %arg9[%add3A_23, %dma_wait3A_77] : memref<10240x128xf32, #tpu.memory_space<vmem_shared>> -> memref<128x128xf32, #tpu.memory_space<vmem_shared>>
      tpu.wait_dma2 semaphore(%run_scoped3A : memref<!tpu.dma_semaphore, #tpu.memory_space<semaphore_mem>>) src(%arg8 : memref<128x128xf32, #tpu.memory_space<vmem>>) dst(%dma_wait3A_78 : memref<128x128xf32, #tpu.memory_space<vmem_shared>>)
      tpu.yield
    }) : () -> ()
    %mul3A_24 = arith.constant 5 : i32
    %mul3A_25 = arith.muli %arg1, %mul3A_24 : i32
    %mul3A_26 = arith.constant 128 : i32
    %mul3A_27 = arith.muli %mul3A_25, %mul3A_26 : i32
    %add3A_28 = arith.constant 384 : i32
    %add3A_29 = arith.addi %mul3A_27, %add3A_28 : i32
    "tpu.region"() ({
      %run_scoped3A = tpu.sem_alloc : memref<!tpu.dma_semaphore, #tpu.memory_space<semaphore_mem>>
      %dma_start3A = arith.constant 0 : i32
      %dma_start3A_73 = tpu.memref_slice %arg9[%add3A_29, %dma_start3A] : memref<10240x128xf32, #tpu.memory_space<vmem_shared>> -> memref<128x128xf32, #tpu.memory_space<vmem_shared>>
      %dma_start3A_74 = arith.constant 0 : i32
      %dma_start3A_75 = tpu.memref_slice %arg9[%add3A_29, %dma_start3A_74] : memref<10240x128xf32, #tpu.memory_space<vmem_shared>> -> memref<128x128xf32, #tpu.memory_space<vmem_shared>>
      tpu.enqueue_dma source(%arg8 : memref<128x128xf32, #tpu.memory_space<vmem>>) target(%dma_start3A_75 : memref<128x128xf32, #tpu.memory_space<vmem_shared>>) target_semaphore(%run_scoped3A : memref<!tpu.dma_semaphore, #tpu.memory_space<semaphore_mem>>)
      %dma_wait3A = arith.constant 0 : i32
      %dma_wait3A_76 = tpu.memref_slice %arg9[%add3A_29, %dma_wait3A] : memref<10240x128xf32, #tpu.memory_space<vmem_shared>> -> memref<128x128xf32, #tpu.memory_space<vmem_shared>>
      %dma_wait3A_77 = arith.constant 0 : i32
      %dma_wait3A_78 = tpu.memref_slice %arg9[%add3A_29, %dma_wait3A_77] : memref<10240x128xf32, #tpu.memory_space<vmem_shared>> -> memref<128x128xf32, #tpu.memory_space<vmem_shared>>
      tpu.wait_dma2 semaphore(%run_scoped3A : memref<!tpu.dma_semaphore, #tpu.memory_space<semaphore_mem>>) src(%arg8 : memref<128x128xf32, #tpu.memory_space<vmem>>) dst(%dma_wait3A_78 : memref<128x128xf32, #tpu.memory_space<vmem_shared>>)
      tpu.yield
    }) : () -> ()
    %mul3A_30 = arith.constant 5 : i32
    %mul3A_31 = arith.muli %arg1, %mul3A_30 : i32
    %mul3A_32 = arith.constant 128 : i32
    %mul3A_33 = arith.muli %mul3A_31, %mul3A_32 : i32
    %add3A_34 = arith.constant 512 : i32
    %add3A_35 = arith.addi %mul3A_33, %add3A_34 : i32
    "tpu.region"() ({
      %run_scoped3A = tpu.sem_alloc : memref<!tpu.dma_semaphore, #tpu.memory_space<semaphore_mem>>
      %dma_start3A = arith.constant 0 : i32
      %dma_start3A_73 = tpu.memref_slice %arg9[%add3A_35, %dma_start3A] : memref<10240x128xf32, #tpu.memory_space<vmem_shared>> -> memref<128x128xf32, #tpu.memory_space<vmem_shared>>
      %dma_start3A_74 = arith.constant 0 : i32
      %dma_start3A_75 = tpu.memref_slice %arg9[%add3A_35, %dma_start3A_74] : memref<10240x128xf32, #tpu.memory_space<vmem_shared>> -> memref<128x128xf32, #tpu.memory_space<vmem_shared>>
      tpu.enqueue_dma source(%arg8 : memref<128x128xf32, #tpu.memory_space<vmem>>) target(%dma_start3A_75 : memref<128x128xf32, #tpu.memory_space<vmem_shared>>) target_semaphore(%run_scoped3A : memref<!tpu.dma_semaphore, #tpu.memory_space<semaphore_mem>>)
      %dma_wait3A = arith.constant 0 : i32
      %dma_wait3A_76 = tpu.memref_slice %arg9[%add3A_35, %dma_wait3A] : memref<10240x128xf32, #tpu.memory_space<vmem_shared>> -> memref<128x128xf32, #tpu.memory_space<vmem_shared>>
      %dma_wait3A_77 = arith.constant 0 : i32
      %dma_wait3A_78 = tpu.memref_slice %arg9[%add3A_35, %dma_wait3A_77] : memref<10240x128xf32, #tpu.memory_space<vmem_shared>> -> memref<128x128xf32, #tpu.memory_space<vmem_shared>>
      tpu.wait_dma2 semaphore(%run_scoped3A : memref<!tpu.dma_semaphore, #tpu.memory_space<semaphore_mem>>) src(%arg8 : memref<128x128xf32, #tpu.memory_space<vmem>>) dst(%dma_wait3A_78 : memref<128x128xf32, #tpu.memory_space<vmem_shared>>)
      tpu.yield
    }) : () -> ()
    "tpu.region"() ({
      %run_scoped3A = tpu.sem_alloc : memref<!tpu.dma_semaphore, #tpu.memory_space<semaphore_mem>>
      %dma_start3A = arith.constant 0 : i32
      %dma_start3A_73 = arith.constant 0 : i32
      %dma_start3A_74 = tpu.memref_slice %arg3[%add3A, %dma_start3A, %dma_start3A_73] : memref<32x79x128xi32, #tpu.memory_space<hbm>> -> memref<1x79x128xi32, #tpu.memory_space<hbm>>
      %dma_start3A_75 = tpu.memref_squeeze %dma_start3A_74 : memref<1x79x128xi32, #tpu.memory_space<hbm>> -> memref<79x128xi32, #tpu.memory_space<hbm>>
      %dma_start3A_76 = arith.constant 0 : i32
      %dma_start3A_77 = arith.constant 0 : i32
      %dma_start3A_78 = tpu.memref_slice %arg3[%add3A, %dma_start3A_76, %dma_start3A_77] : memref<32x79x128xi32, #tpu.memory_space<hbm>> -> memref<1x79x128xi32, #tpu.memory_space<hbm>>
      %dma_start3A_79 = tpu.memref_squeeze %dma_start3A_78 : memref<1x79x128xi32, #tpu.memory_space<hbm>> -> memref<79x128xi32, #tpu.memory_space<hbm>>
      tpu.enqueue_dma source(%dma_start3A_79 : memref<79x128xi32, #tpu.memory_space<hbm>>) target(%arg6 : memref<79x128xi32, #tpu.memory_space<vmem>>) target_semaphore(%run_scoped3A : memref<!tpu.dma_semaphore, #tpu.memory_space<semaphore_mem>>)
      %dma_wait3A = arith.constant 0 : i32
      %dma_wait3A_80 = arith.constant 0 : i32
      %dma_wait3A_81 = tpu.memref_slice %arg3[%add3A, %dma_wait3A, %dma_wait3A_80] : memref<32x79x128xi32, #tpu.memory_space<hbm>> -> memref<1x79x128xi32, #tpu.memory_space<hbm>>
      %dma_wait3A_82 = tpu.memref_squeeze %dma_wait3A_81 : memref<1x79x128xi32, #tpu.memory_space<hbm>> -> memref<79x128xi32, #tpu.memory_space<hbm>>
      %dma_wait3A_83 = arith.constant 0 : i32
      %dma_wait3A_84 = arith.constant 0 : i32
      %dma_wait3A_85 = tpu.memref_slice %arg3[%add3A, %dma_wait3A_83, %dma_wait3A_84] : memref<32x79x128xi32, #tpu.memory_space<hbm>> -> memref<1x79x128xi32, #tpu.memory_space<hbm>>
      %dma_wait3A_86 = tpu.memref_squeeze %dma_wait3A_85 : memref<1x79x128xi32, #tpu.memory_space<hbm>> -> memref<79x128xi32, #tpu.memory_space<hbm>>
      tpu.wait_dma2 semaphore(%run_scoped3A : memref<!tpu.dma_semaphore, #tpu.memory_space<semaphore_mem>>) src(%dma_wait3A_86 : memref<79x128xi32, #tpu.memory_space<hbm>>) dst(%arg6 : memref<79x128xi32, #tpu.memory_space<vmem>>)
      tpu.yield
    }) : () -> ()
    "tpu.region"() ({
      %run_scoped3A = tpu.sem_alloc : memref<!tpu.dma_semaphore, #tpu.memory_space<semaphore_mem>>
      %dma_start3A = arith.constant 0 : i32
      %dma_start3A_73 = arith.constant 0 : i32
      %dma_start3A_74 = tpu.memref_slice %arg4[%add3A, %dma_start3A, %dma_start3A_73] : memref<32x79x128xi32, #tpu.memory_space<hbm>> -> memref<1x79x128xi32, #tpu.memory_space<hbm>>
      %dma_start3A_75 = tpu.memref_squeeze %dma_start3A_74 : memref<1x79x128xi32, #tpu.memory_space<hbm>> -> memref<79x128xi32, #tpu.memory_space<hbm>>
      %dma_start3A_76 = arith.constant 0 : i32
      %dma_start3A_77 = arith.constant 0 : i32
      %dma_start3A_78 = tpu.memref_slice %arg4[%add3A, %dma_start3A_76, %dma_start3A_77] : memref<32x79x128xi32, #tpu.memory_space<hbm>> -> memref<1x79x128xi32, #tpu.memory_space<hbm>>
      %dma_start3A_79 = tpu.memref_squeeze %dma_start3A_78 : memref<1x79x128xi32, #tpu.memory_space<hbm>> -> memref<79x128xi32, #tpu.memory_space<hbm>>
      tpu.enqueue_dma source(%dma_start3A_79 : memref<79x128xi32, #tpu.memory_space<hbm>>) target(%arg7 : memref<79x128xi32, #tpu.memory_space<vmem>>) target_semaphore(%run_scoped3A : memref<!tpu.dma_semaphore, #tpu.memory_space<semaphore_mem>>)
      %dma_wait3A = arith.constant 0 : i32
      %dma_wait3A_80 = arith.constant 0 : i32
      %dma_wait3A_81 = tpu.memref_slice %arg4[%add3A, %dma_wait3A, %dma_wait3A_80] : memref<32x79x128xi32, #tpu.memory_space<hbm>> -> memref<1x79x128xi32, #tpu.memory_space<hbm>>
      %dma_wait3A_82 = tpu.memref_squeeze %dma_wait3A_81 : memref<1x79x128xi32, #tpu.memory_space<hbm>> -> memref<79x128xi32, #tpu.memory_space<hbm>>
      %dma_wait3A_83 = arith.constant 0 : i32
      %dma_wait3A_84 = arith.constant 0 : i32
      %dma_wait3A_85 = tpu.memref_slice %arg4[%add3A, %dma_wait3A_83, %dma_wait3A_84] : memref<32x79x128xi32, #tpu.memory_space<hbm>> -> memref<1x79x128xi32, #tpu.memory_space<hbm>>
      %dma_wait3A_86 = tpu.memref_squeeze %dma_wait3A_85 : memref<1x79x128xi32, #tpu.memory_space<hbm>> -> memref<79x128xi32, #tpu.memory_space<hbm>>
      tpu.wait_dma2 semaphore(%run_scoped3A : memref<!tpu.dma_semaphore, #tpu.memory_space<semaphore_mem>>) src(%dma_wait3A_86 : memref<79x128xi32, #tpu.memory_space<hbm>>) dst(%arg7 : memref<79x128xi32, #tpu.memory_space<vmem>>)
      tpu.yield
    }) : () -> ()
    %barrier3A = arith.constant 0 : index
    tpu.barrier barrier_id(%barrier3A)
    %scan3A_36 = arith.constant 0 : i32
    %scan3A_37 = arith.constant 0 : i32
    %scan3A_38 = arith.constant 79 : i32
    %scan3A_39 = arith.addi %scan3A_37, %scan3A_38 : i32
    %scan3A_40 = arith.constant 1 : i32
    scf.for %scan3A_73 = %scan3A_37 to %scan3A_39 step %scan3A_40  : i32 {
      %dma_start3A = arith.constant 0 : i32
      %dma_start3A_74 = tpu.memref_slice %arg6[%scan3A_73, %dma_start3A] : memref<79x128xi32, #tpu.memory_space<vmem>> -> memref<1x128xi32, #tpu.memory_space<vmem>>
      %dma_start3A_75 = tpu.memref_squeeze %dma_start3A_74 : memref<1x128xi32, #tpu.memory_space<vmem>> -> memref<128xi32, #tpu.memory_space<vmem>>
      %dma_start3A_76 = arith.constant 0 : i32
      %dma_start3A_77 = arith.constant 0 : i32
      %dma_start3A_78 = tpu.memref_slice %arg2[%dma_start3A_76, %dma_start3A_77] : memref<10000x128xf32, #tpu.memory_space<hbm>> -> memref<10000x128xf32, #tpu.memory_space<hbm>>
      tpu.enqueue_indirect_dma source(%dma_start3A_78 : memref<10000x128xf32, #tpu.memory_space<hbm>>) target(%arg8 : memref<128x128xf32, #tpu.memory_space<vmem>>) offsets(%dma_start3A_75 : memref<128xi32, #tpu.memory_space<vmem>>) semaphore(%arg10 : memref<!tpu.dma_semaphore, #tpu.memory_space<semaphore_mem>>)
      %dma_wait3A = arith.constant 0 : i32
      %dma_wait3A_79 = tpu.memref_slice %arg6[%scan3A_73, %dma_wait3A] : memref<79x128xi32, #tpu.memory_space<vmem>> -> memref<1x128xi32, #tpu.memory_space<vmem>>
      %dma_wait3A_80 = tpu.memref_squeeze %dma_wait3A_79 : memref<1x128xi32, #tpu.memory_space<vmem>> -> memref<128xi32, #tpu.memory_space<vmem>>
      %dma_wait3A_81 = arith.constant 0 : i32
      %dma_wait3A_82 = arith.constant 0 : i32
      %dma_wait3A_83 = tpu.memref_slice %arg2[%dma_wait3A_81, %dma_wait3A_82] : memref<10000x128xf32, #tpu.memory_space<hbm>> -> memref<10000x128xf32, #tpu.memory_space<hbm>>
      tpu.wait_indirect_dma semaphore(%arg10 : memref<!tpu.dma_semaphore, #tpu.memory_space<semaphore_mem>>) src(%dma_wait3A_83 : memref<10000x128xf32, #tpu.memory_space<hbm>>) dst(%arg8 : memref<128x128xf32, #tpu.memory_space<vmem>>)
      "tpu.region"() ({
        %run_scoped3A = tpu.sem_alloc : memref<!tpu.dma_semaphore, #tpu.memory_space<semaphore_mem>>
        %dma_start3A_84 = arith.constant 0 : i32
        %dma_start3A_85 = tpu.memref_slice %arg7[%scan3A_73, %dma_start3A_84] : memref<79x128xi32, #tpu.memory_space<vmem>> -> memref<1x128xi32, #tpu.memory_space<vmem>>
        %dma_start3A_86 = tpu.memref_squeeze %dma_start3A_85 : memref<1x128xi32, #tpu.memory_space<vmem>> -> memref<128xi32, #tpu.memory_space<vmem>>
        %dma_start3A_87 = arith.constant 0 : i32
        %dma_start3A_88 = arith.constant 0 : i32
        %dma_start3A_89 = tpu.memref_slice %arg9[%dma_start3A_87, %dma_start3A_88] : memref<10240x128xf32, #tpu.memory_space<vmem_shared>> -> memref<10240x128xf32, #tpu.memory_space<vmem_shared>>
        tpu.enqueue_indirect_dma source(%arg8 : memref<128x128xf32, #tpu.memory_space<vmem>>) target(%dma_start3A_89 : memref<10240x128xf32, #tpu.memory_space<vmem_shared>>) offsets(%dma_start3A_86 : memref<128xi32, #tpu.memory_space<vmem>>) semaphore(%run_scoped3A : memref<!tpu.dma_semaphore, #tpu.memory_space<semaphore_mem>>) {add = true}
        %dma_wait3A_90 = arith.constant 0 : i32
        %dma_wait3A_91 = tpu.memref_slice %arg7[%scan3A_73, %dma_wait3A_90] : memref<79x128xi32, #tpu.memory_space<vmem>> -> memref<1x128xi32, #tpu.memory_space<vmem>>
        %dma_wait3A_92 = tpu.memref_squeeze %dma_wait3A_91 : memref<1x128xi32, #tpu.memory_space<vmem>> -> memref<128xi32, #tpu.memory_space<vmem>>
        %dma_wait3A_93 = arith.constant 0 : i32
        %dma_wait3A_94 = arith.constant 0 : i32
        %dma_wait3A_95 = tpu.memref_slice %arg9[%dma_wait3A_93, %dma_wait3A_94] : memref<10240x128xf32, #tpu.memory_space<vmem_shared>> -> memref<10240x128xf32, #tpu.memory_space<vmem_shared>>
        tpu.wait_indirect_dma semaphore(%run_scoped3A : memref<!tpu.dma_semaphore, #tpu.memory_space<semaphore_mem>>) src(%arg8 : memref<128x128xf32, #tpu.memory_space<vmem>>) dst(%dma_wait3A_95 : memref<10240x128xf32, #tpu.memory_space<vmem_shared>>)
        tpu.yield
      }) : () -> ()
    }
    %scan3A_41 = arith.constant 79 : i32
    %barrier3A_42 = arith.constant 0 : index
    tpu.barrier barrier_id(%barrier3A_42)
    %mul3A_43 = arith.constant 5 : i32
    %mul3A_44 = arith.muli %arg1, %mul3A_43 : i32
    %mul3A_45 = arith.constant 128 : i32
    %mul3A_46 = arith.muli %mul3A_44, %mul3A_45 : i32
    %add3A_47 = arith.constant 0 : i32
    %add3A_48 = arith.addi %mul3A_46, %add3A_47 : i32
    "tpu.region"() ({
      %run_scoped3A = tpu.sem_alloc : memref<!tpu.dma_semaphore, #tpu.memory_space<semaphore_mem>>
      %dma_start3A = arith.constant 0 : i32
      %dma_start3A_73 = tpu.memref_slice %arg9[%add3A_48, %dma_start3A] : memref<10240x128xf32, #tpu.memory_space<vmem_shared>> -> memref<128x128xf32, #tpu.memory_space<vmem_shared>>
      %dma_start3A_74 = arith.constant 0 : i32
      %dma_start3A_75 = tpu.memref_slice %arg9[%add3A_48, %dma_start3A_74] : memref<10240x128xf32, #tpu.memory_space<vmem_shared>> -> memref<128x128xf32, #tpu.memory_space<vmem_shared>>
      tpu.enqueue_dma source(%dma_start3A_75 : memref<128x128xf32, #tpu.memory_space<vmem_shared>>) target(%arg8 : memref<128x128xf32, #tpu.memory_space<vmem>>) target_semaphore(%run_scoped3A : memref<!tpu.dma_semaphore, #tpu.memory_space<semaphore_mem>>)
      %dma_wait3A = arith.constant 0 : i32
      %dma_wait3A_76 = tpu.memref_slice %arg9[%add3A_48, %dma_wait3A] : memref<10240x128xf32, #tpu.memory_space<vmem_shared>> -> memref<128x128xf32, #tpu.memory_space<vmem_shared>>
      %dma_wait3A_77 = arith.constant 0 : i32
      %dma_wait3A_78 = tpu.memref_slice %arg9[%add3A_48, %dma_wait3A_77] : memref<10240x128xf32, #tpu.memory_space<vmem_shared>> -> memref<128x128xf32, #tpu.memory_space<vmem_shared>>
      tpu.wait_dma2 semaphore(%run_scoped3A : memref<!tpu.dma_semaphore, #tpu.memory_space<semaphore_mem>>) src(%dma_wait3A_78 : memref<128x128xf32, #tpu.memory_space<vmem_shared>>) dst(%arg8 : memref<128x128xf32, #tpu.memory_space<vmem>>)
      tpu.yield
    }) : () -> ()
    "tpu.region"() ({
      %run_scoped3A = tpu.sem_alloc : memref<!tpu.dma_semaphore, #tpu.memory_space<semaphore_mem>>
      %dma_start3A = arith.constant 0 : i32
      %dma_start3A_73 = tpu.memref_slice %arg5[%arg0, %add3A_48, %dma_start3A] : memref<2x10240x128xf32, #tpu.memory_space<hbm>> -> memref<1x128x128xf32, #tpu.memory_space<hbm>>
      %dma_start3A_74 = tpu.memref_squeeze %dma_start3A_73 : memref<1x128x128xf32, #tpu.memory_space<hbm>> -> memref<128x128xf32, #tpu.memory_space<hbm>>
      %dma_start3A_75 = arith.constant 0 : i32
      %dma_start3A_76 = tpu.memref_slice %arg5[%arg0, %add3A_48, %dma_start3A_75] : memref<2x10240x128xf32, #tpu.memory_space<hbm>> -> memref<1x128x128xf32, #tpu.memory_space<hbm>>
      %dma_start3A_77 = tpu.memref_squeeze %dma_start3A_76 : memref<1x128x128xf32, #tpu.memory_space<hbm>> -> memref<128x128xf32, #tpu.memory_space<hbm>>
      tpu.enqueue_dma source(%arg8 : memref<128x128xf32, #tpu.memory_space<vmem>>) target(%dma_start3A_77 : memref<128x128xf32, #tpu.memory_space<hbm>>) target_semaphore(%run_scoped3A : memref<!tpu.dma_semaphore, #tpu.memory_space<semaphore_mem>>)
      %dma_wait3A = arith.constant 0 : i32
      %dma_wait3A_78 = tpu.memref_slice %arg5[%arg0, %add3A_48, %dma_wait3A] : memref<2x10240x128xf32, #tpu.memory_space<hbm>> -> memref<1x128x128xf32, #tpu.memory_space<hbm>>
      %dma_wait3A_79 = tpu.memref_squeeze %dma_wait3A_78 : memref<1x128x128xf32, #tpu.memory_space<hbm>> -> memref<128x128xf32, #tpu.memory_space<hbm>>
      %dma_wait3A_80 = arith.constant 0 : i32
      %dma_wait3A_81 = tpu.memref_slice %arg5[%arg0, %add3A_48, %dma_wait3A_80] : memref<2x10240x128xf32, #tpu.memory_space<hbm>> -> memref<1x128x128xf32, #tpu.memory_space<hbm>>
      %dma_wait3A_82 = tpu.memref_squeeze %dma_wait3A_81 : memref<1x128x128xf32, #tpu.memory_space<hbm>> -> memref<128x128xf32, #tpu.memory_space<hbm>>
      tpu.wait_dma2 semaphore(%run_scoped3A : memref<!tpu.dma_semaphore, #tpu.memory_space<semaphore_mem>>) src(%arg8 : memref<128x128xf32, #tpu.memory_space<vmem>>) dst(%dma_wait3A_82 : memref<128x128xf32, #tpu.memory_space<hbm>>)
      tpu.yield
    }) : () -> ()
    %mul3A_49 = arith.constant 5 : i32
    %mul3A_50 = arith.muli %arg1, %mul3A_49 : i32
    %mul3A_51 = arith.constant 128 : i32
    %mul3A_52 = arith.muli %mul3A_50, %mul3A_51 : i32
    %add3A_53 = arith.constant 128 : i32
    %add3A_54 = arith.addi %mul3A_52, %add3A_53 : i32
    "tpu.region"() ({
      %run_scoped3A = tpu.sem_alloc : memref<!tpu.dma_semaphore, #tpu.memory_space<semaphore_mem>>
      %dma_start3A = arith.constant 0 : i32
      %dma_start3A_73 = tpu.memref_slice %arg9[%add3A_54, %dma_start3A] : memref<10240x128xf32, #tpu.memory_space<vmem_shared>> -> memref<128x128xf32, #tpu.memory_space<vmem_shared>>
      %dma_start3A_74 = arith.constant 0 : i32
      %dma_start3A_75 = tpu.memref_slice %arg9[%add3A_54, %dma_start3A_74] : memref<10240x128xf32, #tpu.memory_space<vmem_shared>> -> memref<128x128xf32, #tpu.memory_space<vmem_shared>>
      tpu.enqueue_dma source(%dma_start3A_75 : memref<128x128xf32, #tpu.memory_space<vmem_shared>>) target(%arg8 : memref<128x128xf32, #tpu.memory_space<vmem>>) target_semaphore(%run_scoped3A : memref<!tpu.dma_semaphore, #tpu.memory_space<semaphore_mem>>)
      %dma_wait3A = arith.constant 0 : i32
      %dma_wait3A_76 = tpu.memref_slice %arg9[%add3A_54, %dma_wait3A] : memref<10240x128xf32, #tpu.memory_space<vmem_shared>> -> memref<128x128xf32, #tpu.memory_space<vmem_shared>>
      %dma_wait3A_77 = arith.constant 0 : i32
      %dma_wait3A_78 = tpu.memref_slice %arg9[%add3A_54, %dma_wait3A_77] : memref<10240x128xf32, #tpu.memory_space<vmem_shared>> -> memref<128x128xf32, #tpu.memory_space<vmem_shared>>
      tpu.wait_dma2 semaphore(%run_scoped3A : memref<!tpu.dma_semaphore, #tpu.memory_space<semaphore_mem>>) src(%dma_wait3A_78 : memref<128x128xf32, #tpu.memory_space<vmem_shared>>) dst(%arg8 : memref<128x128xf32, #tpu.memory_space<vmem>>)
      tpu.yield
    }) : () -> ()
    "tpu.region"() ({
      %run_scoped3A = tpu.sem_alloc : memref<!tpu.dma_semaphore, #tpu.memory_space<semaphore_mem>>
      %dma_start3A = arith.constant 0 : i32
      %dma_start3A_73 = tpu.memref_slice %arg5[%arg0, %add3A_54, %dma_start3A] : memref<2x10240x128xf32, #tpu.memory_space<hbm>> -> memref<1x128x128xf32, #tpu.memory_space<hbm>>
      %dma_start3A_74 = tpu.memref_squeeze %dma_start3A_73 : memref<1x128x128xf32, #tpu.memory_space<hbm>> -> memref<128x128xf32, #tpu.memory_space<hbm>>
      %dma_start3A_75 = arith.constant 0 : i32
      %dma_start3A_76 = tpu.memref_slice %arg5[%arg0, %add3A_54, %dma_start3A_75] : memref<2x10240x128xf32, #tpu.memory_space<hbm>> -> memref<1x128x128xf32, #tpu.memory_space<hbm>>
      %dma_start3A_77 = tpu.memref_squeeze %dma_start3A_76 : memref<1x128x128xf32, #tpu.memory_space<hbm>> -> memref<128x128xf32, #tpu.memory_space<hbm>>
      tpu.enqueue_dma source(%arg8 : memref<128x128xf32, #tpu.memory_space<vmem>>) target(%dma_start3A_77 : memref<128x128xf32, #tpu.memory_space<hbm>>) target_semaphore(%run_scoped3A : memref<!tpu.dma_semaphore, #tpu.memory_space<semaphore_mem>>)
      %dma_wait3A = arith.constant 0 : i32
      %dma_wait3A_78 = tpu.memref_slice %arg5[%arg0, %add3A_54, %dma_wait3A] : memref<2x10240x128xf32, #tpu.memory_space<hbm>> -> memref<1x128x128xf32, #tpu.memory_space<hbm>>
      %dma_wait3A_79 = tpu.memref_squeeze %dma_wait3A_78 : memref<1x128x128xf32, #tpu.memory_space<hbm>> -> memref<128x128xf32, #tpu.memory_space<hbm>>
      %dma_wait3A_80 = arith.constant 0 : i32
      %dma_wait3A_81 = tpu.memref_slice %arg5[%arg0, %add3A_54, %dma_wait3A_80] : memref<2x10240x128xf32, #tpu.memory_space<hbm>> -> memref<1x128x128xf32, #tpu.memory_space<hbm>>
      %dma_wait3A_82 = tpu.memref_squeeze %dma_wait3A_81 : memref<1x128x128xf32, #tpu.memory_space<hbm>> -> memref<128x128xf32, #tpu.memory_space<hbm>>
      tpu.wait_dma2 semaphore(%run_scoped3A : memref<!tpu.dma_semaphore, #tpu.memory_space<semaphore_mem>>) src(%arg8 : memref<128x128xf32, #tpu.memory_space<vmem>>) dst(%dma_wait3A_82 : memref<128x128xf32, #tpu.memory_space<hbm>>)
      tpu.yield
    }) : () -> ()
    %mul3A_55 = arith.constant 5 : i32
    %mul3A_56 = arith.muli %arg1, %mul3A_55 : i32
    %mul3A_57 = arith.constant 128 : i32
    %mul3A_58 = arith.muli %mul3A_56, %mul3A_57 : i32
    %add3A_59 = arith.constant 256 : i32
    %add3A_60 = arith.addi %mul3A_58, %add3A_59 : i32
    "tpu.region"() ({
      %run_scoped3A = tpu.sem_alloc : memref<!tpu.dma_semaphore, #tpu.memory_space<semaphore_mem>>
      %dma_start3A = arith.constant 0 : i32
      %dma_start3A_73 = tpu.memref_slice %arg9[%add3A_60, %dma_start3A] : memref<10240x128xf32, #tpu.memory_space<vmem_shared>> -> memref<128x128xf32, #tpu.memory_space<vmem_shared>>
      %dma_start3A_74 = arith.constant 0 : i32
      %dma_start3A_75 = tpu.memref_slice %arg9[%add3A_60, %dma_start3A_74] : memref<10240x128xf32, #tpu.memory_space<vmem_shared>> -> memref<128x128xf32, #tpu.memory_space<vmem_shared>>
      tpu.enqueue_dma source(%dma_start3A_75 : memref<128x128xf32, #tpu.memory_space<vmem_shared>>) target(%arg8 : memref<128x128xf32, #tpu.memory_space<vmem>>) target_semaphore(%run_scoped3A : memref<!tpu.dma_semaphore, #tpu.memory_space<semaphore_mem>>)
      %dma_wait3A = arith.constant 0 : i32
      %dma_wait3A_76 = tpu.memref_slice %arg9[%add3A_60, %dma_wait3A] : memref<10240x128xf32, #tpu.memory_space<vmem_shared>> -> memref<128x128xf32, #tpu.memory_space<vmem_shared>>
      %dma_wait3A_77 = arith.constant 0 : i32
      %dma_wait3A_78 = tpu.memref_slice %arg9[%add3A_60, %dma_wait3A_77] : memref<10240x128xf32, #tpu.memory_space<vmem_shared>> -> memref<128x128xf32, #tpu.memory_space<vmem_shared>>
      tpu.wait_dma2 semaphore(%run_scoped3A : memref<!tpu.dma_semaphore, #tpu.memory_space<semaphore_mem>>) src(%dma_wait3A_78 : memref<128x128xf32, #tpu.memory_space<vmem_shared>>) dst(%arg8 : memref<128x128xf32, #tpu.memory_space<vmem>>)
      tpu.yield
    }) : () -> ()
    "tpu.region"() ({
      %run_scoped3A = tpu.sem_alloc : memref<!tpu.dma_semaphore, #tpu.memory_space<semaphore_mem>>
      %dma_start3A = arith.constant 0 : i32
      %dma_start3A_73 = tpu.memref_slice %arg5[%arg0, %add3A_60, %dma_start3A] : memref<2x10240x128xf32, #tpu.memory_space<hbm>> -> memref<1x128x128xf32, #tpu.memory_space<hbm>>
      %dma_start3A_74 = tpu.memref_squeeze %dma_start3A_73 : memref<1x128x128xf32, #tpu.memory_space<hbm>> -> memref<128x128xf32, #tpu.memory_space<hbm>>
      %dma_start3A_75 = arith.constant 0 : i32
      %dma_start3A_76 = tpu.memref_slice %arg5[%arg0, %add3A_60, %dma_start3A_75] : memref<2x10240x128xf32, #tpu.memory_space<hbm>> -> memref<1x128x128xf32, #tpu.memory_space<hbm>>
      %dma_start3A_77 = tpu.memref_squeeze %dma_start3A_76 : memref<1x128x128xf32, #tpu.memory_space<hbm>> -> memref<128x128xf32, #tpu.memory_space<hbm>>
      tpu.enqueue_dma source(%arg8 : memref<128x128xf32, #tpu.memory_space<vmem>>) target(%dma_start3A_77 : memref<128x128xf32, #tpu.memory_space<hbm>>) target_semaphore(%run_scoped3A : memref<!tpu.dma_semaphore, #tpu.memory_space<semaphore_mem>>)
      %dma_wait3A = arith.constant 0 : i32
      %dma_wait3A_78 = tpu.memref_slice %arg5[%arg0, %add3A_60, %dma_wait3A] : memref<2x10240x128xf32, #tpu.memory_space<hbm>> -> memref<1x128x128xf32, #tpu.memory_space<hbm>>
      %dma_wait3A_79 = tpu.memref_squeeze %dma_wait3A_78 : memref<1x128x128xf32, #tpu.memory_space<hbm>> -> memref<128x128xf32, #tpu.memory_space<hbm>>
      %dma_wait3A_80 = arith.constant 0 : i32
      %dma_wait3A_81 = tpu.memref_slice %arg5[%arg0, %add3A_60, %dma_wait3A_80] : memref<2x10240x128xf32, #tpu.memory_space<hbm>> -> memref<1x128x128xf32, #tpu.memory_space<hbm>>
      %dma_wait3A_82 = tpu.memref_squeeze %dma_wait3A_81 : memref<1x128x128xf32, #tpu.memory_space<hbm>> -> memref<128x128xf32, #tpu.memory_space<hbm>>
      tpu.wait_dma2 semaphore(%run_scoped3A : memref<!tpu.dma_semaphore, #tpu.memory_space<semaphore_mem>>) src(%arg8 : memref<128x128xf32, #tpu.memory_space<vmem>>) dst(%dma_wait3A_82 : memref<128x128xf32, #tpu.memory_space<hbm>>)
      tpu.yield
    }) : () -> ()
    %mul3A_61 = arith.constant 5 : i32
    %mul3A_62 = arith.muli %arg1, %mul3A_61 : i32
    %mul3A_63 = arith.constant 128 : i32
    %mul3A_64 = arith.muli %mul3A_62, %mul3A_63 : i32
    %add3A_65 = arith.constant 384 : i32
    %add3A_66 = arith.addi %mul3A_64, %add3A_65 : i32
    "tpu.region"() ({
      %run_scoped3A = tpu.sem_alloc : memref<!tpu.dma_semaphore, #tpu.memory_space<semaphore_mem>>
      %dma_start3A = arith.constant 0 : i32
      %dma_start3A_73 = tpu.memref_slice %arg9[%add3A_66, %dma_start3A] : memref<10240x128xf32, #tpu.memory_space<vmem_shared>> -> memref<128x128xf32, #tpu.memory_space<vmem_shared>>
      %dma_start3A_74 = arith.constant 0 : i32
      %dma_start3A_75 = tpu.memref_slice %arg9[%add3A_66, %dma_start3A_74] : memref<10240x128xf32, #tpu.memory_space<vmem_shared>> -> memref<128x128xf32, #tpu.memory_space<vmem_shared>>
      tpu.enqueue_dma source(%dma_start3A_75 : memref<128x128xf32, #tpu.memory_space<vmem_shared>>) target(%arg8 : memref<128x128xf32, #tpu.memory_space<vmem>>) target_semaphore(%run_scoped3A : memref<!tpu.dma_semaphore, #tpu.memory_space<semaphore_mem>>)
      %dma_wait3A = arith.constant 0 : i32
      %dma_wait3A_76 = tpu.memref_slice %arg9[%add3A_66, %dma_wait3A] : memref<10240x128xf32, #tpu.memory_space<vmem_shared>> -> memref<128x128xf32, #tpu.memory_space<vmem_shared>>
      %dma_wait3A_77 = arith.constant 0 : i32
      %dma_wait3A_78 = tpu.memref_slice %arg9[%add3A_66, %dma_wait3A_77] : memref<10240x128xf32, #tpu.memory_space<vmem_shared>> -> memref<128x128xf32, #tpu.memory_space<vmem_shared>>
      tpu.wait_dma2 semaphore(%run_scoped3A : memref<!tpu.dma_semaphore, #tpu.memory_space<semaphore_mem>>) src(%dma_wait3A_78 : memref<128x128xf32, #tpu.memory_space<vmem_shared>>) dst(%arg8 : memref<128x128xf32, #tpu.memory_space<vmem>>)
      tpu.yield
    }) : () -> ()
    "tpu.region"() ({
      %run_scoped3A = tpu.sem_alloc : memref<!tpu.dma_semaphore, #tpu.memory_space<semaphore_mem>>
      %dma_start3A = arith.constant 0 : i32
      %dma_start3A_73 = tpu.memref_slice %arg5[%arg0, %add3A_66, %dma_start3A] : memref<2x10240x128xf32, #tpu.memory_space<hbm>> -> memref<1x128x128xf32, #tpu.memory_space<hbm>>
      %dma_start3A_74 = tpu.memref_squeeze %dma_start3A_73 : memref<1x128x128xf32, #tpu.memory_space<hbm>> -> memref<128x128xf32, #tpu.memory_space<hbm>>
      %dma_start3A_75 = arith.constant 0 : i32
      %dma_start3A_76 = tpu.memref_slice %arg5[%arg0, %add3A_66, %dma_start3A_75] : memref<2x10240x128xf32, #tpu.memory_space<hbm>> -> memref<1x128x128xf32, #tpu.memory_space<hbm>>
      %dma_start3A_77 = tpu.memref_squeeze %dma_start3A_76 : memref<1x128x128xf32, #tpu.memory_space<hbm>> -> memref<128x128xf32, #tpu.memory_space<hbm>>
      tpu.enqueue_dma source(%arg8 : memref<128x128xf32, #tpu.memory_space<vmem>>) target(%dma_start3A_77 : memref<128x128xf32, #tpu.memory_space<hbm>>) target_semaphore(%run_scoped3A : memref<!tpu.dma_semaphore, #tpu.memory_space<semaphore_mem>>)
      %dma_wait3A = arith.constant 0 : i32
      %dma_wait3A_78 = tpu.memref_slice %arg5[%arg0, %add3A_66, %dma_wait3A] : memref<2x10240x128xf32, #tpu.memory_space<hbm>> -> memref<1x128x128xf32, #tpu.memory_space<hbm>>
      %dma_wait3A_79 = tpu.memref_squeeze %dma_wait3A_78 : memref<1x128x128xf32, #tpu.memory_space<hbm>> -> memref<128x128xf32, #tpu.memory_space<hbm>>
      %dma_wait3A_80 = arith.constant 0 : i32
      %dma_wait3A_81 = tpu.memref_slice %arg5[%arg0, %add3A_66, %dma_wait3A_80] : memref<2x10240x128xf32, #tpu.memory_space<hbm>> -> memref<1x128x128xf32, #tpu.memory_space<hbm>>
      %dma_wait3A_82 = tpu.memref_squeeze %dma_wait3A_81 : memref<1x128x128xf32, #tpu.memory_space<hbm>> -> memref<128x128xf32, #tpu.memory_space<hbm>>
      tpu.wait_dma2 semaphore(%run_scoped3A : memref<!tpu.dma_semaphore, #tpu.memory_space<semaphore_mem>>) src(%arg8 : memref<128x128xf32, #tpu.memory_space<vmem>>) dst(%dma_wait3A_82 : memref<128x128xf32, #tpu.memory_space<hbm>>)
      tpu.yield
    }) : () -> ()
    %mul3A_67 = arith.constant 5 : i32
    %mul3A_68 = arith.muli %arg1, %mul3A_67 : i32
    %mul3A_69 = arith.constant 128 : i32
    %mul3A_70 = arith.muli %mul3A_68, %mul3A_69 : i32
    %add3A_71 = arith.constant 512 : i32
    %add3A_72 = arith.addi %mul3A_70, %add3A_71 : i32
    "tpu.region"() ({
      %run_scoped3A = tpu.sem_alloc : memref<!tpu.dma_semaphore, #tpu.memory_space<semaphore_mem>>
      %dma_start3A = arith.constant 0 : i32
      %dma_start3A_73 = tpu.memref_slice %arg9[%add3A_72, %dma_start3A] : memref<10240x128xf32, #tpu.memory_space<vmem_shared>> -> memref<128x128xf32, #tpu.memory_space<vmem_shared>>
      %dma_start3A_74 = arith.constant 0 : i32
      %dma_start3A_75 = tpu.memref_slice %arg9[%add3A_72, %dma_start3A_74] : memref<10240x128xf32, #tpu.memory_space<vmem_shared>> -> memref<128x128xf32, #tpu.memory_space<vmem_shared>>
      tpu.enqueue_dma source(%dma_start3A_75 : memref<128x128xf32, #tpu.memory_space<vmem_shared>>) target(%arg8 : memref<128x128xf32, #tpu.memory_space<vmem>>) target_semaphore(%run_scoped3A : memref<!tpu.dma_semaphore, #tpu.memory_space<semaphore_mem>>)
      %dma_wait3A = arith.constant 0 : i32
      %dma_wait3A_76 = tpu.memref_slice %arg9[%add3A_72, %dma_wait3A] : memref<10240x128xf32, #tpu.memory_space<vmem_shared>> -> memref<128x128xf32, #tpu.memory_space<vmem_shared>>
      %dma_wait3A_77 = arith.constant 0 : i32
      %dma_wait3A_78 = tpu.memref_slice %arg9[%add3A_72, %dma_wait3A_77] : memref<10240x128xf32, #tpu.memory_space<vmem_shared>> -> memref<128x128xf32, #tpu.memory_space<vmem_shared>>
      tpu.wait_dma2 semaphore(%run_scoped3A : memref<!tpu.dma_semaphore, #tpu.memory_space<semaphore_mem>>) src(%dma_wait3A_78 : memref<128x128xf32, #tpu.memory_space<vmem_shared>>) dst(%arg8 : memref<128x128xf32, #tpu.memory_space<vmem>>)
      tpu.yield
    }) : () -> ()
    "tpu.region"() ({
      %run_scoped3A = tpu.sem_alloc : memref<!tpu.dma_semaphore, #tpu.memory_space<semaphore_mem>>
      %dma_start3A = arith.constant 0 : i32
      %dma_start3A_73 = tpu.memref_slice %arg5[%arg0, %add3A_72, %dma_start3A] : memref<2x10240x128xf32, #tpu.memory_space<hbm>> -> memref<1x128x128xf32, #tpu.memory_space<hbm>>
      %dma_start3A_74 = tpu.memref_squeeze %dma_start3A_73 : memref<1x128x128xf32, #tpu.memory_space<hbm>> -> memref<128x128xf32, #tpu.memory_space<hbm>>
      %dma_start3A_75 = arith.constant 0 : i32
      %dma_start3A_76 = tpu.memref_slice %arg5[%arg0, %add3A_72, %dma_start3A_75] : memref<2x10240x128xf32, #tpu.memory_space<hbm>> -> memref<1x128x128xf32, #tpu.memory_space<hbm>>
      %dma_start3A_77 = tpu.memref_squeeze %dma_start3A_76 : memref<1x128x128xf32, #tpu.memory_space<hbm>> -> memref<128x128xf32, #tpu.memory_space<hbm>>
      tpu.enqueue_dma source(%arg8 : memref<128x128xf32, #tpu.memory_space<vmem>>) target(%dma_start3A_77 : memref<128x128xf32, #tpu.memory_space<hbm>>) target_semaphore(%run_scoped3A : memref<!tpu.dma_semaphore, #tpu.memory_space<semaphore_mem>>)
      %dma_wait3A = arith.constant 0 : i32
      %dma_wait3A_78 = tpu.memref_slice %arg5[%arg0, %add3A_72, %dma_wait3A] : memref<2x10240x128xf32, #tpu.memory_space<hbm>> -> memref<1x128x128xf32, #tpu.memory_space<hbm>>
      %dma_wait3A_79 = tpu.memref_squeeze %dma_wait3A_78 : memref<1x128x128xf32, #tpu.memory_space<hbm>> -> memref<128x128xf32, #tpu.memory_space<hbm>>
      %dma_wait3A_80 = arith.constant 0 : i32
      %dma_wait3A_81 = tpu.memref_slice %arg5[%arg0, %add3A_72, %dma_wait3A_80] : memref<2x10240x128xf32, #tpu.memory_space<hbm>> -> memref<1x128x128xf32, #tpu.memory_space<hbm>>
      %dma_wait3A_82 = tpu.memref_squeeze %dma_wait3A_81 : memref<1x128x128xf32, #tpu.memory_space<hbm>> -> memref<128x128xf32, #tpu.memory_space<hbm>>
      tpu.wait_dma2 semaphore(%run_scoped3A : memref<!tpu.dma_semaphore, #tpu.memory_space<semaphore_mem>>) src(%arg8 : memref<128x128xf32, #tpu.memory_space<vmem>>) dst(%dma_wait3A_82 : memref<128x128xf32, #tpu.memory_space<hbm>>)
      tpu.yield
    }) : () -> ()
    return
  }
}

#map = affine_map<(d0, d1) -> (0, 0)>
#map1 = affine_map<(d0, d1) -> (0, 0, 0)>
module attributes {stable_mosaic.version = 14 : i64} {
  func.func @k(%arg0: i32, %arg1: i32, %arg2: memref<10000x128xf32, #tpu.memory_space<hbm>>, %arg3: memref<32x79x128xi32, #tpu.memory_space<hbm>>, %arg4: memref<32x79x128xi32, #tpu.memory_space<hbm>>, %arg5: memref<2x10240x128xf32, #tpu.memory_space<hbm>>, %arg6: memref<79x128xi32, #tpu.memory_space<vmem>>, %arg7: memref<79x128xi32, #tpu.memory_space<vmem>>, %arg8: memref<128x128xf32, #tpu.memory_space<vmem>>, %arg9: memref<10240x128xf32, #tpu.memory_space<vmem_shared>>, %arg10: memref<!tpu.dma_semaphore, #tpu.memory_space<semaphore_mem>>) attributes {dimension_semantics = [#tpu.dimension_semantics<core_parallel>, #tpu.dimension_semantics<subcore_parallel>], iteration_bounds = array<i64: 2, 16>, scalar_prefetch = 0 : i64, scratch_operands = 5 : i64, tpu.core_type = #tpu.core_type<sc_vector_subcore>, window_params = [{transform_indices = #map}, {transform_indices = #map1}, {transform_indices = #map1}, {transform_indices = #map1}]} {
    %mul3A = arith.constant 2 : i32
    %mul3A_0 = arith.muli %arg1, %mul3A : i32
    %add3A = arith.addi %mul3A_0, %arg0 : i32
    %scan3A = arith.constant 0 : i32
    %scan3A_1 = arith.constant 0 : i32
    %scan3A_2 = arith.constant 128 : i32
    %scan3A_3 = arith.addi %scan3A_1, %scan3A_2 : i32
    %scan3A_4 = arith.constant 1 : i32
    scf.for %scan3A_73 = %scan3A_1 to %scan3A_3 step %scan3A_4  : i32 {
      %broadcast_in_dim3A = arith.constant 0.000000e+00 : f32
      %broadcast_in_dim3A_74 = vector.broadcast %broadcast_in_dim3A : f32 to vector<16xf32>
      %swap3A = arith.index_cast %scan3A_73 : i32 to index
      %swap3A_75 = arith.constant 0 : index
      %swap3A_76 = tpu.vector_load %arg8[%swap3A, %swap3A_75] {strides = array<i32>} : memref<128x128xf32, #tpu.memory_space<vmem>>, vector<1x16xf32>,
      %swap3A_77 = vector.shape_cast %swap3A_76 : vector<1x16xf32> to vector<16xf32>
      %swap3A_78 = vector.shape_cast %broadcast_in_dim3A_74 : vector<16xf32> to vector<1x16xf32>
      tpu.vector_store %arg8[%swap3A, %swap3A_75], %swap3A_78 {strides = array<i32>} : memref<128x128xf32, #tpu.memory_space<vmem>>, vector<1x16xf32>,
      %broadcast_in_dim3A_79 = arith.constant 0.000000e+00 : f32
      %broadcast_in_dim3A_80 = vector.broadcast %broadcast_in_dim3A_79 : f32 to vector<16xf32>
      %swap3A_81 = arith.index_cast %scan3A_73 : i32 to index
      %swap3A_82 = arith.constant 16 : index
      %swap3A_83 = tpu.vector_load %arg8[%swap3A_81, %swap3A_82] {strides = array<i32>} : memref<128x128xf32, #tpu.memory_space<vmem>>, vector<1x16xf32>,
      %swap3A_84 = vector.shape_cast %swap3A_83 : vector<1x16xf32> to vector<16xf32>
      %swap3A_85 = vector.shape_cast %broadcast_in_dim3A_80 : vector<16xf32> to vector<1x16xf32>
      tpu.vector_store %arg8[%swap3A_81, %swap3A_82], %swap3A_85 {strides = array<i32>} : memref<128x128xf32, #tpu.memory_space<vmem>>, vector<1x16xf32>,
      %broadcast_in_dim3A_86 = arith.constant 0.000000e+00 : f32
      %broadcast_in_dim3A_87 = vector.broadcast %broadcast_in_dim3A_86 : f32 to vector<16xf32>
      %swap3A_88 = arith.index_cast %scan3A_73 : i32 to index
      %swap3A_89 = arith.constant 32 : index
      %swap3A_90 = tpu.vector_load %arg8[%swap3A_88, %swap3A_89] {strides = array<i32>} : memref<128x128xf32, #tpu.memory_space<vmem>>, vector<1x16xf32>,
      %swap3A_91 = vector.shape_cast %swap3A_90 : vector<1x16xf32> to vector<16xf32>
      %swap3A_92 = vector.shape_cast %broadcast_in_dim3A_87 : vector<16xf32> to vector<1x16xf32>
      tpu.vector_store %arg8[%swap3A_88, %swap3A_89], %swap3A_92 {strides = array<i32>} : memref<128x128xf32, #tpu.memory_space<vmem>>, vector<1x16xf32>,
      %broadcast_in_dim3A_93 = arith.constant 0.000000e+00 : f32
      %broadcast_in_dim3A_94 = vector.broadcast %broadcast_in_dim3A_93 : f32 to vector<16xf32>
      %swap3A_95 = arith.index_cast %scan3A_73 : i32 to index
      %swap3A_96 = arith.constant 48 : index
      %swap3A_97 = tpu.vector_load %arg8[%swap3A_95, %swap3A_96] {strides = array<i32>} : memref<128x128xf32, #tpu.memory_space<vmem>>, vector<1x16xf32>,
      %swap3A_98 = vector.shape_cast %swap3A_97 : vector<1x16xf32> to vector<16xf32>
      %swap3A_99 = vector.shape_cast %broadcast_in_dim3A_94 : vector<16xf32> to vector<1x16xf32>
      tpu.vector_store %arg8[%swap3A_95, %swap3A_96], %swap3A_99 {strides = array<i32>} : memref<128x128xf32, #tpu.memory_space<vmem>>, vector<1x16xf32>,
      %broadcast_in_dim3A_100 = arith.constant 0.000000e+00 : f32
      %broadcast_in_dim3A_101 = vector.broadcast %broadcast_in_dim3A_100 : f32 to vector<16xf32>
      %swap3A_102 = arith.index_cast %scan3A_73 : i32 to index
      %swap3A_103 = arith.constant 64 : index
      %swap3A_104 = tpu.vector_load %arg8[%swap3A_102, %swap3A_103] {strides = array<i32>} : memref<128x128xf32, #tpu.memory_space<vmem>>, vector<1x16xf32>,
      %swap3A_105 = vector.shape_cast %swap3A_104 : vector<1x16xf32> to vector<16xf32>
      %swap3A_106 = vector.shape_cast %broadcast_in_dim3A_101 : vector<16xf32> to vector<1x16xf32>
      tpu.vector_store %arg8[%swap3A_102, %swap3A_103], %swap3A_106 {strides = array<i32>} : memref<128x128xf32, #tpu.memory_space<vmem>>, vector<1x16xf32>,
      %broadcast_in_dim3A_107 = arith.constant 0.000000e+00 : f32
      %broadcast_in_dim3A_108 = vector.broadcast %broadcast_in_dim3A_107 : f32 to vector<16xf32>
      %swap3A_109 = arith.index_cast %scan3A_73 : i32 to index
      %swap3A_110 = arith.constant 80 : index
      %swap3A_111 = tpu.vector_load %arg8[%swap3A_109, %swap3A_110] {strides = array<i32>} : memref<128x128xf32, #tpu.memory_space<vmem>>, vector<1x16xf32>,
      %swap3A_112 = vector.shape_cast %swap3A_111 : vector<1x16xf32> to vector<16xf32>
      %swap3A_113 = vector.shape_cast %broadcast_in_dim3A_108 : vector<16xf32> to vector<1x16xf32>
      tpu.vector_store %arg8[%swap3A_109, %swap3A_110], %swap3A_113 {strides = array<i32>} : memref<128x128xf32, #tpu.memory_space<vmem>>, vector<1x16xf32>,
      %broadcast_in_dim3A_114 = arith.constant 0.000000e+00 : f32
      %broadcast_in_dim3A_115 = vector.broadcast %broadcast_in_dim3A_114 : f32 to vector<16xf32>
      %swap3A_116 = arith.index_cast %scan3A_73 : i32 to index
      %swap3A_117 = arith.constant 96 : index
      %swap3A_118 = tpu.vector_load %arg8[%swap3A_116, %swap3A_117] {strides = array<i32>} : memref<128x128xf32, #tpu.memory_space<vmem>>, vector<1x16xf32>,
      %swap3A_119 = vector.shape_cast %swap3A_118 : vector<1x16xf32> to vector<16xf32>
      %swap3A_120 = vector.shape_cast %broadcast_in_dim3A_115 : vector<16xf32> to vector<1x16xf32>
      tpu.vector_store %arg8[%swap3A_116, %swap3A_117], %swap3A_120 {strides = array<i32>} : memref<128x128xf32, #tpu.memory_space<vmem>>, vector<1x16xf32>,
      %broadcast_in_dim3A_121 = arith.constant 0.000000e+00 : f32
      %broadcast_in_dim3A_122 = vector.broadcast %broadcast_in_dim3A_121 : f32 to vector<16xf32>
      %swap3A_123 = arith.index_cast %scan3A_73 : i32 to index
      %swap3A_124 = arith.constant 112 : index
      %swap3A_125 = tpu.vector_load %arg8[%swap3A_123, %swap3A_124] {strides = array<i32>} : memref<128x128xf32, #tpu.memory_space<vmem>>, vector<1x16xf32>,
      %swap3A_126 = vector.shape_cast %swap3A_125 : vector<1x16xf32> to vector<16xf32>
      %swap3A_127 = vector.shape_cast %broadcast_in_dim3A_122 : vector<16xf32> to vector<1x16xf32>
      tpu.vector_store %arg8[%swap3A_123, %swap3A_124], %swap3A_127 {strides = array<i32>} : memref<128x128xf32, #tpu.memory_space<vmem>>, vector<1x16xf32>,
    }
    %scan3A_5 = arith.constant 128 : i32
    %mul3A_6 = arith.constant 5 : i32
    %mul3A_7 = arith.muli %arg1, %mul3A_6 : i32
    %mul3A_8 = arith.constant 128 : i32
    %mul3A_9 = arith.muli %mul3A_7, %mul3A_8 : i32
    %add3A_10 = arith.constant 0 : i32
    %add3A_11 = arith.addi %mul3A_9, %add3A_10 : i32
    "tpu.region"() ({
      %run_scoped3A = tpu.sem_alloc : memref<!tpu.dma_semaphore, #tpu.memory_space<semaphore_mem>>
      %dma_start3A = arith.constant 0 : i32
      %dma_start3A_73 = tpu.memref_slice %arg9[%add3A_11, %dma_start3A] : memref<10240x128xf32, #tpu.memory_space<vmem_shared>> -> memref<128x128xf32, #tpu.memory_space<vmem_shared>>
      %dma_start3A_74 = arith.constant 0 : i32
      %dma_start3A_75 = tpu.memref_slice %arg9[%add3A_11, %dma_start3A_74] : memref<10240x128xf32, #tpu.memory_space<vmem_shared>> -> memref<128x128xf32, #tpu.memory_space<vmem_shared>>
      tpu.enqueue_dma source(%arg8 : memref<128x128xf32, #tpu.memory_space<vmem>>) target(%dma_start3A_75 : memref<128x128xf32, #tpu.memory_space<vmem_shared>>) target_semaphore(%run_scoped3A : memref<!tpu.dma_semaphore, #tpu.memory_space<semaphore_mem>>)
      %dma_wait3A = arith.constant 0 : i32
      %dma_wait3A_76 = tpu.memref_slice %arg9[%add3A_11, %dma_wait3A] : memref<10240x128xf32, #tpu.memory_space<vmem_shared>> -> memref<128x128xf32, #tpu.memory_space<vmem_shared>>
      %dma_wait3A_77 = arith.constant 0 : i32
      %dma_wait3A_78 = tpu.memref_slice %arg9[%add3A_11, %dma_wait3A_77] : memref<10240x128xf32, #tpu.memory_space<vmem_shared>> -> memref<128x128xf32, #tpu.memory_space<vmem_shared>>
      tpu.wait_dma2 semaphore(%run_scoped3A : memref<!tpu.dma_semaphore, #tpu.memory_space<semaphore_mem>>) src(%arg8 : memref<128x128xf32, #tpu.memory_space<vmem>>) dst(%dma_wait3A_78 : memref<128x128xf32, #tpu.memory_space<vmem_shared>>)
      tpu.yield
    }) : () -> ()
    %mul3A_12 = arith.constant 5 : i32
    %mul3A_13 = arith.muli %arg1, %mul3A_12 : i32
    %mul3A_14 = arith.constant 128 : i32
    %mul3A_15 = arith.muli %mul3A_13, %mul3A_14 : i32
    %add3A_16 = arith.constant 128 : i32
    %add3A_17 = arith.addi %mul3A_15, %add3A_16 : i32
    "tpu.region"() ({
      %run_scoped3A = tpu.sem_alloc : memref<!tpu.dma_semaphore, #tpu.memory_space<semaphore_mem>>
      %dma_start3A = arith.constant 0 : i32
      %dma_start3A_73 = tpu.memref_slice %arg9[%add3A_17, %dma_start3A] : memref<10240x128xf32, #tpu.memory_space<vmem_shared>> -> memref<128x128xf32, #tpu.memory_space<vmem_shared>>
      %dma_start3A_74 = arith.constant 0 : i32
      %dma_start3A_75 = tpu.memref_slice %arg9[%add3A_17, %dma_start3A_74] : memref<10240x128xf32, #tpu.memory_space<vmem_shared>> -> memref<128x128xf32, #tpu.memory_space<vmem_shared>>
      tpu.enqueue_dma source(%arg8 : memref<128x128xf32, #tpu.memory_space<vmem>>) target(%dma_start3A_75 : memref<128x128xf32, #tpu.memory_space<vmem_shared>>) target_semaphore(%run_scoped3A : memref<!tpu.dma_semaphore, #tpu.memory_space<semaphore_mem>>)
      %dma_wait3A = arith.constant 0 : i32
      %dma_wait3A_76 = tpu.memref_slice %arg9[%add3A_17, %dma_wait3A] : memref<10240x128xf32, #tpu.memory_space<vmem_shared>> -> memref<128x128xf32, #tpu.memory_space<vmem_shared>>
      %dma_wait3A_77 = arith.constant 0 : i32
      %dma_wait3A_78 = tpu.memref_slice %arg9[%add3A_17, %dma_wait3A_77] : memref<10240x128xf32, #tpu.memory_space<vmem_shared>> -> memref<128x128xf32, #tpu.memory_space<vmem_shared>>
      tpu.wait_dma2 semaphore(%run_scoped3A : memref<!tpu.dma_semaphore, #tpu.memory_space<semaphore_mem>>) src(%arg8 : memref<128x128xf32, #tpu.memory_space<vmem>>) dst(%dma_wait3A_78 : memref<128x128xf32, #tpu.memory_space<vmem_shared>>)
      tpu.yield
    }) : () -> ()
    %mul3A_18 = arith.constant 5 : i32
    %mul3A_19 = arith.muli %arg1, %mul3A_18 : i32
    %mul3A_20 = arith.constant 128 : i32
    %mul3A_21 = arith.muli %mul3A_19, %mul3A_20 : i32
    %add3A_22 = arith.constant 256 : i32
    %add3A_23 = arith.addi %mul3A_21, %add3A_22 : i32
    "tpu.region"() ({
      %run_scoped3A = tpu.sem_alloc : memref<!tpu.dma_semaphore, #tpu.memory_space<semaphore_mem>>
      %dma_start3A = arith.constant 0 : i32
      %dma_start3A_73 = tpu.memref_slice %arg9[%add3A_23, %dma_start3A] : memref<10240x128xf32, #tpu.memory_space<vmem_shared>> -> memref<128x128xf32, #tpu.memory_space<vmem_shared>>
      %dma_start3A_74 = arith.constant 0 : i32
      %dma_start3A_75 = tpu.memref_slice %arg9[%add3A_23, %dma_start3A_74] : memref<10240x128xf32, #tpu.memory_space<vmem_shared>> -> memref<128x128xf32, #tpu.memory_space<vmem_shared>>
      tpu.enqueue_dma source(%arg8 : memref<128x128xf32, #tpu.memory_space<vmem>>) target(%dma_start3A_75 : memref<128x128xf32, #tpu.memory_space<vmem_shared>>) target_semaphore(%run_scoped3A : memref<!tpu.dma_semaphore, #tpu.memory_space<semaphore_mem>>)
      %dma_wait3A = arith.constant 0 : i32
      %dma_wait3A_76 = tpu.memref_slice %arg9[%add3A_23, %dma_wait3A] : memref<10240x128xf32, #tpu.memory_space<vmem_shared>> -> memref<128x128xf32, #tpu.memory_space<vmem_shared>>
      %dma_wait3A_77 = arith.constant 0 : i32
      %dma_wait3A_78 = tpu.memref_slice %arg9[%add3A_23, %dma_wait3A_77] : memref<10240x128xf32, #tpu.memory_space<vmem_shared>> -> memref<128x128xf32, #tpu.memory_space<vmem_shared>>
      tpu.wait_dma2 semaphore(%run_scoped3A : memref<!tpu.dma_semaphore, #tpu.memory_space<semaphore_mem>>) src(%arg8 : memref<128x128xf32, #tpu.memory_space<vmem>>) dst(%dma_wait3A_78 : memref<128x128xf32, #tpu.memory_space<vmem_shared>>)
      tpu.yield
    }) : () -> ()
    %mul3A_24 = arith.constant 5 : i32
    %mul3A_25 = arith.muli %arg1, %mul3A_24 : i32
    %mul3A_26 = arith.constant 128 : i32
    %mul3A_27 = arith.muli %mul3A_25, %mul3A_26 : i32
    %add3A_28 = arith.constant 384 : i32
    %add3A_29 = arith.addi %mul3A_27, %add3A_28 : i32
    "tpu.region"() ({
      %run_scoped3A = tpu.sem_alloc : memref<!tpu.dma_semaphore, #tpu.memory_space<semaphore_mem>>
      %dma_start3A = arith.constant 0 : i32
      %dma_start3A_73 = tpu.memref_slice %arg9[%add3A_29, %dma_start3A] : memref<10240x128xf32, #tpu.memory_space<vmem_shared>> -> memref<128x128xf32, #tpu.memory_space<vmem_shared>>
      %dma_start3A_74 = arith.constant 0 : i32
      %dma_start3A_75 = tpu.memref_slice %arg9[%add3A_29, %dma_start3A_74] : memref<10240x128xf32, #tpu.memory_space<vmem_shared>> -> memref<128x128xf32, #tpu.memory_space<vmem_shared>>
      tpu.enqueue_dma source(%arg8 : memref<128x128xf32, #tpu.memory_space<vmem>>) target(%dma_start3A_75 : memref<128x128xf32, #tpu.memory_space<vmem_shared>>) target_semaphore(%run_scoped3A : memref<!tpu.dma_semaphore, #tpu.memory_space<semaphore_mem>>)
      %dma_wait3A = arith.constant 0 : i32
      %dma_wait3A_76 = tpu.memref_slice %arg9[%add3A_29, %dma_wait3A] : memref<10240x128xf32, #tpu.memory_space<vmem_shared>> -> memref<128x128xf32, #tpu.memory_space<vmem_shared>>
      %dma_wait3A_77 = arith.constant 0 : i32
      %dma_wait3A_78 = tpu.memref_slice %arg9[%add3A_29, %dma_wait3A_77] : memref<10240x128xf32, #tpu.memory_space<vmem_shared>> -> memref<128x128xf32, #tpu.memory_space<vmem_shared>>
      tpu.wait_dma2 semaphore(%run_scoped3A : memref<!tpu.dma_semaphore, #tpu.memory_space<semaphore_mem>>) src(%arg8 : memref<128x128xf32, #tpu.memory_space<vmem>>) dst(%dma_wait3A_78 : memref<128x128xf32, #tpu.memory_space<vmem_shared>>)
      tpu.yield
    }) : () -> ()
    %mul3A_30 = arith.constant 5 : i32
    %mul3A_31 = arith.muli %arg1, %mul3A_30 : i32
    %mul3A_32 = arith.constant 128 : i32
    %mul3A_33 = arith.muli %mul3A_31, %mul3A_32 : i32
    %add3A_34 = arith.constant 512 : i32
    %add3A_35 = arith.addi %mul3A_33, %add3A_34 : i32
    "tpu.region"() ({
      %run_scoped3A = tpu.sem_alloc : memref<!tpu.dma_semaphore, #tpu.memory_space<semaphore_mem>>
      %dma_start3A = arith.constant 0 : i32
      %dma_start3A_73 = tpu.memref_slice %arg9[%add3A_35, %dma_start3A] : memref<10240x128xf32, #tpu.memory_space<vmem_shared>> -> memref<128x128xf32, #tpu.memory_space<vmem_shared>>
      %dma_start3A_74 = arith.constant 0 : i32
      %dma_start3A_75 = tpu.memref_slice %arg9[%add3A_35, %dma_start3A_74] : memref<10240x128xf32, #tpu.memory_space<vmem_shared>> -> memref<128x128xf32, #tpu.memory_space<vmem_shared>>
      tpu.enqueue_dma source(%arg8 : memref<128x128xf32, #tpu.memory_space<vmem>>) target(%dma_start3A_75 : memref<128x128xf32, #tpu.memory_space<vmem_shared>>) target_semaphore(%run_scoped3A : memref<!tpu.dma_semaphore, #tpu.memory_space<semaphore_mem>>)
      %dma_wait3A = arith.constant 0 : i32
      %dma_wait3A_76 = tpu.memref_slice %arg9[%add3A_35, %dma_wait3A] : memref<10240x128xf32, #tpu.memory_space<vmem_shared>> -> memref<128x128xf32, #tpu.memory_space<vmem_shared>>
      %dma_wait3A_77 = arith.constant 0 : i32
      %dma_wait3A_78 = tpu.memref_slice %arg9[%add3A_35, %dma_wait3A_77] : memref<10240x128xf32, #tpu.memory_space<vmem_shared>> -> memref<128x128xf32, #tpu.memory_space<vmem_shared>>
      tpu.wait_dma2 semaphore(%run_scoped3A : memref<!tpu.dma_semaphore, #tpu.memory_space<semaphore_mem>>) src(%arg8 : memref<128x128xf32, #tpu.memory_space<vmem>>) dst(%dma_wait3A_78 : memref<128x128xf32, #tpu.memory_space<vmem_shared>>)
      tpu.yield
    }) : () -> ()
    "tpu.region"() ({
      %run_scoped3A = tpu.sem_alloc : memref<!tpu.dma_semaphore, #tpu.memory_space<semaphore_mem>>
      %dma_start3A = arith.constant 0 : i32
      %dma_start3A_73 = arith.constant 0 : i32
      %dma_start3A_74 = tpu.memref_slice %arg3[%add3A, %dma_start3A, %dma_start3A_73] : memref<32x79x128xi32, #tpu.memory_space<hbm>> -> memref<1x79x128xi32, #tpu.memory_space<hbm>>
      %dma_start3A_75 = tpu.memref_squeeze %dma_start3A_74 : memref<1x79x128xi32, #tpu.memory_space<hbm>> -> memref<79x128xi32, #tpu.memory_space<hbm>>
      %dma_start3A_76 = arith.constant 0 : i32
      %dma_start3A_77 = arith.constant 0 : i32
      %dma_start3A_78 = tpu.memref_slice %arg3[%add3A, %dma_start3A_76, %dma_start3A_77] : memref<32x79x128xi32, #tpu.memory_space<hbm>> -> memref<1x79x128xi32, #tpu.memory_space<hbm>>
      %dma_start3A_79 = tpu.memref_squeeze %dma_start3A_78 : memref<1x79x128xi32, #tpu.memory_space<hbm>> -> memref<79x128xi32, #tpu.memory_space<hbm>>
      tpu.enqueue_dma source(%dma_start3A_79 : memref<79x128xi32, #tpu.memory_space<hbm>>) target(%arg6 : memref<79x128xi32, #tpu.memory_space<vmem>>) target_semaphore(%run_scoped3A : memref<!tpu.dma_semaphore, #tpu.memory_space<semaphore_mem>>)
      %dma_wait3A = arith.constant 0 : i32
      %dma_wait3A_80 = arith.constant 0 : i32
      %dma_wait3A_81 = tpu.memref_slice %arg3[%add3A, %dma_wait3A, %dma_wait3A_80] : memref<32x79x128xi32, #tpu.memory_space<hbm>> -> memref<1x79x128xi32, #tpu.memory_space<hbm>>
      %dma_wait3A_82 = tpu.memref_squeeze %dma_wait3A_81 : memref<1x79x128xi32, #tpu.memory_space<hbm>> -> memref<79x128xi32, #tpu.memory_space<hbm>>
      %dma_wait3A_83 = arith.constant 0 : i32
      %dma_wait3A_84 = arith.constant 0 : i32
      %dma_wait3A_85 = tpu.memref_slice %arg3[%add3A, %dma_wait3A_83, %dma_wait3A_84] : memref<32x79x128xi32, #tpu.memory_space<hbm>> -> memref<1x79x128xi32, #tpu.memory_space<hbm>>
      %dma_wait3A_86 = tpu.memref_squeeze %dma_wait3A_85 : memref<1x79x128xi32, #tpu.memory_space<hbm>> -> memref<79x128xi32, #tpu.memory_space<hbm>>
      tpu.wait_dma2 semaphore(%run_scoped3A : memref<!tpu.dma_semaphore, #tpu.memory_space<semaphore_mem>>) src(%dma_wait3A_86 : memref<79x128xi32, #tpu.memory_space<hbm>>) dst(%arg6 : memref<79x128xi32, #tpu.memory_space<vmem>>)
      tpu.yield
    }) : () -> ()
    "tpu.region"() ({
      %run_scoped3A = tpu.sem_alloc : memref<!tpu.dma_semaphore, #tpu.memory_space<semaphore_mem>>
      %dma_start3A = arith.constant 0 : i32
      %dma_start3A_73 = arith.constant 0 : i32
      %dma_start3A_74 = tpu.memref_slice %arg4[%add3A, %dma_start3A, %dma_start3A_73] : memref<32x79x128xi32, #tpu.memory_space<hbm>> -> memref<1x79x128xi32, #tpu.memory_space<hbm>>
      %dma_start3A_75 = tpu.memref_squeeze %dma_start3A_74 : memref<1x79x128xi32, #tpu.memory_space<hbm>> -> memref<79x128xi32, #tpu.memory_space<hbm>>
      %dma_start3A_76 = arith.constant 0 : i32
      %dma_start3A_77 = arith.constant 0 : i32
      %dma_start3A_78 = tpu.memref_slice %arg4[%add3A, %dma_start3A_76, %dma_start3A_77] : memref<32x79x128xi32, #tpu.memory_space<hbm>> -> memref<1x79x128xi32, #tpu.memory_space<hbm>>
      %dma_start3A_79 = tpu.memref_squeeze %dma_start3A_78 : memref<1x79x128xi32, #tpu.memory_space<hbm>> -> memref<79x128xi32, #tpu.memory_space<hbm>>
      tpu.enqueue_dma source(%dma_start3A_79 : memref<79x128xi32, #tpu.memory_space<hbm>>) target(%arg7 : memref<79x128xi32, #tpu.memory_space<vmem>>) target_semaphore(%run_scoped3A : memref<!tpu.dma_semaphore, #tpu.memory_space<semaphore_mem>>)
      %dma_wait3A = arith.constant 0 : i32
      %dma_wait3A_80 = arith.constant 0 : i32
      %dma_wait3A_81 = tpu.memref_slice %arg4[%add3A, %dma_wait3A, %dma_wait3A_80] : memref<32x79x128xi32, #tpu.memory_space<hbm>> -> memref<1x79x128xi32, #tpu.memory_space<hbm>>
      %dma_wait3A_82 = tpu.memref_squeeze %dma_wait3A_81 : memref<1x79x128xi32, #tpu.memory_space<hbm>> -> memref<79x128xi32, #tpu.memory_space<hbm>>
      %dma_wait3A_83 = arith.constant 0 : i32
      %dma_wait3A_84 = arith.constant 0 : i32
      %dma_wait3A_85 = tpu.memref_slice %arg4[%add3A, %dma_wait3A_83, %dma_wait3A_84] : memref<32x79x128xi32, #tpu.memory_space<hbm>> -> memref<1x79x128xi32, #tpu.memory_space<hbm>>
      %dma_wait3A_86 = tpu.memref_squeeze %dma_wait3A_85 : memref<1x79x128xi32, #tpu.memory_space<hbm>> -> memref<79x128xi32, #tpu.memory_space<hbm>>
      tpu.wait_dma2 semaphore(%run_scoped3A : memref<!tpu.dma_semaphore, #tpu.memory_space<semaphore_mem>>) src(%dma_wait3A_86 : memref<79x128xi32, #tpu.memory_space<hbm>>) dst(%arg7 : memref<79x128xi32, #tpu.memory_space<vmem>>)
      tpu.yield
    }) : () -> ()
    %barrier3A = arith.constant 0 : index
    tpu.barrier barrier_id(%barrier3A)
    %scan3A_36 = arith.constant 0 : i32
    %scan3A_37 = arith.constant 0 : i32
    %scan3A_38 = arith.constant 79 : i32
    %scan3A_39 = arith.addi %scan3A_37, %scan3A_38 : i32
    %scan3A_40 = arith.constant 1 : i32
    scf.for %scan3A_73 = %scan3A_37 to %scan3A_39 step %scan3A_40  : i32 {
      %dma_start3A = arith.constant 0 : i32
      %dma_start3A_74 = tpu.memref_slice %arg6[%scan3A_73, %dma_start3A] : memref<79x128xi32, #tpu.memory_space<vmem>> -> memref<1x128xi32, #tpu.memory_space<vmem>>
      %dma_start3A_75 = tpu.memref_squeeze %dma_start3A_74 : memref<1x128xi32, #tpu.memory_space<vmem>> -> memref<128xi32, #tpu.memory_space<vmem>>
      %dma_start3A_76 = arith.constant 0 : i32
      %dma_start3A_77 = arith.constant 0 : i32
      %dma_start3A_78 = tpu.memref_slice %arg2[%dma_start3A_76, %dma_start3A_77] : memref<10000x128xf32, #tpu.memory_space<hbm>> -> memref<10000x128xf32, #tpu.memory_space<hbm>>
      tpu.enqueue_indirect_dma source(%dma_start3A_78 : memref<10000x128xf32, #tpu.memory_space<hbm>>) target(%arg8 : memref<128x128xf32, #tpu.memory_space<vmem>>) offsets(%dma_start3A_75 : memref<128xi32, #tpu.memory_space<vmem>>) semaphore(%arg10 : memref<!tpu.dma_semaphore, #tpu.memory_space<semaphore_mem>>)
      %dma_wait3A = arith.constant 0 : i32
      %dma_wait3A_79 = tpu.memref_slice %arg6[%scan3A_73, %dma_wait3A] : memref<79x128xi32, #tpu.memory_space<vmem>> -> memref<1x128xi32, #tpu.memory_space<vmem>>
      %dma_wait3A_80 = tpu.memref_squeeze %dma_wait3A_79 : memref<1x128xi32, #tpu.memory_space<vmem>> -> memref<128xi32, #tpu.memory_space<vmem>>
      %dma_wait3A_81 = arith.constant 0 : i32
      %dma_wait3A_82 = arith.constant 0 : i32
      %dma_wait3A_83 = tpu.memref_slice %arg2[%dma_wait3A_81, %dma_wait3A_82] : memref<10000x128xf32, #tpu.memory_space<hbm>> -> memref<10000x128xf32, #tpu.memory_space<hbm>>
      tpu.wait_indirect_dma semaphore(%arg10 : memref<!tpu.dma_semaphore, #tpu.memory_space<semaphore_mem>>) src(%dma_wait3A_83 : memref<10000x128xf32, #tpu.memory_space<hbm>>) dst(%arg8 : memref<128x128xf32, #tpu.memory_space<vmem>>)
      "tpu.region"() ({
        %run_scoped3A = tpu.sem_alloc : memref<!tpu.dma_semaphore, #tpu.memory_space<semaphore_mem>>
        %dma_start3A_84 = arith.constant 0 : i32
        %dma_start3A_85 = tpu.memref_slice %arg7[%scan3A_73, %dma_start3A_84] : memref<79x128xi32, #tpu.memory_space<vmem>> -> memref<1x128xi32, #tpu.memory_space<vmem>>
        %dma_start3A_86 = tpu.memref_squeeze %dma_start3A_85 : memref<1x128xi32, #tpu.memory_space<vmem>> -> memref<128xi32, #tpu.memory_space<vmem>>
        %dma_start3A_87 = arith.constant 0 : i32
        %dma_start3A_88 = arith.constant 0 : i32
        %dma_start3A_89 = tpu.memref_slice %arg9[%dma_start3A_87, %dma_start3A_88] : memref<10240x128xf32, #tpu.memory_space<vmem_shared>> -> memref<10240x128xf32, #tpu.memory_space<vmem_shared>>
        tpu.enqueue_indirect_dma source(%arg8 : memref<128x128xf32, #tpu.memory_space<vmem>>) target(%dma_start3A_89 : memref<10240x128xf32, #tpu.memory_space<vmem_shared>>) offsets(%dma_start3A_86 : memref<128xi32, #tpu.memory_space<vmem>>) semaphore(%run_scoped3A : memref<!tpu.dma_semaphore, #tpu.memory_space<semaphore_mem>>) {add = true}
        %dma_wait3A_90 = arith.constant 0 : i32
        %dma_wait3A_91 = tpu.memref_slice %arg7[%scan3A_73, %dma_wait3A_90] : memref<79x128xi32, #tpu.memory_space<vmem>> -> memref<1x128xi32, #tpu.memory_space<vmem>>
        %dma_wait3A_92 = tpu.memref_squeeze %dma_wait3A_91 : memref<1x128xi32, #tpu.memory_space<vmem>> -> memref<128xi32, #tpu.memory_space<vmem>>
        %dma_wait3A_93 = arith.constant 0 : i32
        %dma_wait3A_94 = arith.constant 0 : i32
        %dma_wait3A_95 = tpu.memref_slice %arg9[%dma_wait3A_93, %dma_wait3A_94] : memref<10240x128xf32, #tpu.memory_space<vmem_shared>> -> memref<10240x128xf32, #tpu.memory_space<vmem_shared>>
        tpu.wait_indirect_dma semaphore(%run_scoped3A : memref<!tpu.dma_semaphore, #tpu.memory_space<semaphore_mem>>) src(%arg8 : memref<128x128xf32, #tpu.memory_space<vmem>>) dst(%dma_wait3A_95 : memref<10240x128xf32, #tpu.memory_space<vmem_shared>>)
        tpu.yield
      }) : () -> ()
    }
    %scan3A_41 = arith.constant 79 : i32
    %barrier3A_42 = arith.constant 0 : index
    tpu.barrier barrier_id(%barrier3A_42)
    %mul3A_43 = arith.constant 5 : i32
    %mul3A_44 = arith.muli %arg1, %mul3A_43 : i32
    %mul3A_45 = arith.constant 128 : i32
    %mul3A_46 = arith.muli %mul3A_44, %mul3A_45 : i32
    %add3A_47 = arith.constant 0 : i32
    %add3A_48 = arith.addi %mul3A_46, %add3A_47 : i32
    "tpu.region"() ({
      %run_scoped3A = tpu.sem_alloc : memref<!tpu.dma_semaphore, #tpu.memory_space<semaphore_mem>>
      %dma_start3A = arith.constant 0 : i32
      %dma_start3A_73 = tpu.memref_slice %arg9[%add3A_48, %dma_start3A] : memref<10240x128xf32, #tpu.memory_space<vmem_shared>> -> memref<128x128xf32, #tpu.memory_space<vmem_shared>>
      %dma_start3A_74 = arith.constant 0 : i32
      %dma_start3A_75 = tpu.memref_slice %arg9[%add3A_48, %dma_start3A_74] : memref<10240x128xf32, #tpu.memory_space<vmem_shared>> -> memref<128x128xf32, #tpu.memory_space<vmem_shared>>
      tpu.enqueue_dma source(%dma_start3A_75 : memref<128x128xf32, #tpu.memory_space<vmem_shared>>) target(%arg8 : memref<128x128xf32, #tpu.memory_space<vmem>>) target_semaphore(%run_scoped3A : memref<!tpu.dma_semaphore, #tpu.memory_space<semaphore_mem>>)
      %dma_wait3A = arith.constant 0 : i32
      %dma_wait3A_76 = tpu.memref_slice %arg9[%add3A_48, %dma_wait3A] : memref<10240x128xf32, #tpu.memory_space<vmem_shared>> -> memref<128x128xf32, #tpu.memory_space<vmem_shared>>
      %dma_wait3A_77 = arith.constant 0 : i32
      %dma_wait3A_78 = tpu.memref_slice %arg9[%add3A_48, %dma_wait3A_77] : memref<10240x128xf32, #tpu.memory_space<vmem_shared>> -> memref<128x128xf32, #tpu.memory_space<vmem_shared>>
      tpu.wait_dma2 semaphore(%run_scoped3A : memref<!tpu.dma_semaphore, #tpu.memory_space<semaphore_mem>>) src(%dma_wait3A_78 : memref<128x128xf32, #tpu.memory_space<vmem_shared>>) dst(%arg8 : memref<128x128xf32, #tpu.memory_space<vmem>>)
      tpu.yield
    }) : () -> ()
    "tpu.region"() ({
      %run_scoped3A = tpu.sem_alloc : memref<!tpu.dma_semaphore, #tpu.memory_space<semaphore_mem>>
      %dma_start3A = arith.constant 0 : i32
      %dma_start3A_73 = tpu.memref_slice %arg5[%arg0, %add3A_48, %dma_start3A] : memref<2x10240x128xf32, #tpu.memory_space<hbm>> -> memref<1x128x128xf32, #tpu.memory_space<hbm>>
      %dma_start3A_74 = tpu.memref_squeeze %dma_start3A_73 : memref<1x128x128xf32, #tpu.memory_space<hbm>> -> memref<128x128xf32, #tpu.memory_space<hbm>>
      %dma_start3A_75 = arith.constant 0 : i32
      %dma_start3A_76 = tpu.memref_slice %arg5[%arg0, %add3A_48, %dma_start3A_75] : memref<2x10240x128xf32, #tpu.memory_space<hbm>> -> memref<1x128x128xf32, #tpu.memory_space<hbm>>
      %dma_start3A_77 = tpu.memref_squeeze %dma_start3A_76 : memref<1x128x128xf32, #tpu.memory_space<hbm>> -> memref<128x128xf32, #tpu.memory_space<hbm>>
      tpu.enqueue_dma source(%arg8 : memref<128x128xf32, #tpu.memory_space<vmem>>) target(%dma_start3A_77 : memref<128x128xf32, #tpu.memory_space<hbm>>) target_semaphore(%run_scoped3A : memref<!tpu.dma_semaphore, #tpu.memory_space<semaphore_mem>>)
      %dma_wait3A = arith.constant 0 : i32
      %dma_wait3A_78 = tpu.memref_slice %arg5[%arg0, %add3A_48, %dma_wait3A] : memref<2x10240x128xf32, #tpu.memory_space<hbm>> -> memref<1x128x128xf32, #tpu.memory_space<hbm>>
      %dma_wait3A_79 = tpu.memref_squeeze %dma_wait3A_78 : memref<1x128x128xf32, #tpu.memory_space<hbm>> -> memref<128x128xf32, #tpu.memory_space<hbm>>
      %dma_wait3A_80 = arith.constant 0 : i32
      %dma_wait3A_81 = tpu.memref_slice %arg5[%arg0, %add3A_48, %dma_wait3A_80] : memref<2x10240x128xf32, #tpu.memory_space<hbm>> -> memref<1x128x128xf32, #tpu.memory_space<hbm>>
      %dma_wait3A_82 = tpu.memref_squeeze %dma_wait3A_81 : memref<1x128x128xf32, #tpu.memory_space<hbm>> -> memref<128x128xf32, #tpu.memory_space<hbm>>
      tpu.wait_dma2 semaphore(%run_scoped3A : memref<!tpu.dma_semaphore, #tpu.memory_space<semaphore_mem>>) src(%arg8 : memref<128x128xf32, #tpu.memory_space<vmem>>) dst(%dma_wait3A_82 : memref<128x128xf32, #tpu.memory_space<hbm>>)
      tpu.yield
    }) : () -> ()
    %mul3A_49 = arith.constant 5 : i32
    %mul3A_50 = arith.muli %arg1, %mul3A_49 : i32
    %mul3A_51 = arith.constant 128 : i32
    %mul3A_52 = arith.muli %mul3A_50, %mul3A_51 : i32
    %add3A_53 = arith.constant 128 : i32
    %add3A_54 = arith.addi %mul3A_52, %add3A_53 : i32
    "tpu.region"() ({
      %run_scoped3A = tpu.sem_alloc : memref<!tpu.dma_semaphore, #tpu.memory_space<semaphore_mem>>
      %dma_start3A = arith.constant 0 : i32
      %dma_start3A_73 = tpu.memref_slice %arg9[%add3A_54, %dma_start3A] : memref<10240x128xf32, #tpu.memory_space<vmem_shared>> -> memref<128x128xf32, #tpu.memory_space<vmem_shared>>
      %dma_start3A_74 = arith.constant 0 : i32
      %dma_start3A_75 = tpu.memref_slice %arg9[%add3A_54, %dma_start3A_74] : memref<10240x128xf32, #tpu.memory_space<vmem_shared>> -> memref<128x128xf32, #tpu.memory_space<vmem_shared>>
      tpu.enqueue_dma source(%dma_start3A_75 : memref<128x128xf32, #tpu.memory_space<vmem_shared>>) target(%arg8 : memref<128x128xf32, #tpu.memory_space<vmem>>) target_semaphore(%run_scoped3A : memref<!tpu.dma_semaphore, #tpu.memory_space<semaphore_mem>>)
      %dma_wait3A = arith.constant 0 : i32
      %dma_wait3A_76 = tpu.memref_slice %arg9[%add3A_54, %dma_wait3A] : memref<10240x128xf32, #tpu.memory_space<vmem_shared>> -> memref<128x128xf32, #tpu.memory_space<vmem_shared>>
      %dma_wait3A_77 = arith.constant 0 : i32
      %dma_wait3A_78 = tpu.memref_slice %arg9[%add3A_54, %dma_wait3A_77] : memref<10240x128xf32, #tpu.memory_space<vmem_shared>> -> memref<128x128xf32, #tpu.memory_space<vmem_shared>>
      tpu.wait_dma2 semaphore(%run_scoped3A : memref<!tpu.dma_semaphore, #tpu.memory_space<semaphore_mem>>) src(%dma_wait3A_78 : memref<128x128xf32, #tpu.memory_space<vmem_shared>>) dst(%arg8 : memref<128x128xf32, #tpu.memory_space<vmem>>)
      tpu.yield
    }) : () -> ()
    "tpu.region"() ({
      %run_scoped3A = tpu.sem_alloc : memref<!tpu.dma_semaphore, #tpu.memory_space<semaphore_mem>>
      %dma_start3A = arith.constant 0 : i32
      %dma_start3A_73 = tpu.memref_slice %arg5[%arg0, %add3A_54, %dma_start3A] : memref<2x10240x128xf32, #tpu.memory_space<hbm>> -> memref<1x128x128xf32, #tpu.memory_space<hbm>>
      %dma_start3A_74 = tpu.memref_squeeze %dma_start3A_73 : memref<1x128x128xf32, #tpu.memory_space<hbm>> -> memref<128x128xf32, #tpu.memory_space<hbm>>
      %dma_start3A_75 = arith.constant 0 : i32
      %dma_start3A_76 = tpu.memref_slice %arg5[%arg0, %add3A_54, %dma_start3A_75] : memref<2x10240x128xf32, #tpu.memory_space<hbm>> -> memref<1x128x128xf32, #tpu.memory_space<hbm>>
      %dma_start3A_77 = tpu.memref_squeeze %dma_start3A_76 : memref<1x128x128xf32, #tpu.memory_space<hbm>> -> memref<128x128xf32, #tpu.memory_space<hbm>>
      tpu.enqueue_dma source(%arg8 : memref<128x128xf32, #tpu.memory_space<vmem>>) target(%dma_start3A_77 : memref<128x128xf32, #tpu.memory_space<hbm>>) target_semaphore(%run_scoped3A : memref<!tpu.dma_semaphore, #tpu.memory_space<semaphore_mem>>)
      %dma_wait3A = arith.constant 0 : i32
      %dma_wait3A_78 = tpu.memref_slice %arg5[%arg0, %add3A_54, %dma_wait3A] : memref<2x10240x128xf32, #tpu.memory_space<hbm>> -> memref<1x128x128xf32, #tpu.memory_space<hbm>>
      %dma_wait3A_79 = tpu.memref_squeeze %dma_wait3A_78 : memref<1x128x128xf32, #tpu.memory_space<hbm>> -> memref<128x128xf32, #tpu.memory_space<hbm>>
      %dma_wait3A_80 = arith.constant 0 : i32
      %dma_wait3A_81 = tpu.memref_slice %arg5[%arg0, %add3A_54, %dma_wait3A_80] : memref<2x10240x128xf32, #tpu.memory_space<hbm>> -> memref<1x128x128xf32, #tpu.memory_space<hbm>>
      %dma_wait3A_82 = tpu.memref_squeeze %dma_wait3A_81 : memref<1x128x128xf32, #tpu.memory_space<hbm>> -> memref<128x128xf32, #tpu.memory_space<hbm>>
      tpu.wait_dma2 semaphore(%run_scoped3A : memref<!tpu.dma_semaphore, #tpu.memory_space<semaphore_mem>>) src(%arg8 : memref<128x128xf32, #tpu.memory_space<vmem>>) dst(%dma_wait3A_82 : memref<128x128xf32, #tpu.memory_space<hbm>>)
      tpu.yield
    }) : () -> ()
    %mul3A_55 = arith.constant 5 : i32
    %mul3A_56 = arith.muli %arg1, %mul3A_55 : i32
    %mul3A_57 = arith.constant 128 : i32
    %mul3A_58 = arith.muli %mul3A_56, %mul3A_57 : i32
    %add3A_59 = arith.constant 256 : i32
    %add3A_60 = arith.addi %mul3A_58, %add3A_59 : i32
    "tpu.region"() ({
      %run_scoped3A = tpu.sem_alloc : memref<!tpu.dma_semaphore, #tpu.memory_space<semaphore_mem>>
      %dma_start3A = arith.constant 0 : i32
      %dma_start3A_73 = tpu.memref_slice %arg9[%add3A_60, %dma_start3A] : memref<10240x128xf32, #tpu.memory_space<vmem_shared>> -> memref<128x128xf32, #tpu.memory_space<vmem_shared>>
      %dma_start3A_74 = arith.constant 0 : i32
      %dma_start3A_75 = tpu.memref_slice %arg9[%add3A_60, %dma_start3A_74] : memref<10240x128xf32, #tpu.memory_space<vmem_shared>> -> memref<128x128xf32, #tpu.memory_space<vmem_shared>>
      tpu.enqueue_dma source(%dma_start3A_75 : memref<128x128xf32, #tpu.memory_space<vmem_shared>>) target(%arg8 : memref<128x128xf32, #tpu.memory_space<vmem>>) target_semaphore(%run_scoped3A : memref<!tpu.dma_semaphore, #tpu.memory_space<semaphore_mem>>)
      %dma_wait3A = arith.constant 0 : i32
      %dma_wait3A_76 = tpu.memref_slice %arg9[%add3A_60, %dma_wait3A] : memref<10240x128xf32, #tpu.memory_space<vmem_shared>> -> memref<128x128xf32, #tpu.memory_space<vmem_shared>>
      %dma_wait3A_77 = arith.constant 0 : i32
      %dma_wait3A_78 = tpu.memref_slice %arg9[%add3A_60, %dma_wait3A_77] : memref<10240x128xf32, #tpu.memory_space<vmem_shared>> -> memref<128x128xf32, #tpu.memory_space<vmem_shared>>
      tpu.wait_dma2 semaphore(%run_scoped3A : memref<!tpu.dma_semaphore, #tpu.memory_space<semaphore_mem>>) src(%dma_wait3A_78 : memref<128x128xf32, #tpu.memory_space<vmem_shared>>) dst(%arg8 : memref<128x128xf32, #tpu.memory_space<vmem>>)
      tpu.yield
    }) : () -> ()
    "tpu.region"() ({
      %run_scoped3A = tpu.sem_alloc : memref<!tpu.dma_semaphore, #tpu.memory_space<semaphore_mem>>
      %dma_start3A = arith.constant 0 : i32
      %dma_start3A_73 = tpu.memref_slice %arg5[%arg0, %add3A_60, %dma_start3A] : memref<2x10240x128xf32, #tpu.memory_space<hbm>> -> memref<1x128x128xf32, #tpu.memory_space<hbm>>
      %dma_start3A_74 = tpu.memref_squeeze %dma_start3A_73 : memref<1x128x128xf32, #tpu.memory_space<hbm>> -> memref<128x128xf32, #tpu.memory_space<hbm>>
      %dma_start3A_75 = arith.constant 0 : i32
      %dma_start3A_76 = tpu.memref_slice %arg5[%arg0, %add3A_60, %dma_start3A_75] : memref<2x10240x128xf32, #tpu.memory_space<hbm>> -> memref<1x128x128xf32, #tpu.memory_space<hbm>>
      %dma_start3A_77 = tpu.memref_squeeze %dma_start3A_76 : memref<1x128x128xf32, #tpu.memory_space<hbm>> -> memref<128x128xf32, #tpu.memory_space<hbm>>
      tpu.enqueue_dma source(%arg8 : memref<128x128xf32, #tpu.memory_space<vmem>>) target(%dma_start3A_77 : memref<128x128xf32, #tpu.memory_space<hbm>>) target_semaphore(%run_scoped3A : memref<!tpu.dma_semaphore, #tpu.memory_space<semaphore_mem>>)
      %dma_wait3A = arith.constant 0 : i32
      %dma_wait3A_78 = tpu.memref_slice %arg5[%arg0, %add3A_60, %dma_wait3A] : memref<2x10240x128xf32, #tpu.memory_space<hbm>> -> memref<1x128x128xf32, #tpu.memory_space<hbm>>
      %dma_wait3A_79 = tpu.memref_squeeze %dma_wait3A_78 : memref<1x128x128xf32, #tpu.memory_space<hbm>> -> memref<128x128xf32, #tpu.memory_space<hbm>>
      %dma_wait3A_80 = arith.constant 0 : i32
      %dma_wait3A_81 = tpu.memref_slice %arg5[%arg0, %add3A_60, %dma_wait3A_80] : memref<2x10240x128xf32, #tpu.memory_space<hbm>> -> memref<1x128x128xf32, #tpu.memory_space<hbm>>
      %dma_wait3A_82 = tpu.memref_squeeze %dma_wait3A_81 : memref<1x128x128xf32, #tpu.memory_space<hbm>> -> memref<128x128xf32, #tpu.memory_space<hbm>>
      tpu.wait_dma2 semaphore(%run_scoped3A : memref<!tpu.dma_semaphore, #tpu.memory_space<semaphore_mem>>) src(%arg8 : memref<128x128xf32, #tpu.memory_space<vmem>>) dst(%dma_wait3A_82 : memref<128x128xf32, #tpu.memory_space<hbm>>)
      tpu.yield
    }) : () -> ()
    %mul3A_61 = arith.constant 5 : i32
    %mul3A_62 = arith.muli %arg1, %mul3A_61 : i32
    %mul3A_63 = arith.constant 128 : i32
    %mul3A_64 = arith.muli %mul3A_62, %mul3A_63 : i32
    %add3A_65 = arith.constant 384 : i32
    %add3A_66 = arith.addi %mul3A_64, %add3A_65 : i32
    "tpu.region"() ({
      %run_scoped3A = tpu.sem_alloc : memref<!tpu.dma_semaphore, #tpu.memory_space<semaphore_mem>>
      %dma_start3A = arith.constant 0 : i32
      %dma_start3A_73 = tpu.memref_slice %arg9[%add3A_66, %dma_start3A] : memref<10240x128xf32, #tpu.memory_space<vmem_shared>> -> memref<128x128xf32, #tpu.memory_space<vmem_shared>>
      %dma_start3A_74 = arith.constant 0 : i32
      %dma_start3A_75 = tpu.memref_slice %arg9[%add3A_66, %dma_start3A_74] : memref<10240x128xf32, #tpu.memory_space<vmem_shared>> -> memref<128x128xf32, #tpu.memory_space<vmem_shared>>
      tpu.enqueue_dma source(%dma_start3A_75 : memref<128x128xf32, #tpu.memory_space<vmem_shared>>) target(%arg8 : memref<128x128xf32, #tpu.memory_space<vmem>>) target_semaphore(%run_scoped3A : memref<!tpu.dma_semaphore, #tpu.memory_space<semaphore_mem>>)
      %dma_wait3A = arith.constant 0 : i32
      %dma_wait3A_76 = tpu.memref_slice %arg9[%add3A_66, %dma_wait3A] : memref<10240x128xf32, #tpu.memory_space<vmem_shared>> -> memref<128x128xf32, #tpu.memory_space<vmem_shared>>
      %dma_wait3A_77 = arith.constant 0 : i32
      %dma_wait3A_78 = tpu.memref_slice %arg9[%add3A_66, %dma_wait3A_77] : memref<10240x128xf32, #tpu.memory_space<vmem_shared>> -> memref<128x128xf32, #tpu.memory_space<vmem_shared>>
      tpu.wait_dma2 semaphore(%run_scoped3A : memref<!tpu.dma_semaphore, #tpu.memory_space<semaphore_mem>>) src(%dma_wait3A_78 : memref<128x128xf32, #tpu.memory_space<vmem_shared>>) dst(%arg8 : memref<128x128xf32, #tpu.memory_space<vmem>>)
      tpu.yield
    }) : () -> ()
    "tpu.region"() ({
      %run_scoped3A = tpu.sem_alloc : memref<!tpu.dma_semaphore, #tpu.memory_space<semaphore_mem>>
      %dma_start3A = arith.constant 0 : i32
      %dma_start3A_73 = tpu.memref_slice %arg5[%arg0, %add3A_66, %dma_start3A] : memref<2x10240x128xf32, #tpu.memory_space<hbm>> -> memref<1x128x128xf32, #tpu.memory_space<hbm>>
      %dma_start3A_74 = tpu.memref_squeeze %dma_start3A_73 : memref<1x128x128xf32, #tpu.memory_space<hbm>> -> memref<128x128xf32, #tpu.memory_space<hbm>>
      %dma_start3A_75 = arith.constant 0 : i32
      %dma_start3A_76 = tpu.memref_slice %arg5[%arg0, %add3A_66, %dma_start3A_75] : memref<2x10240x128xf32, #tpu.memory_space<hbm>> -> memref<1x128x128xf32, #tpu.memory_space<hbm>>
      %dma_start3A_77 = tpu.memref_squeeze %dma_start3A_76 : memref<1x128x128xf32, #tpu.memory_space<hbm>> -> memref<128x128xf32, #tpu.memory_space<hbm>>
      tpu.enqueue_dma source(%arg8 : memref<128x128xf32, #tpu.memory_space<vmem>>) target(%dma_start3A_77 : memref<128x128xf32, #tpu.memory_space<hbm>>) target_semaphore(%run_scoped3A : memref<!tpu.dma_semaphore, #tpu.memory_space<semaphore_mem>>)
      %dma_wait3A = arith.constant 0 : i32
      %dma_wait3A_78 = tpu.memref_slice %arg5[%arg0, %add3A_66, %dma_wait3A] : memref<2x10240x128xf32, #tpu.memory_space<hbm>> -> memref<1x128x128xf32, #tpu.memory_space<hbm>>
      %dma_wait3A_79 = tpu.memref_squeeze %dma_wait3A_78 : memref<1x128x128xf32, #tpu.memory_space<hbm>> -> memref<128x128xf32, #tpu.memory_space<hbm>>
      %dma_wait3A_80 = arith.constant 0 : i32
      %dma_wait3A_81 = tpu.memref_slice %arg5[%arg0, %add3A_66, %dma_wait3A_80] : memref<2x10240x128xf32, #tpu.memory_space<hbm>> -> memref<1x128x128xf32, #tpu.memory_space<hbm>>
      %dma_wait3A_82 = tpu.memref_squeeze %dma_wait3A_81 : memref<1x128x128xf32, #tpu.memory_space<hbm>> -> memref<128x128xf32, #tpu.memory_space<hbm>>
      tpu.wait_dma2 semaphore(%run_scoped3A : memref<!tpu.dma_semaphore, #tpu.memory_space<semaphore_mem>>) src(%arg8 : memref<128x128xf32, #tpu.memory_space<vmem>>) dst(%dma_wait3A_82 : memref<128x128xf32, #tpu.memory_space<hbm>>)
      tpu.yield
    }) : () -> ()
    %mul3A_67 = arith.constant 5 : i32
    %mul3A_68 = arith.muli %arg1, %mul3A_67 : i32
    %mul3A_69 = arith.constant 128 : i32
    %mul3A_70 = arith.muli %mul3A_68, %mul3A_69 : i32
    %add3A_71 = arith.constant 512 : i32
    %add3A_72 = arith.addi %mul3A_70, %add3A_71 : i32
    "tpu.region"() ({
      %run_scoped3A = tpu.sem_alloc : memref<!tpu.dma_semaphore, #tpu.memory_space<semaphore_mem>>
      %dma_start3A = arith.constant 0 : i32
      %dma_start3A_73 = tpu.memref_slice %arg9[%add3A_72, %dma_start3A] : memref<10240x128xf32, #tpu.memory_space<vmem_shared>> -> memref<128x128xf32, #tpu.memory_space<vmem_shared>>
      %dma_start3A_74 = arith.constant 0 : i32
      %dma_start3A_75 = tpu.memref_slice %arg9[%add3A_72, %dma_start3A_74] : memref<10240x128xf32, #tpu.memory_space<vmem_shared>> -> memref<128x128xf32, #tpu.memory_space<vmem_shared>>
      tpu.enqueue_dma source(%dma_start3A_75 : memref<128x128xf32, #tpu.memory_space<vmem_shared>>) target(%arg8 : memref<128x128xf32, #tpu.memory_space<vmem>>) target_semaphore(%run_scoped3A : memref<!tpu.dma_semaphore, #tpu.memory_space<semaphore_mem>>)
      %dma_wait3A = arith.constant 0 : i32
      %dma_wait3A_76 = tpu.memref_slice %arg9[%add3A_72, %dma_wait3A] : memref<10240x128xf32, #tpu.memory_space<vmem_shared>> -> memref<128x128xf32, #tpu.memory_space<vmem_shared>>
      %dma_wait3A_77 = arith.constant 0 : i32
      %dma_wait3A_78 = tpu.memref_slice %arg9[%add3A_72, %dma_wait3A_77] : memref<10240x128xf32, #tpu.memory_space<vmem_shared>> -> memref<128x128xf32, #tpu.memory_space<vmem_shared>>
      tpu.wait_dma2 semaphore(%run_scoped3A : memref<!tpu.dma_semaphore, #tpu.memory_space<semaphore_mem>>) src(%dma_wait3A_78 : memref<128x128xf32, #tpu.memory_space<vmem_shared>>) dst(%arg8 : memref<128x128xf32, #tpu.memory_space<vmem>>)
      tpu.yield
    }) : () -> ()
    "tpu.region"() ({
      %run_scoped3A = tpu.sem_alloc : memref<!tpu.dma_semaphore, #tpu.memory_space<semaphore_mem>>
      %dma_start3A = arith.constant 0 : i32
      %dma_start3A_73 = tpu.memref_slice %arg5[%arg0, %add3A_72, %dma_start3A] : memref<2x10240x128xf32, #tpu.memory_space<hbm>> -> memref<1x128x128xf32, #tpu.memory_space<hbm>>
      %dma_start3A_74 = tpu.memref_squeeze %dma_start3A_73 : memref<1x128x128xf32, #tpu.memory_space<hbm>> -> memref<128x128xf32, #tpu.memory_space<hbm>>
      %dma_start3A_75 = arith.constant 0 : i32
      %dma_start3A_76 = tpu.memref_slice %arg5[%arg0, %add3A_72, %dma_start3A_75] : memref<2x10240x128xf32, #tpu.memory_space<hbm>> -> memref<1x128x128xf32, #tpu.memory_space<hbm>>
      %dma_start3A_77 = tpu.memref_squeeze %dma_start3A_76 : memref<1x128x128xf32, #tpu.memory_space<hbm>> -> memref<128x128xf32, #tpu.memory_space<hbm>>
      tpu.enqueue_dma source(%arg8 : memref<128x128xf32, #tpu.memory_space<vmem>>) target(%dma_start3A_77 : memref<128x128xf32, #tpu.memory_space<hbm>>) target_semaphore(%run_scoped3A : memref<!tpu.dma_semaphore, #tpu.memory_space<semaphore_mem>>)
      %dma_wait3A = arith.constant 0 : i32
      %dma_wait3A_78 = tpu.memref_slice %arg5[%arg0, %add3A_72, %dma_wait3A] : memref<2x10240x128xf32, #tpu.memory_space<hbm>> -> memref<1x128x128xf32, #tpu.memory_space<hbm>>
      %dma_wait3A_79 = tpu.memref_squeeze %dma_wait3A_78 : memref<1x128x128xf32, #tpu.memory_space<hbm>> -> memref<128x128xf32, #tpu.memory_space<hbm>>
      %dma_wait3A_80 = arith.constant 0 : i32
      %dma_wait3A_81 = tpu.memref_slice %arg5[%arg0, %add3A_72, %dma_wait3A_80] : memref<2x10240x128xf32, #tpu.memory_space<hbm>> -> memref<1x128x128xf32, #tpu.memory_space<hbm>>
      %dma_wait3A_82 = tpu.memref_squeeze %dma_wait3A_81 : memref<1x128x128xf32, #tpu.memory_space<hbm>> -> memref<128x128xf32, #tpu.memory_space<hbm>>
      tpu.wait_dma2 semaphore(%run_scoped3A : memref<!tpu.dma_semaphore, #tpu.memory_space<semaphore_mem>>) src(%arg8 : memref<128x128xf32, #tpu.memory_space<vmem>>) dst(%dma_wait3A_82 : memref<128x128xf32, #tpu.memory_space<hbm>>)
      tpu.yield
    }) : () -> ()
    return
  }
}

module attributes {stable_mosaic.version = 14 : i64} {
  func.func @body(%arg0: i32, %arg1: memref<2000x128xf32, #tpu.memory_space<vmem>>, %arg2: memref<128x128xf32, #tpu.memory_space<vmem>>, %arg3: memref<2x2000x128xf32, #tpu.memory_space<vmem>>, %arg4: memref<2000x128xf32, #tpu.memory_space<vmem>>, %arg5: memref<2000x16xf32, #tpu.memory_space<vmem>>) attributes {dimension_semantics = [#tpu.dimension_semantics<arbitrary>], iteration_bounds = array<i64: 5>, scalar_prefetch = 0 : i64, scratch_operands = 0 : i64, tpu.core_type = #tpu.core_type<tc>, window_params = [{transform_indices = @transform_0, window_bounds = array<i64: 2000, 128>}, {pipeline_mode = #tpu.pipeline_mode<synchronous>, transform_indices = @transform_1, window_bounds = array<i64: 128, 128>}, {transform_indices = @transform_2, window_bounds = array<i64: 2, 2000, 128>}, {transform_indices = @transform_3, window_bounds = array<i64: 2000, 128>}, {transform_indices = @transform_4, window_bounds = array<i64: 2000, 16>}]} {
    %get3A = arith.constant 0 : index
    %get3A_0 = arith.constant 0 : index
    %get3A_1 = arith.constant 0 : index
    %get3A_2 = vector.load %arg3[%get3A, %get3A_0, %get3A_1] : memref<2x2000x128xf32, #tpu.memory_space<vmem>>, vector<1x2000x128xf32>
    %get3A_3 = vector.shape_cast %get3A_2 : vector<1x2000x128xf32> to vector<2000x128xf32>
    %get3A_4 = arith.constant 1 : index
    %get3A_5 = arith.constant 0 : index
    %get3A_6 = arith.constant 0 : index
    %get3A_7 = vector.load %arg3[%get3A_4, %get3A_5, %get3A_6] : memref<2x2000x128xf32, #tpu.memory_space<vmem>>, vector<1x2000x128xf32>
    %get3A_8 = vector.shape_cast %get3A_7 : vector<1x2000x128xf32> to vector<2000x128xf32>
    %add3A = arith.addf %get3A_3, %get3A_8 : vector<2000x128xf32>
    %add3A_9 = arith.constant 1.000000e+00 : f32
    %add3A_10 = vector.broadcast %add3A_9 : f32 to vector<2000x128xf32>
    %add3A_11 = arith.addf %add3A, %add3A_10 : vector<2000x128xf32>
    %rsqrt3A = math.rsqrt %add3A_11 : vector<2000x128xf32>
    %get3A_12 = arith.constant 0 : index
    %get3A_13 = arith.constant 0 : index
    %get3A_14 = vector.load %arg1[%get3A_12, %get3A_13] : memref<2000x128xf32, #tpu.memory_space<vmem>>, vector<2000x128xf32>
    %get3A_15 = arith.constant 0 : index
    %get3A_16 = arith.constant 0 : index
    %get3A_17 = vector.load %arg2[%get3A_15, %get3A_16] : memref<128x128xf32, #tpu.memory_space<vmem>>, vector<128x128xf32>
    %dot_general3A = arith.constant dense<0.000000e+00> : vector<2000x128xf32>
    %dot_general3A_18 = tpu.matmul %get3A_14, %get3A_17, %dot_general3A {dimension_numbers = #tpu.dot_dimension_numbers<[1], [0], [0], [1], [0, 0, 1, 1], [], []>, transpose_lhs_hint = false} : vector<2000x128xf32>, vector<128x128xf32>, vector<2000x128xf32> -> vector<2000x128xf32>
    %slice3A = vector.extract_strided_slice %rsqrt3A {offsets = [0, 0], sizes = [2000, 1], strides = [1, 1]} : vector<2000x128xf32> to vector<2000x1xf32>
    %mul3A = vector.broadcast %slice3A : vector<2000x1xf32> to vector<2000x128xf32>
    %mul3A_19 = arith.mulf %dot_general3A_18, %mul3A : vector<2000x128xf32>
    %swap3A = arith.constant 0 : index
    %swap3A_20 = arith.constant 0 : index
    %swap3A_21 = vector.load %arg4[%swap3A, %swap3A_20] : memref<2000x128xf32, #tpu.memory_space<vmem>>, vector<2000x128xf32>
    tpu.vector_store %arg4[%swap3A, %swap3A_20], %mul3A_19 {strides = array<i32>} : memref<2000x128xf32, #tpu.memory_space<vmem>>, vector<2000x128xf32>,
    %slice3A_22 = vector.extract_strided_slice %rsqrt3A {offsets = [0, 0], sizes = [2000, 16], strides = [1, 1]} : vector<2000x128xf32> to vector<2000x16xf32>
    %swap3A_23 = arith.constant 0 : index
    %swap3A_24 = arith.constant 0 : index
    %swap3A_25 = vector.load %arg5[%swap3A_23, %swap3A_24] : memref<2000x16xf32, #tpu.memory_space<vmem>>, vector<2000x16xf32>
    tpu.vector_store %arg5[%swap3A_23, %swap3A_24], %slice3A_22 {strides = array<i32>} : memref<2000x16xf32, #tpu.memory_space<vmem>>, vector<2000x16xf32>,
    return
  }
  func.func @transform_0(%arg0: i32) -> (i32, i32) {
    %c0_i32 = arith.constant 0 : i32
    %c0_i32_0 = arith.constant 0 : i32
    return %arg0, %c0_i32 : i32, i32
  }
  func.func @transform_1(%arg0: i32) -> (i32, i32) {
    %c0_i32 = arith.constant 0 : i32
    %c0_i32_0 = arith.constant 0 : i32
    %c0_i32_1 = arith.constant 0 : i32
    return %c0_i32, %c0_i32_0 : i32, i32
  }
  func.func @transform_2(%arg0: i32) -> (i32, i32, i32) {
    %c0_i32 = arith.constant 0 : i32
    %c0_i32_0 = arith.constant 0 : i32
    %c0_i32_1 = arith.constant 0 : i32
    return %c0_i32, %arg0, %c0_i32_0 : i32, i32, i32
  }
  func.func @transform_3(%arg0: i32) -> (i32, i32) {
    %c0_i32 = arith.constant 0 : i32
    %c0_i32_0 = arith.constant 0 : i32
    return %arg0, %c0_i32 : i32, i32
  }
  func.func @transform_4(%arg0: i32) -> (i32, i32) {
    %c0_i32 = arith.constant 0 : i32
    %c0_i32_0 = arith.constant 0 : i32
    return %arg0, %c0_i32 : i32, i32
  }
}

module attributes {stable_mosaic.version = 14 : i64} {
  func.func @body(%arg0: i32, %arg1: memref<2x2000x128xf32, #tpu.memory_space<vmem>>, %arg2: memref<2000x128xf32, #tpu.memory_space<vmem>>, %arg3: memref<2000x16xf32, #tpu.memory_space<vmem>>, %arg4: memref<1x128xf32, #tpu.memory_space<vmem>>, %arg5: memref<128x128xf32, #tpu.memory_space<vmem>>, %arg6: memref<2000x128xf32, #tpu.memory_space<vmem>>) attributes {dimension_semantics = [#tpu.dimension_semantics<arbitrary>], iteration_bounds = array<i64: 5>, scalar_prefetch = 0 : i64, scratch_operands = 0 : i64, tpu.core_type = #tpu.core_type<tc>, window_params = [{transform_indices = @transform_0, window_bounds = array<i64: 2, 2000, 128>}, {transform_indices = @transform_1, window_bounds = array<i64: 2000, 128>}, {transform_indices = @transform_2, window_bounds = array<i64: 2000, 16>}, {pipeline_mode = #tpu.pipeline_mode<synchronous>, transform_indices = @transform_3, window_bounds = array<i64: 1, 128>}, {pipeline_mode = #tpu.pipeline_mode<synchronous>, transform_indices = @transform_4, window_bounds = array<i64: 128, 128>}, {transform_indices = @transform_5, window_bounds = array<i64: 2000, 128>}]} {
    %get3A = arith.constant 0 : index
    %get3A_0 = arith.constant 0 : index
    %get3A_1 = arith.constant 0 : index
    %get3A_2 = vector.load %arg1[%get3A, %get3A_0, %get3A_1] : memref<2x2000x128xf32, #tpu.memory_space<vmem>>, vector<1x2000x128xf32>
    %get3A_3 = vector.shape_cast %get3A_2 : vector<1x2000x128xf32> to vector<2000x128xf32>
    %get3A_4 = arith.constant 1 : index
    %get3A_5 = arith.constant 0 : index
    %get3A_6 = arith.constant 0 : index
    %get3A_7 = vector.load %arg1[%get3A_4, %get3A_5, %get3A_6] : memref<2x2000x128xf32, #tpu.memory_space<vmem>>, vector<1x2000x128xf32>
    %get3A_8 = vector.shape_cast %get3A_7 : vector<1x2000x128xf32> to vector<2000x128xf32>
    %add3A = arith.addf %get3A_3, %get3A_8 : vector<2000x128xf32>
    %get3A_9 = arith.constant 0 : index
    %get3A_10 = arith.constant 0 : index
    %get3A_11 = vector.load %arg2[%get3A_9, %get3A_10] : memref<2000x128xf32, #tpu.memory_space<vmem>>, vector<2000x128xf32>
    %add3A_12 = arith.addf %add3A, %get3A_11 : vector<2000x128xf32>
    %get3A_13 = arith.constant 0 : index
    %get3A_14 = arith.constant 0 : index
    %get3A_15 = vector.load %arg3[%get3A_13, %get3A_14] : memref<2000x16xf32, #tpu.memory_space<vmem>>, vector<2000x1xf32>
    %mul3A = vector.broadcast %get3A_15 : vector<2000x1xf32> to vector<2000x128xf32>
    %mul3A_16 = arith.mulf %add3A_12, %mul3A : vector<2000x128xf32>
    %get3A_17 = arith.constant 0 : index
    %get3A_18 = arith.constant 0 : index
    %get3A_19 = vector.load %arg4[%get3A_17, %get3A_18] : memref<1x128xf32, #tpu.memory_space<vmem>>, vector<1x128xf32>
    %add3A_20 = vector.broadcast %get3A_19 : vector<1x128xf32> to vector<2000x128xf32>
    %add3A_21 = arith.addf %mul3A_16, %add3A_20 : vector<2000x128xf32>
    %max3A = arith.constant 0.000000e+00 : f32
    %max3A_22 = vector.broadcast %max3A : f32 to vector<2000x128xf32>
    %max3A_23 = arith.maximumf %add3A_21, %max3A_22 : vector<2000x128xf32>
    %get3A_24 = arith.constant 0 : index
    %get3A_25 = arith.constant 0 : index
    %get3A_26 = vector.load %arg5[%get3A_24, %get3A_25] : memref<128x128xf32, #tpu.memory_space<vmem>>, vector<128x128xf32>
    %dot_general3A = arith.constant dense<0.000000e+00> : vector<2000x128xf32>
    %dot_general3A_27 = tpu.matmul %max3A_23, %get3A_26, %dot_general3A {dimension_numbers = #tpu.dot_dimension_numbers<[1], [0], [0], [1], [0, 0, 1, 1], [], []>, transpose_lhs_hint = false} : vector<2000x128xf32>, vector<128x128xf32>, vector<2000x128xf32> -> vector<2000x128xf32>
    %get3A_28 = arith.constant 0 : index
    %get3A_29 = arith.constant 0 : index
    %get3A_30 = vector.load %arg3[%get3A_28, %get3A_29] : memref<2000x16xf32, #tpu.memory_space<vmem>>, vector<2000x1xf32>
    %mul3A_31 = vector.broadcast %get3A_30 : vector<2000x1xf32> to vector<2000x128xf32>
    %mul3A_32 = arith.mulf %dot_general3A_27, %mul3A_31 : vector<2000x128xf32>
    %swap3A = arith.constant 0 : index
    %swap3A_33 = arith.constant 0 : index
    %swap3A_34 = vector.load %arg6[%swap3A, %swap3A_33] : memref<2000x128xf32, #tpu.memory_space<vmem>>, vector<2000x128xf32>
    tpu.vector_store %arg6[%swap3A, %swap3A_33], %mul3A_32 {strides = array<i32>} : memref<2000x128xf32, #tpu.memory_space<vmem>>, vector<2000x128xf32>,
    return
  }
  func.func @transform_0(%arg0: i32) -> (i32, i32, i32) {
    %c0_i32 = arith.constant 0 : i32
    %c0_i32_0 = arith.constant 0 : i32
    %c0_i32_1 = arith.constant 0 : i32
    return %c0_i32, %arg0, %c0_i32_0 : i32, i32, i32
  }
  func.func @transform_1(%arg0: i32) -> (i32, i32) {
    %c0_i32 = arith.constant 0 : i32
    %c0_i32_0 = arith.constant 0 : i32
    return %arg0, %c0_i32 : i32, i32
  }
  func.func @transform_2(%arg0: i32) -> (i32, i32) {
    %c0_i32 = arith.constant 0 : i32
    %c0_i32_0 = arith.constant 0 : i32
    return %arg0, %c0_i32 : i32, i32
  }
  func.func @transform_3(%arg0: i32) -> (i32, i32) {
    %c0_i32 = arith.constant 0 : i32
    %c0_i32_0 = arith.constant 0 : i32
    %c0_i32_1 = arith.constant 0 : i32
    return %c0_i32, %c0_i32_0 : i32, i32
  }
  func.func @transform_4(%arg0: i32) -> (i32, i32) {
    %c0_i32 = arith.constant 0 : i32
    %c0_i32_0 = arith.constant 0 : i32
    %c0_i32_1 = arith.constant 0 : i32
    return %c0_i32, %c0_i32_0 : i32, i32
  }
  func.func @transform_5(%arg0: i32) -> (i32, i32) {
    %c0_i32 = arith.constant 0 : i32
    %c0_i32_0 = arith.constant 0 : i32
    return %arg0, %c0_i32 : i32, i32
  }
}

module attributes {stable_mosaic.version = 14 : i64} {
  func.func @body(%arg0: i32, %arg1: memref<2x2000x128xf32, #tpu.memory_space<vmem>>, %arg2: memref<2000x128xf32, #tpu.memory_space<vmem>>, %arg3: memref<2000x16xf32, #tpu.memory_space<vmem>>, %arg4: memref<1x128xf32, #tpu.memory_space<vmem>>, %arg5: memref<2000x128xf32, #tpu.memory_space<vmem>>) attributes {dimension_semantics = [#tpu.dimension_semantics<arbitrary>], iteration_bounds = array<i64: 5>, scalar_prefetch = 0 : i64, scratch_operands = 0 : i64, tpu.core_type = #tpu.core_type<tc>, window_params = [{transform_indices = @transform_0, window_bounds = array<i64: 2, 2000, 128>}, {transform_indices = @transform_1, window_bounds = array<i64: 2000, 128>}, {transform_indices = @transform_2, window_bounds = array<i64: 2000, 16>}, {pipeline_mode = #tpu.pipeline_mode<synchronous>, transform_indices = @transform_3, window_bounds = array<i64: 1, 128>}, {transform_indices = @transform_4, window_bounds = array<i64: 2000, 128>}]} {
    %get3A = arith.constant 0 : index
    %get3A_0 = arith.constant 0 : index
    %get3A_1 = arith.constant 0 : index
    %get3A_2 = vector.load %arg1[%get3A, %get3A_0, %get3A_1] : memref<2x2000x128xf32, #tpu.memory_space<vmem>>, vector<1x2000x128xf32>
    %get3A_3 = vector.shape_cast %get3A_2 : vector<1x2000x128xf32> to vector<2000x128xf32>
    %get3A_4 = arith.constant 1 : index
    %get3A_5 = arith.constant 0 : index
    %get3A_6 = arith.constant 0 : index
    %get3A_7 = vector.load %arg1[%get3A_4, %get3A_5, %get3A_6] : memref<2x2000x128xf32, #tpu.memory_space<vmem>>, vector<1x2000x128xf32>
    %get3A_8 = vector.shape_cast %get3A_7 : vector<1x2000x128xf32> to vector<2000x128xf32>
    %add3A = arith.addf %get3A_3, %get3A_8 : vector<2000x128xf32>
    %get3A_9 = arith.constant 0 : index
    %get3A_10 = arith.constant 0 : index
    %get3A_11 = vector.load %arg2[%get3A_9, %get3A_10] : memref<2000x128xf32, #tpu.memory_space<vmem>>, vector<2000x128xf32>
    %add3A_12 = arith.addf %add3A, %get3A_11 : vector<2000x128xf32>
    %get3A_13 = arith.constant 0 : index
    %get3A_14 = arith.constant 0 : index
    %get3A_15 = vector.load %arg3[%get3A_13, %get3A_14] : memref<2000x16xf32, #tpu.memory_space<vmem>>, vector<2000x1xf32>
    %mul3A = vector.broadcast %get3A_15 : vector<2000x1xf32> to vector<2000x128xf32>
    %mul3A_16 = arith.mulf %add3A_12, %mul3A : vector<2000x128xf32>
    %get3A_17 = arith.constant 0 : index
    %get3A_18 = arith.constant 0 : index
    %get3A_19 = vector.load %arg4[%get3A_17, %get3A_18] : memref<1x128xf32, #tpu.memory_space<vmem>>, vector<1x128xf32>
    %add3A_20 = vector.broadcast %get3A_19 : vector<1x128xf32> to vector<2000x128xf32>
    %add3A_21 = arith.addf %mul3A_16, %add3A_20 : vector<2000x128xf32>
    %max3A = arith.constant 0.000000e+00 : f32
    %max3A_22 = vector.broadcast %max3A : f32 to vector<2000x128xf32>
    %max3A_23 = arith.maximumf %add3A_21, %max3A_22 : vector<2000x128xf32>
    %get3A_24 = arith.constant 0 : index
    %get3A_25 = arith.constant 0 : index
    %get3A_26 = vector.load %arg3[%get3A_24, %get3A_25] : memref<2000x16xf32, #tpu.memory_space<vmem>>, vector<2000x1xf32>
    %mul3A_27 = vector.broadcast %get3A_26 : vector<2000x1xf32> to vector<2000x128xf32>
    %mul3A_28 = arith.mulf %max3A_23, %mul3A_27 : vector<2000x128xf32>
    %swap3A = arith.constant 0 : index
    %swap3A_29 = arith.constant 0 : index
    %swap3A_30 = vector.load %arg5[%swap3A, %swap3A_29] : memref<2000x128xf32, #tpu.memory_space<vmem>>, vector<2000x128xf32>
    tpu.vector_store %arg5[%swap3A, %swap3A_29], %mul3A_28 {strides = array<i32>} : memref<2000x128xf32, #tpu.memory_space<vmem>>, vector<2000x128xf32>,
    return
  }
  func.func @transform_0(%arg0: i32) -> (i32, i32, i32) {
    %c0_i32 = arith.constant 0 : i32
    %c0_i32_0 = arith.constant 0 : i32
    %c0_i32_1 = arith.constant 0 : i32
    return %c0_i32, %arg0, %c0_i32_0 : i32, i32, i32
  }
  func.func @transform_1(%arg0: i32) -> (i32, i32) {
    %c0_i32 = arith.constant 0 : i32
    %c0_i32_0 = arith.constant 0 : i32
    return %arg0, %c0_i32 : i32, i32
  }
  func.func @transform_2(%arg0: i32) -> (i32, i32) {
    %c0_i32 = arith.constant 0 : i32
    %c0_i32_0 = arith.constant 0 : i32
    return %arg0, %c0_i32 : i32, i32
  }
  func.func @transform_3(%arg0: i32) -> (i32, i32) {
    %c0_i32 = arith.constant 0 : i32
    %c0_i32_0 = arith.constant 0 : i32
    %c0_i32_1 = arith.constant 0 : i32
    return %c0_i32, %c0_i32_0 : i32, i32
  }
  func.func @transform_4(%arg0: i32) -> (i32, i32) {
    %c0_i32 = arith.constant 0 : i32
    %c0_i32_0 = arith.constant 0 : i32
    return %arg0, %c0_i32 : i32, i32
  }
}

module attributes {stable_mosaic.version = 14 : i64} {
  func.func @body(%arg0: i32, %arg1: memref<2x2000x128xf32, #tpu.memory_space<vmem>>, %arg2: memref<2000x128xf32, #tpu.memory_space<vmem>>, %arg3: memref<2000x16xf32, #tpu.memory_space<vmem>>, %arg4: memref<1x64xf32, #tpu.memory_space<vmem>>, %arg5: memref<128x64xf32, #tpu.memory_space<vmem>>, %arg6: memref<2000x64xf32, #tpu.memory_space<vmem>>) attributes {dimension_semantics = [#tpu.dimension_semantics<arbitrary>], iteration_bounds = array<i64: 5>, scalar_prefetch = 0 : i64, scratch_operands = 0 : i64, tpu.core_type = #tpu.core_type<tc>, window_params = [{transform_indices = @transform_0, window_bounds = array<i64: 2, 2000, 128>}, {transform_indices = @transform_1, window_bounds = array<i64: 2000, 128>}, {transform_indices = @transform_2, window_bounds = array<i64: 2000, 16>}, {pipeline_mode = #tpu.pipeline_mode<synchronous>, transform_indices = @transform_3, window_bounds = array<i64: 1, 64>}, {pipeline_mode = #tpu.pipeline_mode<synchronous>, transform_indices = @transform_4, window_bounds = array<i64: 128, 64>}, {transform_indices = @transform_5, window_bounds = array<i64: 2000, 64>}]} {
    %get3A = arith.constant 0 : index
    %get3A_0 = arith.constant 0 : index
    %get3A_1 = arith.constant 0 : index
    %get3A_2 = vector.load %arg1[%get3A, %get3A_0, %get3A_1] : memref<2x2000x128xf32, #tpu.memory_space<vmem>>, vector<1x2000x128xf32>
    %get3A_3 = vector.shape_cast %get3A_2 : vector<1x2000x128xf32> to vector<2000x128xf32>
    %get3A_4 = arith.constant 1 : index
    %get3A_5 = arith.constant 0 : index
    %get3A_6 = arith.constant 0 : index
    %get3A_7 = vector.load %arg1[%get3A_4, %get3A_5, %get3A_6] : memref<2x2000x128xf32, #tpu.memory_space<vmem>>, vector<1x2000x128xf32>
    %get3A_8 = vector.shape_cast %get3A_7 : vector<1x2000x128xf32> to vector<2000x128xf32>
    %add3A = arith.addf %get3A_3, %get3A_8 : vector<2000x128xf32>
    %get3A_9 = arith.constant 0 : index
    %get3A_10 = arith.constant 0 : index
    %get3A_11 = vector.load %arg2[%get3A_9, %get3A_10] : memref<2000x128xf32, #tpu.memory_space<vmem>>, vector<2000x128xf32>
    %add3A_12 = arith.addf %add3A, %get3A_11 : vector<2000x128xf32>
    %get3A_13 = arith.constant 0 : index
    %get3A_14 = arith.constant 0 : index
    %get3A_15 = vector.load %arg5[%get3A_13, %get3A_14] : memref<128x64xf32, #tpu.memory_space<vmem>>, vector<128x64xf32>
    %dot_general3A = arith.constant dense<0.000000e+00> : vector<2000x64xf32>
    %dot_general3A_16 = tpu.matmul %add3A_12, %get3A_15, %dot_general3A {dimension_numbers = #tpu.dot_dimension_numbers<[1], [0], [0], [1], [0, 0, 1, 1], [], []>, transpose_lhs_hint = false} : vector<2000x128xf32>, vector<128x64xf32>, vector<2000x64xf32> -> vector<2000x64xf32>
    %get3A_17 = arith.constant 0 : index
    %get3A_18 = arith.constant 0 : index
    %get3A_19 = vector.load %arg3[%get3A_17, %get3A_18] : memref<2000x16xf32, #tpu.memory_space<vmem>>, vector<2000x1xf32>
    %mul3A = vector.broadcast %get3A_19 : vector<2000x1xf32> to vector<2000x64xf32>
    %mul3A_20 = arith.mulf %dot_general3A_16, %mul3A : vector<2000x64xf32>
    %get3A_21 = arith.constant 0 : index
    %get3A_22 = arith.constant 0 : index
    %get3A_23 = vector.load %arg4[%get3A_21, %get3A_22] : memref<1x64xf32, #tpu.memory_space<vmem>>, vector<1x64xf32>
    %add3A_24 = vector.broadcast %get3A_23 : vector<1x64xf32> to vector<2000x64xf32>
    %add3A_25 = arith.addf %mul3A_20, %add3A_24 : vector<2000x64xf32>
    %reduce_max3A = arith.constant dense<0xFF800000> : vector<2000xf32>
    %reduce_max3A_26 = vector.multi_reduction <maximumf>, %add3A_25, %reduce_max3A [1] : vector<2000x64xf32> to vector<2000xf32>
    %broadcast_in_dim3A = vector.shape_cast %reduce_max3A_26 : vector<2000xf32> to vector<2000x1xf32>
    %sub3A = vector.broadcast %broadcast_in_dim3A : vector<2000x1xf32> to vector<2000x64xf32>
    %sub3A_27 = arith.subf %add3A_25, %sub3A : vector<2000x64xf32>
    %exp3A = math.exp %sub3A_27 : vector<2000x64xf32>
    %reduce_sum3A = arith.constant dense<0.000000e+00> : vector<2000xf32>
    %reduce_sum3A_28 = vector.multi_reduction <add>, %exp3A, %reduce_sum3A [1] : vector<2000x64xf32> to vector<2000xf32>
    %broadcast_in_dim3A_29 = vector.shape_cast %reduce_sum3A_28 : vector<2000xf32> to vector<2000x1xf32>
    %log3A = math.log %broadcast_in_dim3A_29 : vector<2000x1xf32>
    %add3A_30 = arith.addf %log3A, %broadcast_in_dim3A : vector<2000x1xf32>
    %sub3A_31 = vector.broadcast %add3A_30 : vector<2000x1xf32> to vector<2000x64xf32>
    %sub3A_32 = arith.subf %add3A_25, %sub3A_31 : vector<2000x64xf32>
    %swap3A = arith.constant 0 : index
    %swap3A_33 = arith.constant 0 : index
    %swap3A_34 = vector.load %arg6[%swap3A, %swap3A_33] : memref<2000x64xf32, #tpu.memory_space<vmem>>, vector<2000x64xf32>
    tpu.vector_store %arg6[%swap3A, %swap3A_33], %sub3A_32 {strides = array<i32>} : memref<2000x64xf32, #tpu.memory_space<vmem>>, vector<2000x64xf32>,
    return
  }
  func.func @transform_0(%arg0: i32) -> (i32, i32, i32) {
    %c0_i32 = arith.constant 0 : i32
    %c0_i32_0 = arith.constant 0 : i32
    %c0_i32_1 = arith.constant 0 : i32
    return %c0_i32, %arg0, %c0_i32_0 : i32, i32, i32
  }
  func.func @transform_1(%arg0: i32) -> (i32, i32) {
    %c0_i32 = arith.constant 0 : i32
    %c0_i32_0 = arith.constant 0 : i32
    return %arg0, %c0_i32 : i32, i32
  }
  func.func @transform_2(%arg0: i32) -> (i32, i32) {
    %c0_i32 = arith.constant 0 : i32
    %c0_i32_0 = arith.constant 0 : i32
    return %arg0, %c0_i32 : i32, i32
  }
  func.func @transform_3(%arg0: i32) -> (i32, i32) {
    %c0_i32 = arith.constant 0 : i32
    %c0_i32_0 = arith.constant 0 : i32
    %c0_i32_1 = arith.constant 0 : i32
    return %c0_i32, %c0_i32_0 : i32, i32
  }
  func.func @transform_4(%arg0: i32) -> (i32, i32) {
    %c0_i32 = arith.constant 0 : i32
    %c0_i32_0 = arith.constant 0 : i32
    %c0_i32_1 = arith.constant 0 : i32
    return %c0_i32, %c0_i32_0 : i32, i32
  }
  func.func @transform_5(%arg0: i32) -> (i32, i32) {
    %c0_i32 = arith.constant 0 : i32
    %c0_i32_0 = arith.constant 0 : i32
    return %arg0, %c0_i32 : i32, i32
  }
}

</mosaic_0001>

<sc_bundles>
// kernel: kernel.10.cloned.1.call-start
scs
__scs_entry_jumppad:
0x0: {  	(pc) =	sbr.rel $0x88, $3  }
0x1: {  	(tag) =	ssettag $0x0;
	lr =	simm.s32 $0x1  }
0x2: {  	[smem:$0x3F99] =	sst lr;
	_ =	strace $0xD0000000  }
0x3: {  	_ = 	snop  }
0x4: {  	_ = 	snop  }
0x5: {  	_ = 	snop  }
0x6: {  	_ = 	snop  }
0x7: {  	_ = 	snop  }
__scs_overlays_trampoline_lowered:
0x8: {  	[smem:$0x3FA8] =	sst s0  }
0x9: {  	[smem:$0x3FA9] =	sst s1  }
0xa: {  	[smem:$0x3FAA] =	sst s2  }
0xb: {  	[smem:$0x3FAB] =	sst s3  }
0xc: {  	[smem:$0x3FAC] =	sst s4  }
0xd: {  	[smem:$0x3FAD] =	sst s5  }
0xe: {  	[smem:$0x3FAE] =	sst s6  }
0xf: {  	[smem:$0x3FAF] =	sst s7  }
0x10: {  	[smem:$0x3FB0] =	sst s8  }
0x11: {  	[smem:$0x3FB1] =	sst s9;
	s0 =	simm.s32 @!p0 $0x0  }
0x12: {  	s1 =	sld [smem:$0x3F97];
	s0 =	simm.s32 @p0 $0x1  }
0x13: {  	[smem:$0x3FB2] =	sst s0;
	s0 =	simm.s32 @!p1 $0x0  }
0x14: {  	s2 =	sld [smem:$0x3F96];
	s0 =	simm.s32 @p1 $0x1  }
0x15: {  	[smem:$0x3FB3] =	sst s0;
	s0 =	simm.s32 @!p2 $0x0  }
0x16: {  	s3 =	sld [smem:$0x3FDB];
	s0 =	simm.s32 @p2 $0x1  }
0x17: {  	s4 =	simm.s32 $0x1BF5;
	[smem:$0x3FB5] =	sst s0  }
0x18: {  	s0 =	sld [smem:$0x3F98];
	_ =	swait.ge [sflag:s4], $0x0  }
0x19: {  	s7 =	sld [smem:$0x3F99]  }
0x1a: {  	s8 =	sadd.s32 $0xFFFFE003, lr  }
0x1b: {  	s9 =	sadd.s32 $0xFFFFFEF7, lr;
	s5 =	simm.s32 $0xFFFFFFFF;
	p2 =	slt.u32 s8, $0xFFFFF086  }
0x1c: {  	p1 =	slt.u32 s9, $0xF7A;
	s5 =	simm.s32 @!p2 $0x0  }
0x1d: {  	s5 =	simm.s32 @p1 $0x1;
	p0 =	seq.s32 s7, s2  }
0x1e: {  	s7 =	smul.u32 @!p0 $0xF7A, s2;
	p2 =	seq.s32 @!p0 s5, $0x0  }
0x1f: {  	s9 =	smul.u32 $0xF7A, s1;
	s8 =	simm.s32 @!p0 $0x1BF5;
	p2 =	por !p2, p0  }
0x20: {  	[sflag:s8] =	ssyncset.s32 @!p0 $0xFFFFF086;
	s6 =	sadd.s32 @!p0 s3, s7;
	s7 =	simm.s32 @!p0 $0x108  }
0x21: {  	s3 =	sadd.s32 s3, s9;
	s6 =	sadd.s32 @!p0 $0x88, s6;
	s7 =	simm.s32 @p2 $0x1082  }
0x22: {  	[simem:s7], [sflag:s8] =	dma.local @!p0 [hbm:s6], $0xF7A  }
0x23: {  	s9 =	sor.u32 $0xD0000000, s2;
	s6 =	simm.s32 $0x108;
	_ =	swait.ge @!p0 [sflag:s8], $0x0  }
0x24: {  	s3 =	sadd.s32 $0x88, s3;
	s6 =	simm.s32 @!p1 $0x1082;
	[sflag:s4] =	ssyncset.s32 $0xFFFFF086  }
0x25: {  	[simem:s6], [sflag:s4] =	dma.local [hbm:s3], $0xF7A  }
0x26: {  	[smem:$0x3F99] =	sst s1;
	(tag) =	ssettag s2;
	_ =	strace s9  }
0x27: {  	s1 =	sld [smem:$0x3FA9]  }
0x28: {  	s2 =	sld [smem:$0x3FAA]  }
0x29: {  	s4 =	sld [smem:$0x3FAC]  }
0x2a: {  	p0 =	seq.s32 s5, $0x0;
	s5 =	sld [smem:$0x3FAD]  }
0x2b: {  	s6 =	sld [smem:$0x3FAE]  }
0x2c: {  	s7 =	sld [smem:$0x3FAF]  }
0x2d: {  	s3 =	simm.s32 $0x108;
	s8 =	sld [smem:$0x3FB0]  }
0x2e: {  	s3 =	simm.s32 @!p0 $0x1082;
	s9 =	sld [smem:$0x3FB1]  }
0x2f: {  	lr =	sadd.s32 s0, s3;
	s0 =	sld [smem:$0x3FA8]  }
0x30: {  	s3 =	sld [smem:$0x3FAB]  }
0x31: {  	[smem:$0x3FB4] =	sst s10  }
0x32: {  	s10 =	sld [smem:$0x3FB2];
	_ =	sdelay $0x3  }
0x33: {  	p0 =	seq.s32 s10, $0x1;
	s10 =	sld [smem:$0x3FB4];
	_ =	sdelay $0x3  }
0x34: {  	[smem:$0x3FB4] =	sst s10  }
0x35: {  	s10 =	sld [smem:$0x3FB3];
	_ =	sdelay $0x3  }
0x36: {  	p1 =	seq.s32 s10, $0x1;
	s10 =	sld [smem:$0x3FB4];
	_ =	sdelay $0x3  }
0x37: {  	[smem:$0x3FB4] =	sst s10  }
0x38: {  	s10 =	sld [smem:$0x3FB5]  }
0x39: {  	_ = 	snop;
	(pc) =	sbr.ind lr, $3  }
0x3a: {  	_ = 	snop  }
0x3b: {  	_ = 	snop  }
0x3c: {  	p2 =	seq.s32 s10, $0x1;
	s10 =	sld [smem:$0x3FB4]  }
0x3d: {  	_ =	shalt  }
0x3e: {  	_ =	shalt  }
0x3f: {  	_ =	shalt  }
0x40: {  	_ =	shalt  }
0x41: {  	_ =	shalt  }
0x42: {  	_ =	shalt  }
0x43: {  	_ =	shalt  }
0x44: {  	_ =	shalt  }
0x45: {  	_ =	shalt  }
0x46: {  	_ =	shalt  }
0x47: {  	_ =	shalt  }
0x48: {  	_ =	shalt  }
0x49: {  	_ =	shalt  }
0x4a: {  	_ =	shalt  }
0x4b: {  	_ =	shalt  }
0x4c: {  	_ =	shalt  }
0x4d: {  	_ =	shalt  }
0x4e: {  	_ =	shalt  }
0x4f: {  	_ =	shalt  }
0x50: {  	_ =	shalt  }
0x51: {  	_ =	shalt  }
0x52: {  	_ =	shalt  }
0x53: {  	_ =	shalt  }
0x54: {  	_ =	shalt  }
0x55: {  	_ =	shalt  }
0x56: {  	_ =	shalt  }
0x57: {  	_ =	shalt  }
0x58: {  	_ =	shalt  }
0x59: {  	_ =	shalt  }
0x5a: {  	_ =	shalt  }
0x5b: {  	_ =	shalt  }
0x5c: {  	_ =	shalt  }
0x5d: {  	_ =	shalt  }
0x5e: {  	_ =	shalt  }
0x5f: {  	_ =	shalt  }
0x60: {  	_ =	shalt  }
0x61: {  	_ =	shalt  }
0x62: {  	_ =	shalt  }
0x63: {  	_ =	shalt  }
0x64: {  	_ =	shalt  }
0x65: {  	_ =	shalt  }
0x66: {  	_ =	shalt  }
0x67: {  	_ =	shalt  }
0x68: {  	_ =	shalt  }
0x69: {  	_ =	shalt  }
0x6a: {  	_ =	shalt  }
0x6b: {  	_ =	shalt  }
0x6c: {  	_ =	shalt  }
0x6d: {  	_ =	shalt  }
0x6e: {  	_ =	shalt  }
0x6f: {  	_ =	shalt  }
0x70: {  	_ =	shalt  }
0x71: {  	_ =	shalt  }
0x72: {  	_ =	shalt  }
0x73: {  	_ =	shalt  }
0x74: {  	_ =	shalt  }
0x75: {  	_ =	shalt  }
0x76: {  	_ =	shalt  }
0x77: {  	_ =	shalt  }
0x78: {  	_ =	shalt  }
0x79: {  	_ =	shalt  }
0x7a: {  	_ =	shalt  }
0x7b: {  	_ =	shalt  }
0x7c: {  	_ =	shalt  }
0x7d: {  	_ =	shalt  }
0x7e: {  	_ =	shalt  }
0x7f: {  	_ =	shalt  }
0x80: {  	_ =	shalt  }
0x81: {  	_ =	shalt  }
0x82: {  	_ =	shalt  }
0x83: {  	_ =	shalt  }
0x84: {  	_ =	shalt  }
0x85: {  	_ =	shalt  }
0x86: {  	_ =	shalt  }
0x87: {  	_ =	shalt  }
.Lfunc_end0:
.L_simem_size_0:
called_computation_lowered:
.L_overlay_start_0:
0x88: {  	s2 =	sld [smem:$0x3FD9]  }
0x89: {  	s3 =	sld [smem:$0x3FFE];
	_ =	sdelay $0x1  }
0x8a: {  	s1 =	srdreg.scid  }
0x8b: {  	s0 =	sand.u32 $0x1, s1  }
0x8c: {  	s17 =	sshll.u32 s0, $0xA;
	s2 =	sadd.s32 s3, s2  }
0x8d: {  	s2 =	sadd.s32 s2, s17  }
0x8e: {  	[smem:$0x3FC0] =	sst s2  }
0x8f: {  	_ = 	snop  }
0x90: {  	s2 =	sld [smem:$0x3FD0];
	(tm) =	ssettm $0x1  }
0x91: {  	s18 =	sld [smem:$0x3FFB];
	_ =	sdelay $0x3  }
0x92: {  	_ =	strace s18  }
0x93: {  	s3 =	sld [smem:$0x3FFC];
	_ =	sdelay $0x3  }
0x94: {  	_ =	strace s3  }
0x95: {  	s3 =	sld [smem:$0x3FFD];
	_ =	sdelay $0x3  }
0x96: {  	_ =	strace s3  }
0x97: {  	_ =	strace $0x8FFFFFFF  }
0x98: {  	s19 =	sld [smem:$0x3FDB];
	_ =	sdelay $0x1  }
0x99: {  	s4 =	simm.s32 $_scs_section_size  }
0x9a: {  	s5 =	simm.s32 $_size__tile_overlayer_lowered;
	s6 =	simm.s32 $_tile_overlayer_lowered  }
0x9b: {  	s22 =	simm.s32 $0x1BFF;
	s21 =	sshll.u32 s6, $0x1;
	s3 =	sadd.s32 s4, s19  }
0x9c: {  	s7 =	simm.s32 $0x0;
	s20 =	sshll.u32 s5, $0x1;
	s5 =	sadd.s32 s21, s3  }
0x9d: {  	[timem:s7], [sflag:s22] =	dma.local [hbm:s5], s20  }
0x9e: {  	_ =	swait.ge [sflag:s22], s20  }
0x9f: {  	s4 =	ssub.s32 $0x0, s20;
	[sflag:s22] =	ssyncset.done $0x0  }
0xa0: {  	[sflag:s22] =	ssyncadd.s32 s4;
	_ =	sdelay $0x1  }
0xa1: {  	s23 =	simm.s32 $0x1B8B  }
0xa2: {  	_ =	swait.ge [sflag:s23], $0x1  }
0xa3: {  	[sflag:s23] =	ssyncset.done $0x0  }
0xa4: {  	s25 =	simm.s32 $0x1B8E;
	s24 =	sld [smem:$0x3FFE];
	[sflag:s23] =	ssyncadd.s32 $0xFFFFFFFF  }
0xa5: {  	s26 =	simm.s32 $execute0_lowered;
	[smem:$0x3FD2] =	sst s25  }
0xa6: {  	s5 =	sshll.u32 s26, $0x1;
	_ =	strace $0x80000046;
	[dreg:$0x1] =	wrdreg $0xFFFFFFFF  }
0xa7: {  	s28 =	simm.s32 $_size_execute0_lowered;
	s3 =	sadd.s32 s3, s5;
	[dreg:$0x0] =	wrdreg $0x0  }
0xa8: {  	s5 =	sshll.u32 s28, $0x1;
	[dreg:$0x2] =	wrdreg s3  }
0xa9: {  	[dreg:$0x3] =	wrdreg s5  }
0xaa: {  	[dreg:$0x4] =	wrdreg $0xC0  }
0xab: {  	_ =	task [dreg:s7], $0x5FFFF  }
0xac: {  	[dreg:$0x1] =	wrdreg $0xFFFFFFFF  }
0xad: {  	[dreg:$0x0] =	wrdreg $0x60  }
0xae: {  	[dreg:$0x2] =	wrdreg s2  }
0xaf: {  	[dreg:$0x3] =	wrdreg s24  }
0xb0: {  	[dreg:$0x4] =	wrdreg $0x68000  }
0xb1: {  	[dreg:$0x5] =	wrdreg $0x9  }
0xb2: {  	_ =	task.clear_ibuf [dreg:s7], $0x6FFFF;
	_ =	strace $0x90000046  }
0xb3: {  	s29 =	simm.s32 $0x9;
	_ =	strace $0x80000048  }
0xb4: {  	_ =	swait.ge [sflag:s29], $0x1  }
0xb5: {  	[sflag:s29] =	ssyncadd.s32 $0xFFFFFFFF  }
0xb6: {  	_ =	strace $0x90000048  }
0xb7: {  	_ =	sfence  }
0xb8: {  	s30 =	sld [smem:$0x0];
	_ =	sdelay $0x2  }
0xb9: {  	s31 =	sshll.u32 s1, $0xD;
	s1 =	sshrl.u32 s1, $0x2  }
0xba: {  	s3 =	sand.u32 $0x4000, s31;
	s1 =	sadd.s32 s1, s30  }
0xbb: {  	s0 =	sor.u32 s3, s0;
	s1 =	sshll.u32 s1, $0x11  }
0xbc: {  	s0 =	sor.u32 s1, s0  }
0xbd: {  	s0 =	sadd.s32 $0x8F2B, s0  }
0xbe: {  	[sflag:s0] =	ssyncadd.remote.s32 $0x1  }
0xbf: {  	_ =	sfence.sel $0xFFFF  }
0xc0: {  	[dreg:$0x0] =	wrdreg $0xFFFFFFFF;
	(pc) =	sbr.abs _section_cstart, $3  }
0xc1: {  	[dreg:$0x1] =	wrdreg $0xFFFFFFFF  }
0xc2: {  	_ =	task.clear_ibuf [dreg:s7], $0x2FFFF;
	_ =	strace $0x9FFFFFFF  }
0xc3: {  	(tm) =	ssettm $0x7FFFFFFF  }
tec
execute0_lowered:
.L_overlay_start_1:
0x0: {  	(tag) =	ssettag $0x1  }
0x1: {  	s9 =	rddreg [dreg:$0x0]  }
0x2: {  	s4 =	rddreg [dreg:$0x1]  }
0x3: {  	s1 =	rddreg [dreg:$0x2]  }
0x4: {  	s0 =	rddreg [dreg:$0x3];
	s3 =	simm.s32 $0x0;
	s5 =	srdreg.scid  }
0x5: {  	s2 =	stileid.u32;
	s19 =	simm.s32 $0x0;
	[smem:$0x7FF] =	sst s3  }
0x6: {  	s5 =	sand.u32 $0x1, s5;
	s7 =	smul.u32 $0x50000, s2;
	s14 =	sadd.s32 $0x3000, s4  }
0x7: {  	s8 =	smul.u32 $0x14000, s2;
	s30 =	sshll.u32 s2, $0x1;
	_ =	strace $0x80000047  }
0x8: {  	s6 =	ssub.s32 $0x2, s5;
	s10 =	sor.u32 s5, s30;
	s16 =	smul.u32 $0x140000, s5  }
0x9: {  	s29 =	sshrl.u32 s6, $0x1;
	s31 =	sshrl.u32 s7, $0x2;
	s11 =	sadd.s32 $0x4000, s8  }
0xa: {  	s12 =	sadd.s32 $0x8000, s8;
	s13 =	sadd.s32 $0xC000, s8;
	s17 =	sadd.s32 $0x10000, s8  }
0xb: {  	s10 =	smul.u32 $0x500, s10;
	s15 =	ssub.s32 s6, s29;
	s4 =	sadd.s32 s31, s1  }
0xc: {  	s5 =	sadd.s32 s11, s1;
	s6 =	sadd.s32 s12, s1;
	s7 =	sadd.s32 s13, s1  }
0xd: {  	s18 =	sadd.s32 s8, s16;
	s8 =	sadd.s32 s17, s1;
	s11 =	sadd.s32 s16, s11  }
0xe: {  	s12 =	sadd.s32 s16, s12;
	s13 =	sadd.s32 s16, s13;
	s16 =	sadd.s32 s16, s17  }
0xf: {  	s17 =	simm.s32 $0x1;
	s18 =	sshrl.u32 s18, $0x3;
	s9 =	sadd.s32 s9, s10  }
0x10: {  	s11 =	sshrl.u32 s11, $0x3;
	s12 =	sshrl.u32 s12, $0x3;
	s13 =	sshrl.u32 s13, $0x3  }
0x11: {  	s16 =	sshrl.u32 s16, $0x3;
	s15 =	smax.u32 s15, $0x1;
	s10 =	sadd.s32 s14, s18  }
0x12: {  	s11 =	sadd.s32 s14, s11;
	s12 =	sadd.s32 s14, s12;
	s13 =	sadd.s32 s14, s13  }
0x13: {  	v0 =	vimm.f32 $0.0e+00;
	v1 =	vimm.f32 $1.000000000e+00;
	s14 =	sadd.s32 s14, s16;
	s16 =	simm.s32 $0x2800;
	s18 =	simm.s32 $0x80  }
.LBB2_1:
0x14: {  	s20 =	simm.s32 $0x0;
	s21 =	simm.s32 $0x200  }
.LBB2_2:
0x15: {  	p0 =	sne.s32 s21, $0xFE00;
	[tilespmem:s20+$0x2870] =	vst v0  }
0x16: {  	[tilespmem:s20+$0x2800] =	vst v0  }
0x17: {  	[tilespmem:s20+$0x2810] =	vst v0  }
.Ltmp0:
0x18: {  	[tilespmem:s20+$0x2820] =	vst v0;
	(pc) =	sbr.rel @p0 .LBB2_2-.Ltmp0, $4  }
0x19: {  	[tilespmem:s20+$0x2830] =	vst v0  }
0x1a: {  	[tilespmem:s20+$0x2840] =	vst v0  }
0x1b: {  	[tilespmem:s20+$0x2850] =	vst v0  }
0x1c: {  	[tilespmem:s20+$0x2860] =	vst v0;
	s20 =	sshra.s32 s21, $0x2;
	s21 =	sadd.s32 $0x200, s21  }
0x1d: {  	[tilespmem:s20+$0x2870] =	vst v0  }
0x1e: {  	[tilespmem:s20+$0x2800] =	vst v0  }
0x1f: {  	[tilespmem:s20+$0x2810] =	vst v0  }
0x20: {  	[tilespmem:s20+$0x2820] =	vst v0  }
0x21: {  	[tilespmem:s20+$0x2830] =	vst v0  }
0x22: {  	[tilespmem:s20+$0x2840] =	vst v0  }
0x23: {  	[tilespmem:s20+$0x2850] =	vst v0  }
0x24: {  	[tilespmem:s20+$0x2860] =	vst v0  }
0x25: {  	[spmem:s4] =	stream.linear.scatter [tilespmem:s16], [sflag:$0x1], $0x4000, $0x38;
	[tilespmem:$0x1A800] =	vst v63  }
0x26: {  	_ =	swait.ge [sflag:s17], $0x4000  }
0x27: {  	[sflag:s17] =	ssyncset.done $0x0  }
0x28: {  	[sflag:s17] =	ssyncadd.s32 $0xFFFFC000  }
0x29: {  	[spmem:s5] =	stream.linear.scatter [tilespmem:s16], [sflag:$0x1], $0x4000, $0x38;
	[tilespmem:$0x1A800] =	vst v63  }
0x2a: {  	_ =	swait.ge [sflag:s17], $0x4000  }
0x2b: {  	[sflag:s17] =	ssyncset.done $0x0  }
0x2c: {  	[sflag:s17] =	ssyncadd.s32 $0xFFFFC000  }
0x2d: {  	[spmem:s6] =	stream.linear.scatter [tilespmem:s16], [sflag:$0x1], $0x4000, $0x38;
	[tilespmem:$0x1A800] =	vst v63  }
0x2e: {  	_ =	swait.ge [sflag:s17], $0x4000  }
0x2f: {  	[sflag:s17] =	ssyncset.done $0x0  }
0x30: {  	[sflag:s17] =	ssyncadd.s32 $0xFFFFC000  }
0x31: {  	[spmem:s7] =	stream.linear.scatter [tilespmem:s16], [sflag:$0x1], $0x4000, $0x38;
	[tilespmem:$0x1A800] =	vst v63  }
0x32: {  	_ =	swait.ge [sflag:s17], $0x4000  }
0x33: {  	[sflag:s17] =	ssyncset.done $0x0  }
0x34: {  	[sflag:s17] =	ssyncadd.s32 $0xFFFFC000  }
0x35: {  	[spmem:s8] =	stream.linear.scatter [tilespmem:s16], [sflag:$0x1], $0x4000, $0x38;
	[tilespmem:$0x1A800] =	vst v63  }
0x36: {  	_ =	swait.ge [sflag:s17], $0x4000  }
0x37: {  	[sflag:s17] =	ssyncset.done $0x0  }
0x38: {  	s20 =	simm.s32 $0x0;
	s21 =	simm.s32 $0x200;
	[sflag:s17] =	ssyncadd.s32 $0xFFFFC000  }
.LBB2_4:
0x39: {  	p0 =	sne.s32 s21, $0xFE00;
	[tilespmem:s20+$0x2870] =	vst v1  }
0x3a: {  	[tilespmem:s20+$0x2800] =	vst v1  }
0x3b: {  	[tilespmem:s20+$0x2810] =	vst v1  }
.Ltmp1:
0x3c: {  	[tilespmem:s20+$0x2820] =	vst v1;
	(pc) =	sbr.rel @p0 .LBB2_4-.Ltmp1, $4  }
0x3d: {  	[tilespmem:s20+$0x2830] =	vst v1  }
0x3e: {  	[tilespmem:s20+$0x2840] =	vst v1  }
0x3f: {  	[tilespmem:s20+$0x2850] =	vst v1  }
0x40: {  	[tilespmem:s20+$0x2860] =	vst v1;
	s20 =	sshra.s32 s21, $0x2;
	s21 =	sadd.s32 $0x200, s21  }
0x41: {  	[tilespmem:s20+$0x2870] =	vst v1  }
0x42: {  	[tilespmem:s20+$0x2800] =	vst v1  }
0x43: {  	[tilespmem:s20+$0x2810] =	vst v1  }
0x44: {  	[tilespmem:s20+$0x2820] =	vst v1  }
0x45: {  	[tilespmem:s20+$0x2830] =	vst v1  }
0x46: {  	[tilespmem:s20+$0x2840] =	vst v1  }
0x47: {  	[tilespmem:s20+$0x2850] =	vst v1  }
0x48: {  	[tilespmem:s20+$0x2860] =	vst v1;
	s30 =	simm.s32 $0x0  }
0x49: {  	[tilespmem:s30], [sflag:$0x1] =	stream.linear.gather [hbm4b:s9+s30], $0x2780, $0x38;
	[tilespmem:$0x1A800] =	vst v63  }
0x4a: {  	_ =	swait.ge [sflag:s17], $0x2780  }
0x4b: {  	[sflag:s17] =	ssyncset.done $0x0  }
0x4c: {  	[sflag:s17] =	ssyncadd.s32 $0xFFFFD880  }
0x4d: {  	s31 =	simm.s32 $0x0;
	[bflag:$0x0] =	sbarrier.arrive $0xFFFF  }
0x4e: {  	[spmem:s1] =	stream.indirect.scatter.add.f32 [tilespmem:s16], [sflag:$0x1], $0x80, s31, s18, $0xb8;
	[tilespmem:$0x1A800] =	vst v63  }
0x4f: {  	_ =	swait.ge [sflag:s17], $0x4000  }
0x50: {  	s20 =	simm.s32 $0x200;
	[sflag:s17] =	ssyncset.done $0x0  }
.LBB2_6:
0x51: {  	s21 =	sshra.s32 s20, $0x2;
	[sflag:s17] =	ssyncadd.s32 $0xFFFFC000;
	p0 =	sne.s32 s20, $0x9C00  }
0x52: {  	[spmem:s1] =	stream.indirect.scatter.add.f32 [tilespmem:s16], [sflag:$0x1], $0x80, s21, s18, $0xb8;
	[tilespmem:$0x1A800] =	vst v63  }
.Ltmp2:
0x53: {  	_ = 	snop;
	(pc) =	sbr.rel @p0 .LBB2_6-.Ltmp2, $4  }
0x54: {  	_ = 	snop  }
0x55: {  	s20 =	sadd.s32 $0x200, s20  }
0x56: {  	_ =	swait.ge [sflag:s17], $0x4000  }
0x57: {  	[sflag:s17] =	ssyncset.done $0x0  }
0x58: {  	[sflag:s17] =	ssyncadd.s32 $0xFFFFC000  }
0x59: {  	[bflag:$0x0] =	sbarrier.arrive $0xFFFF  }
0x5a: {  	[tilespmem:s16], [sflag:$0x1] =	stream.linear.gather [spmem:s4], $0x4000, $0x38;
	[tilespmem:$0x1A800] =	vst v63  }
0x5b: {  	_ =	swait.ge [sflag:s17], $0x4000  }
0x5c: {  	[sflag:s17] =	ssyncset.done $0x0  }
0x5d: {  	[sflag:s17] =	ssyncadd.s32 $0xFFFFC000  }
0x5e: {  	[hbm4b:s10+s3] =	stream.linear.scatter [tilespmem:s16], [sflag:$0x1], $0x4000, $0x38;
	[tilespmem:$0x1A800] =	vst v63  }
0x5f: {  	_ =	swait.ge [sflag:s17], $0x4000  }
0x60: {  	[sflag:s17] =	ssyncset.done $0x0  }
0x61: {  	[sflag:s17] =	ssyncadd.s32 $0xFFFFC000  }
0x62: {  	[tilespmem:s16], [sflag:$0x1] =	stream.linear.gather [spmem:s5], $0x4000, $0x38;
	[tilespmem:$0x1A800] =	vst v63  }
0x63: {  	_ =	swait.ge [sflag:s17], $0x4000  }
0x64: {  	[sflag:s17] =	ssyncset.done $0x0  }
0x65: {  	[sflag:s17] =	ssyncadd.s32 $0xFFFFC000  }
0x66: {  	[hbm4b:s11+s3] =	stream.linear.scatter [tilespmem:s16], [sflag:$0x1], $0x4000, $0x38;
	[tilespmem:$0x1A800] =	vst v63  }
0x67: {  	_ =	swait.ge [sflag:s17], $0x4000  }
0x68: {  	[sflag:s17] =	ssyncset.done $0x0  }
0x69: {  	[sflag:s17] =	ssyncadd.s32 $0xFFFFC000  }
0x6a: {  	[tilespmem:s16], [sflag:$0x1] =	stream.linear.gather [spmem:s6], $0x4000, $0x38;
	[tilespmem:$0x1A800] =	vst v63  }
0x6b: {  	_ =	swait.ge [sflag:s17], $0x4000  }
0x6c: {  	[sflag:s17] =	ssyncset.done $0x0  }
0x6d: {  	[sflag:s17] =	ssyncadd.s32 $0xFFFFC000  }
0x6e: {  	[hbm4b:s12+s3] =	stream.linear.scatter [tilespmem:s16], [sflag:$0x1], $0x4000, $0x38;
	[tilespmem:$0x1A800] =	vst v63  }
0x6f: {  	_ =	swait.ge [sflag:s17], $0x4000  }
0x70: {  	[sflag:s17] =	ssyncset.done $0x0  }
0x71: {  	[sflag:s17] =	ssyncadd.s32 $0xFFFFC000  }
0x72: {  	[tilespmem:s16], [sflag:$0x1] =	stream.linear.gather [spmem:s7], $0x4000, $0x38;
	[tilespmem:$0x1A800] =	vst v63  }
0x73: {  	_ =	swait.ge [sflag:s17], $0x4000  }
0x74: {  	[sflag:s17] =	ssyncset.done $0x0  }
0x75: {  	[sflag:s17] =	ssyncadd.s32 $0xFFFFC000  }
0x76: {  	[hbm4b:s13+s3] =	stream.linear.scatter [tilespmem:s16], [sflag:$0x1], $0x4000, $0x38;
	[tilespmem:$0x1A800] =	vst v63  }
0x77: {  	_ =	swait.ge [sflag:s17], $0x4000  }
0x78: {  	[sflag:s17] =	ssyncset.done $0x0  }
0x79: {  	[sflag:s17] =	ssyncadd.s32 $0xFFFFC000  }
0x7a: {  	[tilespmem:s16], [sflag:$0x1] =	stream.linear.gather [spmem:s8], $0x4000, $0x38;
	[tilespmem:$0x1A800] =	vst v63  }
0x7b: {  	s19 =	sadd.s32 $0x1, s19;
	_ =	swait.ge [sflag:s17], $0x4000  }
0x7c: {  	p0 =	sne.s32 s19, s15;
	[sflag:s17] =	ssyncset.done $0x0  }
.Ltmp3:
0x7d: {  	[sflag:s17] =	ssyncadd.s32 $0xFFFFC000;
	(pc) =	sbr.rel @p0 .LBB2_1-.Ltmp3, $4  }
0x7e: {  	[hbm4b:s14+s3] =	stream.linear.scatter [tilespmem:s16], [sflag:$0x1], $0x4000, $0x38;
	[tilespmem:$0x1A800] =	vst v63  }
0x7f: {  	_ =	swait.ge [sflag:s17], $0x4000  }
0x80: {  	[sflag:s17] =	ssyncset.done $0x0  }
0x81: {  	[sflag:s17] =	ssyncadd.s32 $0xFFFFC000  }
0x82: {  	_ =	sfence.sel $0x180000  }
0x83: {  	[bflag:$0x0] =	sbarrier.arrive $0xFFFF  }
0x84: {  	p0 =	sne.s32 s2, $0x0;
	_ =	strace $0x90000047  }
0x85: {  	s0 =	sadd.s32 @!p0 $0x100000, s0;
	[bflag:$0x2] =	sbarrier.arrive $0xFFFF  }
0x86: {  	[sflag:s0] =	ssyncadd.tile.s32 @!p0 $0x1;
	_ =	shalt  }
.Lfunc_end2:
_tile_overlayer_lowered:
.L_overlay_start_2:
0x87: {  	(tag) =	ssettag $0x2  }
0x88: {  	s0 =	rddreg [dreg:$0x0];
	s2 =	stileid.u32  }
0x89: {  	s1 =	rddreg [dreg:$0x1];
	p0 =	sne.s32 s2, $0x0  }
0x8a: {  	s3 =	rddreg [dreg:$0x2];
	[bflag:$0x3] =	sbarrier.arrive $0xFFFF;
	s2 =	simm.s32 @!p0 $0x1C01  }
0x8b: {  	[timem:s3], [sflag:s2] =	dma.local @!p0 [hbm:s0], s1  }
0x8c: {  	s0 =	simm.s32 @!p0 $0x1  }
0x8d: {  	_ =	swait.ge @!p0 [sflag:s0], s1  }
0x8e: {  	s1 =	ssub.s32 @!p0 $0x0, s1;
	[sflag:s0] =	ssyncset.done @!p0 $0x0  }
0x8f: {  	[sflag:s0] =	ssyncadd.s32 @!p0 s1  }
0x90: {  	[bflag:$0x3] =	sbarrier.arrive $0xFFFF  }
0x91: {  	_ =	shalt  }

// kernel: kernel.13.cloned.1.call-start
scs
__scs_entry_jumppad:
0x0: {  	(pc) =	sbr.rel $0x88, $3  }
0x1: {  	(tag) =	ssettag $0x0;
	lr =	simm.s32 $0x1  }
0x2: {  	[smem:$0x3F99] =	sst lr;
	_ =	strace $0xD0000000  }
0x3: {  	_ = 	snop  }
0x4: {  	_ = 	snop  }
0x5: {  	_ = 	snop  }
0x6: {  	_ = 	snop  }
0x7: {  	_ = 	snop  }
__scs_overlays_trampoline_lowered:
0x8: {  	[smem:$0x3FA8] =	sst s0  }
0x9: {  	[smem:$0x3FA9] =	sst s1  }
0xa: {  	[smem:$0x3FAA] =	sst s2  }
0xb: {  	[smem:$0x3FAB] =	sst s3  }
0xc: {  	[smem:$0x3FAC] =	sst s4  }
0xd: {  	[smem:$0x3FAD] =	sst s5  }
0xe: {  	[smem:$0x3FAE] =	sst s6  }
0xf: {  	[smem:$0x3FAF] =	sst s7  }
0x10: {  	[smem:$0x3FB0] =	sst s8  }
0x11: {  	[smem:$0x3FB1] =	sst s9;
	s0 =	simm.s32 @!p0 $0x0  }
0x12: {  	s1 =	sld [smem:$0x3F97];
	s0 =	simm.s32 @p0 $0x1  }
0x13: {  	[smem:$0x3FB2] =	sst s0;
	s0 =	simm.s32 @!p1 $0x0  }
0x14: {  	s2 =	sld [smem:$0x3F96];
	s0 =	simm.s32 @p1 $0x1  }
0x15: {  	[smem:$0x3FB3] =	sst s0;
	s0 =	simm.s32 @!p2 $0x0  }
0x16: {  	s3 =	sld [smem:$0x3FDB];
	s0 =	simm.s32 @p2 $0x1  }
0x17: {  	s4 =	simm.s32 $0x1BF5;
	[smem:$0x3FB5] =	sst s0  }
0x18: {  	s0 =	sld [smem:$0x3F98];
	_ =	swait.ge [sflag:s4], $0x0  }
0x19: {  	s7 =	sld [smem:$0x3F99]  }
0x1a: {  	s8 =	sadd.s32 $0xFFFFE003, lr  }
0x1b: {  	s9 =	sadd.s32 $0xFFFFFEF7, lr;
	s5 =	simm.s32 $0xFFFFFFFF;
	p2 =	slt.u32 s8, $0xFFFFF086  }
0x1c: {  	p1 =	slt.u32 s9, $0xF7A;
	s5 =	simm.s32 @!p2 $0x0  }
0x1d: {  	s5 =	simm.s32 @p1 $0x1;
	p0 =	seq.s32 s7, s2  }
0x1e: {  	s7 =	smul.u32 @!p0 $0xF7A, s2;
	p2 =	seq.s32 @!p0 s5, $0x0  }
0x1f: {  	s9 =	smul.u32 $0xF7A, s1;
	s8 =	simm.s32 @!p0 $0x1BF5;
	p2 =	por !p2, p0  }
0x20: {  	[sflag:s8] =	ssyncset.s32 @!p0 $0xFFFFF086;
	s6 =	sadd.s32 @!p0 s3, s7;
	s7 =	simm.s32 @!p0 $0x108  }
0x21: {  	s3 =	sadd.s32 s3, s9;
	s6 =	sadd.s32 @!p0 $0x88, s6;
	s7 =	simm.s32 @p2 $0x1082  }
0x22: {  	[simem:s7], [sflag:s8] =	dma.local @!p0 [hbm:s6], $0xF7A  }
0x23: {  	s9 =	sor.u32 $0xD0000000, s2;
	s6 =	simm.s32 $0x108;
	_ =	swait.ge @!p0 [sflag:s8], $0x0  }
0x24: {  	s3 =	sadd.s32 $0x88, s3;
	s6 =	simm.s32 @!p1 $0x1082;
	[sflag:s4] =	ssyncset.s32 $0xFFFFF086  }
0x25: {  	[simem:s6], [sflag:s4] =	dma.local [hbm:s3], $0xF7A  }
0x26: {  	[smem:$0x3F99] =	sst s1;
	(tag) =	ssettag s2;
	_ =	strace s9  }
0x27: {  	s1 =	sld [smem:$0x3FA9]  }
0x28: {  	s2 =	sld [smem:$0x3FAA]  }
0x29: {  	s4 =	sld [smem:$0x3FAC]  }
0x2a: {  	p0 =	seq.s32 s5, $0x0;
	s5 =	sld [smem:$0x3FAD]  }
0x2b: {  	s6 =	sld [smem:$0x3FAE]  }
0x2c: {  	s7 =	sld [smem:$0x3FAF]  }
0x2d: {  	s3 =	simm.s32 $0x108;
	s8 =	sld [smem:$0x3FB0]  }
0x2e: {  	s3 =	simm.s32 @!p0 $0x1082;
	s9 =	sld [smem:$0x3FB1]  }
0x2f: {  	lr =	sadd.s32 s0, s3;
	s0 =	sld [smem:$0x3FA8]  }
0x30: {  	s3 =	sld [smem:$0x3FAB]  }
0x31: {  	[smem:$0x3FB4] =	sst s10  }
0x32: {  	s10 =	sld [smem:$0x3FB2];
	_ =	sdelay $0x3  }
0x33: {  	p0 =	seq.s32 s10, $0x1;
	s10 =	sld [smem:$0x3FB4];
	_ =	sdelay $0x3  }
0x34: {  	[smem:$0x3FB4] =	sst s10  }
0x35: {  	s10 =	sld [smem:$0x3FB3];
	_ =	sdelay $0x3  }
0x36: {  	p1 =	seq.s32 s10, $0x1;
	s10 =	sld [smem:$0x3FB4];
	_ =	sdelay $0x3  }
0x37: {  	[smem:$0x3FB4] =	sst s10  }
0x38: {  	s10 =	sld [smem:$0x3FB5]  }
0x39: {  	_ = 	snop;
	(pc) =	sbr.ind lr, $3  }
0x3a: {  	_ = 	snop  }
0x3b: {  	_ = 	snop  }
0x3c: {  	p2 =	seq.s32 s10, $0x1;
	s10 =	sld [smem:$0x3FB4]  }
0x3d: {  	_ =	shalt  }
0x3e: {  	_ =	shalt  }
0x3f: {  	_ =	shalt  }
0x40: {  	_ =	shalt  }
0x41: {  	_ =	shalt  }
0x42: {  	_ =	shalt  }
0x43: {  	_ =	shalt  }
0x44: {  	_ =	shalt  }
0x45: {  	_ =	shalt  }
0x46: {  	_ =	shalt  }
0x47: {  	_ =	shalt  }
0x48: {  	_ =	shalt  }
0x49: {  	_ =	shalt  }
0x4a: {  	_ =	shalt  }
0x4b: {  	_ =	shalt  }
0x4c: {  	_ =	shalt  }
0x4d: {  	_ =	shalt  }
0x4e: {  	_ =	shalt  }
0x4f: {  	_ =	shalt  }
0x50: {  	_ =	shalt  }
0x51: {  	_ =	shalt  }
0x52: {  	_ =	shalt  }
0x53: {  	_ =	shalt  }
0x54: {  	_ =	shalt  }
0x55: {  	_ =	shalt  }
0x56: {  	_ =	shalt  }
0x57: {  	_ =	shalt  }
0x58: {  	_ =	shalt  }
0x59: {  	_ =	shalt  }
0x5a: {  	_ =	shalt  }
0x5b: {  	_ =	shalt  }
0x5c: {  	_ =	shalt  }
0x5d: {  	_ =	shalt  }
0x5e: {  	_ =	shalt  }
0x5f: {  	_ =	shalt  }
0x60: {  	_ =	shalt  }
0x61: {  	_ =	shalt  }
0x62: {  	_ =	shalt  }
0x63: {  	_ =	shalt  }
0x64: {  	_ =	shalt  }
0x65: {  	_ =	shalt  }
0x66: {  	_ =	shalt  }
0x67: {  	_ =	shalt  }
0x68: {  	_ =	shalt  }
0x69: {  	_ =	shalt  }
0x6a: {  	_ =	shalt  }
0x6b: {  	_ =	shalt  }
0x6c: {  	_ =	shalt  }
0x6d: {  	_ =	shalt  }
0x6e: {  	_ =	shalt  }
0x6f: {  	_ =	shalt  }
0x70: {  	_ =	shalt  }
0x71: {  	_ =	shalt  }
0x72: {  	_ =	shalt  }
0x73: {  	_ =	shalt  }
0x74: {  	_ =	shalt  }
0x75: {  	_ =	shalt  }
0x76: {  	_ =	shalt  }
0x77: {  	_ =	shalt  }
0x78: {  	_ =	shalt  }
0x79: {  	_ =	shalt  }
0x7a: {  	_ =	shalt  }
0x7b: {  	_ =	shalt  }
0x7c: {  	_ =	shalt  }
0x7d: {  	_ =	shalt  }
0x7e: {  	_ =	shalt  }
0x7f: {  	_ =	shalt  }
0x80: {  	_ =	shalt  }
0x81: {  	_ =	shalt  }
0x82: {  	_ =	shalt  }
0x83: {  	_ =	shalt  }
0x84: {  	_ =	shalt  }
0x85: {  	_ =	shalt  }
0x86: {  	_ =	shalt  }
0x87: {  	_ =	shalt  }
.Lfunc_end0:
.L_simem_size_0:
called_computation.1_lowered:
.L_overlay_start_0:
0x88: {  	s2 =	sld [smem:$0x3FD9]  }
0x89: {  	s3 =	sld [smem:$0x3FFE];
	_ =	sdelay $0x1  }
0x8a: {  	s1 =	srdreg.scid  }
0x8b: {  	s0 =	sand.u32 $0x1, s1  }
0x8c: {  	s17 =	sshll.u32 s0, $0xA;
	s2 =	sadd.s32 s3, s2  }
0x8d: {  	s2 =	sadd.s32 s2, s17  }
0x8e: {  	[smem:$0x3FC0] =	sst s2  }
0x8f: {  	_ = 	snop  }
0x90: {  	s2 =	sld [smem:$0x3FD0];
	(tm) =	ssettm $0x1  }
0x91: {  	s18 =	sld [smem:$0x3FFB];
	_ =	sdelay $0x3  }
0x92: {  	_ =	strace s18  }
0x93: {  	s3 =	sld [smem:$0x3FFC];
	_ =	sdelay $0x3  }
0x94: {  	_ =	strace s3  }
0x95: {  	s3 =	sld [smem:$0x3FFD];
	_ =	sdelay $0x3  }
0x96: {  	_ =	strace s3  }
0x97: {  	_ =	strace $0x8FFFFFFF  }
0x98: {  	s19 =	sld [smem:$0x3FDB];
	_ =	sdelay $0x1  }
0x99: {  	s4 =	simm.s32 $_scs_section_size  }
0x9a: {  	s5 =	simm.s32 $_size__tile_overlayer_lowered;
	s6 =	simm.s32 $_tile_overlayer_lowered  }
0x9b: {  	s22 =	simm.s32 $0x1BFF;
	s21 =	sshll.u32 s6, $0x1;
	s3 =	sadd.s32 s4, s19  }
0x9c: {  	s7 =	simm.s32 $0x0;
	s20 =	sshll.u32 s5, $0x1;
	s5 =	sadd.s32 s21, s3  }
0x9d: {  	[timem:s7], [sflag:s22] =	dma.local [hbm:s5], s20  }
0x9e: {  	_ =	swait.ge [sflag:s22], s20  }
0x9f: {  	s4 =	ssub.s32 $0x0, s20;
	[sflag:s22] =	ssyncset.done $0x0  }
0xa0: {  	[sflag:s22] =	ssyncadd.s32 s4;
	_ =	sdelay $0x1  }
0xa1: {  	s23 =	simm.s32 $0x1B8B  }
0xa2: {  	_ =	swait.ge [sflag:s23], $0x1  }
0xa3: {  	[sflag:s23] =	ssyncset.done $0x0  }
0xa4: {  	s25 =	simm.s32 $0x1B8E;
	s24 =	sld [smem:$0x3FFE];
	[sflag:s23] =	ssyncadd.s32 $0xFFFFFFFF  }
0xa5: {  	s26 =	simm.s32 $execute0_lowered;
	[smem:$0x3FD2] =	sst s25  }
0xa6: {  	s5 =	sshll.u32 s26, $0x1;
	_ =	strace $0x80000049;
	[dreg:$0x1] =	wrdreg $0xFFFFFFFF  }
0xa7: {  	s28 =	simm.s32 $_size_execute0_lowered;
	s3 =	sadd.s32 s3, s5;
	[dreg:$0x0] =	wrdreg $0x0  }
0xa8: {  	s5 =	sshll.u32 s28, $0x1;
	[dreg:$0x2] =	wrdreg s3  }
0xa9: {  	[dreg:$0x3] =	wrdreg s5  }
0xaa: {  	[dreg:$0x4] =	wrdreg $0xC0  }
0xab: {  	_ =	task [dreg:s7], $0x5FFFF  }
0xac: {  	[dreg:$0x1] =	wrdreg $0xFFFFFFFF  }
0xad: {  	[dreg:$0x0] =	wrdreg $0x60  }
0xae: {  	[dreg:$0x2] =	wrdreg s24  }
0xaf: {  	[dreg:$0x3] =	wrdreg s2  }
0xb0: {  	[dreg:$0x4] =	wrdreg $0x90000  }
0xb1: {  	[dreg:$0x5] =	wrdreg $0x9  }
0xb2: {  	_ =	task.clear_ibuf [dreg:s7], $0x6FFFF;
	_ =	strace $0x90000049  }
0xb3: {  	s29 =	simm.s32 $0x9;
	_ =	strace $0x8000004B  }
0xb4: {  	_ =	swait.ge [sflag:s29], $0x1  }
0xb5: {  	[sflag:s29] =	ssyncadd.s32 $0xFFFFFFFF  }
0xb6: {  	_ =	strace $0x9000004B  }
0xb7: {  	_ =	sfence  }
0xb8: {  	s30 =	sld [smem:$0x0];
	_ =	sdelay $0x2  }
0xb9: {  	s31 =	sshll.u32 s1, $0xD;
	s1 =	sshrl.u32 s1, $0x2  }
0xba: {  	s3 =	sand.u32 $0x4000, s31;
	s1 =	sadd.s32 s1, s30  }
0xbb: {  	s0 =	sor.u32 s3, s0;
	s1 =	sshll.u32 s1, $0x11  }
0xbc: {  	s0 =	sor.u32 s1, s0  }
0xbd: {  	s0 =	sadd.s32 $0x8F2B, s0  }
0xbe: {  	[sflag:s0] =	ssyncadd.remote.s32 $0x1  }
0xbf: {  	_ =	sfence.sel $0xFFFF  }
0xc0: {  	[dreg:$0x0] =	wrdreg $0xFFFFFFFF;
	(pc) =	sbr.abs _section_cstart, $3  }
0xc1: {  	[dreg:$0x1] =	wrdreg $0xFFFFFFFF  }
0xc2: {  	_ =	task.clear_ibuf [dreg:s7], $0x2FFFF;
	_ =	strace $0x9FFFFFFF  }
0xc3: {  	(tm) =	ssettm $0x7FFFFFFF  }
tec
execute0_lowered:
.L_overlay_start_1:
0x0: {  	(tag) =	ssettag $0x1  }
0x1: {  	s5 =	rddreg [dreg:$0x0]  }
0x2: {  	s11 =	rddreg [dreg:$0x1];
	s1 =	srdreg.scid  }
0x3: {  	s0 =	stileid.u32;
	s2 =	rddreg [dreg:$0x2]  }
0x4: {  	s3 =	simm.s32 $0x0;
	s21 =	simm.s32 $0x80;
	s22 =	simm.s32 $0x1  }
0x5: {  	s23 =	simm.s32 $0x0;
	s7 =	sand.u32 $0x1, s1;
	s1 =	rddreg [dreg:$0x3]  }
0x6: {  	s4 =	sshll.u32 s0, $0x1;
	[smem:$0x7FF] =	sst s3;
	s6 =	smul.u32 $0x50000, s0  }
0x7: {  	s13 =	smul.u32 $0x14000, s0;
	s16 =	sadd.s32 $0x5D000, s5;
	s4 =	sor.u32 s7, s4  }
0x8: {  	_ =	strace $0x8000004A;
	s8 =	ssub.s32 $0x2, s7;
	s20 =	smul.u32 $0x140000, s7  }
0x9: {  	s12 =	smul.u32 $0x500, s4;
	s4 =	sadd.s32 $0x3000, s5;
	s24 =	sshrl.u32 s8, $0x1  }
0xa: {  	s25 =	sshrl.u32 s6, $0x2;
	s14 =	sadd.s32 $0x4000, s13;
	s15 =	sadd.s32 $0x8000, s13  }
0xb: {  	s18 =	sadd.s32 $0xC000, s13;
	s19 =	sadd.s32 $0x10000, s13;
	s17 =	ssub.s32 s8, s24  }
0xc: {  	s6 =	sadd.s32 s14, s2;
	s7 =	sadd.s32 s15, s2;
	s8 =	sadd.s32 s18, s2  }
0xd: {  	s9 =	sadd.s32 s19, s2;
	s13 =	sadd.s32 s13, s20;
	s14 =	sadd.s32 s20, s14  }
0xe: {  	s29 =	sadd.s32 s20, s15;
	s30 =	sadd.s32 s20, s18;
	s31 =	sadd.s32 s20, s19  }
0xf: {  	s19 =	simm.s32 $0x2;
	s20 =	simm.s32 $0x2800;
	s10 =	sadd.s32 s12, s5  }
0x10: {  	s5 =	sadd.s32 s25, s2;
	s11 =	sadd.s32 s11, s12;
	s26 =	sshrl.u32 s13, $0x3  }
0x11: {  	s28 =	sshrl.u32 s14, $0x3;
	s14 =	sshrl.u32 s29, $0x3;
	s15 =	sshrl.u32 s30, $0x3  }
0x12: {  	s18 =	sshrl.u32 s31, $0x3;
	s17 =	smax.u32 s17, $0x1;
	s10 =	sadd.s32 $0x53000, s10  }
0x13: {  	s12 =	sadd.s32 s16, s26;
	s13 =	sadd.s32 s16, s28;
	s14 =	sadd.s32 s16, s14  }
0x14: {  	v0 =	vimm.f32 $0.0e+00;
	s15 =	sadd.s32 s16, s15;
	s16 =	sadd.s32 s16, s18;
	s18 =	simm.s32 $0x5000  }
.LBB2_1:
0x15: {  	s24 =	simm.s32 $0x0;
	s25 =	simm.s32 $0x200  }
.LBB2_2:
0x16: {  	p0 =	sne.s32 s25, $0xFE00;
	[tilespmem:s24+$0x5070] =	vst v0  }
0x17: {  	[tilespmem:s24+$0x5000] =	vst v0  }
0x18: {  	[tilespmem:s24+$0x5010] =	vst v0  }
.Ltmp0:
0x19: {  	[tilespmem:s24+$0x5020] =	vst v0;
	(pc) =	sbr.rel @p0 .LBB2_2-.Ltmp0, $4  }
0x1a: {  	[tilespmem:s24+$0x5030] =	vst v0  }
0x1b: {  	[tilespmem:s24+$0x5040] =	vst v0  }
0x1c: {  	[tilespmem:s24+$0x5050] =	vst v0  }
0x1d: {  	[tilespmem:s24+$0x5060] =	vst v0;
	s24 =	sshra.s32 s25, $0x2;
	s25 =	sadd.s32 $0x200, s25  }
0x1e: {  	[tilespmem:s24+$0x5070] =	vst v0  }
0x1f: {  	[tilespmem:s24+$0x5000] =	vst v0  }
0x20: {  	[tilespmem:s24+$0x5010] =	vst v0  }
0x21: {  	[tilespmem:s24+$0x5020] =	vst v0  }
0x22: {  	[tilespmem:s24+$0x5030] =	vst v0  }
0x23: {  	[tilespmem:s24+$0x5040] =	vst v0  }
0x24: {  	[tilespmem:s24+$0x5050] =	vst v0  }
0x25: {  	[tilespmem:s24+$0x5060] =	vst v0  }
0x26: {  	[spmem:s5] =	stream.linear.scatter [tilespmem:s18], [sflag:$0x2], $0x4000, $0x38;
	[tilespmem:$0x1D000] =	vst v63  }
0x27: {  	_ =	swait.ge [sflag:s19], $0x4000  }
0x28: {  	[sflag:s19] =	ssyncset.done $0x0  }
0x29: {  	[sflag:s19] =	ssyncadd.s32 $0xFFFFC000  }
0x2a: {  	[spmem:s6] =	stream.linear.scatter [tilespmem:s18], [sflag:$0x2], $0x4000, $0x38;
	[tilespmem:$0x1D000] =	vst v63  }
0x2b: {  	_ =	swait.ge [sflag:s19], $0x4000  }
0x2c: {  	[sflag:s19] =	ssyncset.done $0x0  }
0x2d: {  	[sflag:s19] =	ssyncadd.s32 $0xFFFFC000  }
0x2e: {  	[spmem:s7] =	stream.linear.scatter [tilespmem:s18], [sflag:$0x2], $0x4000, $0x38;
	[tilespmem:$0x1D000] =	vst v63  }
0x2f: {  	_ =	swait.ge [sflag:s19], $0x4000  }
0x30: {  	[sflag:s19] =	ssyncset.done $0x0  }
0x31: {  	[sflag:s19] =	ssyncadd.s32 $0xFFFFC000  }
0x32: {  	[spmem:s8] =	stream.linear.scatter [tilespmem:s18], [sflag:$0x2], $0x4000, $0x38;
	[tilespmem:$0x1D000] =	vst v63  }
0x33: {  	_ =	swait.ge [sflag:s19], $0x4000  }
0x34: {  	[sflag:s19] =	ssyncset.done $0x0  }
0x35: {  	[sflag:s19] =	ssyncadd.s32 $0xFFFFC000  }
0x36: {  	[spmem:s9] =	stream.linear.scatter [tilespmem:s18], [sflag:$0x2], $0x4000, $0x38;
	[tilespmem:$0x1D000] =	vst v63  }
0x37: {  	_ =	swait.ge [sflag:s19], $0x4000  }
0x38: {  	[sflag:s19] =	ssyncset.done $0x0  }
0x39: {  	s29 =	simm.s32 $0x0;
	[sflag:s19] =	ssyncadd.s32 $0xFFFFC000  }
0x3a: {  	[tilespmem:s29], [sflag:$0x2] =	stream.linear.gather [hbm4b:s10+s29], $0x2780, $0x38;
	[tilespmem:$0x1D000] =	vst v63  }
0x3b: {  	_ =	swait.ge [sflag:s19], $0x2780  }
0x3c: {  	[sflag:s19] =	ssyncset.done $0x0  }
0x3d: {  	[sflag:s19] =	ssyncadd.s32 $0xFFFFD880  }
0x3e: {  	[tilespmem:s20], [sflag:$0x2] =	stream.linear.gather [hbm4b:s11+s29], $0x2780, $0x38;
	[tilespmem:$0x1D000] =	vst v63  }
0x3f: {  	_ =	swait.ge [sflag:s19], $0x2780  }
0x40: {  	[sflag:s19] =	ssyncset.done $0x0  }
0x41: {  	[sflag:s19] =	ssyncadd.s32 $0xFFFFD880  }
0x42: {  	s30 =	simm.s32 $0x0;
	[bflag:$0x0] =	sbarrier.arrive $0xFFFF  }
0x43: {  	[tilespmem:s18], [sflag:$0x1] =	stream.indirect.gather [hbm4b:s4+s21], $0x80, s30, s21, $0xb8;
	[tilespmem:$0x1D000] =	vst v63  }
0x44: {  	_ =	swait.ge [sflag:s22], $0x4000  }
0x45: {  	[sflag:s22] =	ssyncset.done $0x0  }
0x46: {  	s31 =	simm.s32 $0x2800;
	[sflag:s22] =	ssyncadd.s32 $0xFFFFC000  }
0x47: {  	[spmem:s2] =	stream.indirect.scatter.add.f32 [tilespmem:s18], [sflag:$0x2], $0x80, s31, s21, $0xb8;
	[tilespmem:$0x1D000] =	vst v63  }
0x48: {  	_ =	swait.ge [sflag:s19], $0x4000  }
0x49: {  	s24 =	simm.s32 $0x200;
	s25 =	simm.s32 $0x400;
	[sflag:s19] =	ssyncset.done $0x0  }
.LBB2_4:
0x4a: {  	s26 =	sshra.s32 s24, $0x2  }
0x4b: {  	[sflag:s19] =	ssyncadd.s32 $0xFFFFC000;
	s24 =	smov.u32 s25;
	s28 =	sadd.s32 $0x200, s25  }
0x4c: {  	[tilespmem:s18], [sflag:$0x1] =	stream.indirect.gather [hbm4b:s4+s21], $0x80, s26, s21, $0xb8;
	[tilespmem:$0x1D000] =	vst v63  }
0x4d: {  	p0 =	sne.s32 s25, $0x9C00;
	_ =	swait.ge [sflag:s22], $0x4000  }
.Ltmp1:
0x4e: {  	[sflag:s22] =	ssyncset.done $0x0;
	(pc) =	sbr.rel @p0 .LBB2_4-.Ltmp1, $4  }
0x4f: {  	s25 =	sadd.s32 $0x2800, s26;
	[sflag:s22] =	ssyncadd.s32 $0xFFFFC000  }
0x50: {  	[spmem:s2] =	stream.indirect.scatter.add.f32 [tilespmem:s18], [sflag:$0x2], $0x80, s25, s21, $0xb8;
	[tilespmem:$0x1D000] =	vst v63  }
0x51: {  	_ =	swait.ge [sflag:s19], $0x4000  }
0x52: {  	s25 =	smov.u32 s28;
	[sflag:s19] =	ssyncset.done $0x0  }
0x53: {  	s24 =	sshra.s32 s24, $0x2;
	[sflag:s19] =	ssyncadd.s32 $0xFFFFC000  }
0x54: {  	[tilespmem:s18], [sflag:$0x1] =	stream.indirect.gather [hbm4b:s4+s21], $0x80, s24, s21, $0xb8;
	[tilespmem:$0x1D000] =	vst v63  }
0x55: {  	_ =	swait.ge [sflag:s22], $0x4000  }
0x56: {  	[sflag:s22] =	ssyncset.done $0x0  }
0x57: {  	s24 =	sadd.s32 $0x2800, s24;
	[sflag:s22] =	ssyncadd.s32 $0xFFFFC000  }
0x58: {  	[spmem:s2] =	stream.indirect.scatter.add.f32 [tilespmem:s18], [sflag:$0x2], $0x80, s24, s21, $0xb8;
	[tilespmem:$0x1D000] =	vst v63  }
0x59: {  	_ =	swait.ge [sflag:s19], $0x4000  }
0x5a: {  	[sflag:s19] =	ssyncset.done $0x0  }
0x5b: {  	[sflag:s19] =	ssyncadd.s32 $0xFFFFC000  }
0x5c: {  	[bflag:$0x0] =	sbarrier.arrive $0xFFFF  }
0x5d: {  	[tilespmem:s18], [sflag:$0x2] =	stream.linear.gather [spmem:s5], $0x4000, $0x38;
	[tilespmem:$0x1D000] =	vst v63  }
0x5e: {  	_ =	swait.ge [sflag:s19], $0x4000  }
0x5f: {  	[sflag:s19] =	ssyncset.done $0x0  }
0x60: {  	[sflag:s19] =	ssyncadd.s32 $0xFFFFC000  }
0x61: {  	[hbm4b:s12+s3] =	stream.linear.scatter [tilespmem:s18], [sflag:$0x2], $0x4000, $0x38;
	[tilespmem:$0x1D000] =	vst v63  }
0x62: {  	_ =	swait.ge [sflag:s19], $0x4000  }
0x63: {  	[sflag:s19] =	ssyncset.done $0x0  }
0x64: {  	[sflag:s19] =	ssyncadd.s32 $0xFFFFC000  }
0x65: {  	[tilespmem:s18], [sflag:$0x2] =	stream.linear.gather [spmem:s6], $0x4000, $0x38;
	[tilespmem:$0x1D000] =	vst v63  }
0x66: {  	_ =	swait.ge [sflag:s19], $0x4000  }
0x67: {  	[sflag:s19] =	ssyncset.done $0x0  }
0x68: {  	[sflag:s19] =	ssyncadd.s32 $0xFFFFC000  }
0x69: {  	[hbm4b:s13+s3] =	stream.linear.scatter [tilespmem:s18], [sflag:$0x2], $0x4000, $0x38;
	[tilespmem:$0x1D000] =	vst v63  }
0x6a: {  	_ =	swait.ge [sflag:s19], $0x4000  }
0x6b: {  	[sflag:s19] =	ssyncset.done $0x0  }
0x6c: {  	[sflag:s19] =	ssyncadd.s32 $0xFFFFC000  }
0x6d: {  	[tilespmem:s18], [sflag:$0x2] =	stream.linear.gather [spmem:s7], $0x4000, $0x38;
	[tilespmem:$0x1D000] =	vst v63  }
0x6e: {  	_ =	swait.ge [sflag:s19], $0x4000  }
0x6f: {  	[sflag:s19] =	ssyncset.done $0x0  }
0x70: {  	[sflag:s19] =	ssyncadd.s32 $0xFFFFC000  }
0x71: {  	[hbm4b:s14+s3] =	stream.linear.scatter [tilespmem:s18], [sflag:$0x2], $0x4000, $0x38;
	[tilespmem:$0x1D000] =	vst v63  }
0x72: {  	_ =	swait.ge [sflag:s19], $0x4000  }
0x73: {  	[sflag:s19] =	ssyncset.done $0x0  }
0x74: {  	[sflag:s19] =	ssyncadd.s32 $0xFFFFC000  }
0x75: {  	[tilespmem:s18], [sflag:$0x2] =	stream.linear.gather [spmem:s8], $0x4000, $0x38;
	[tilespmem:$0x1D000] =	vst v63  }
0x76: {  	_ =	swait.ge [sflag:s19], $0x4000  }
0x77: {  	[sflag:s19] =	ssyncset.done $0x0  }
0x78: {  	[sflag:s19] =	ssyncadd.s32 $0xFFFFC000  }
0x79: {  	[hbm4b:s15+s3] =	stream.linear.scatter [tilespmem:s18], [sflag:$0x2], $0x4000, $0x38;
	[tilespmem:$0x1D000] =	vst v63  }
0x7a: {  	_ =	swait.ge [sflag:s19], $0x4000  }
0x7b: {  	[sflag:s19] =	ssyncset.done $0x0  }
0x7c: {  	[sflag:s19] =	ssyncadd.s32 $0xFFFFC000  }
0x7d: {  	[tilespmem:s18], [sflag:$0x2] =	stream.linear.gather [spmem:s9], $0x4000, $0x38;
	[tilespmem:$0x1D000] =	vst v63  }
0x7e: {  	s23 =	sadd.s32 $0x1, s23;
	_ =	swait.ge [sflag:s19], $0x4000  }
0x7f: {  	p0 =	sne.s32 s23, s17;
	[sflag:s19] =	ssyncset.done $0x0  }
.Ltmp2:
0x80: {  	[sflag:s19] =	ssyncadd.s32 $0xFFFFC000;
	(pc) =	sbr.rel @p0 .LBB2_1-.Ltmp2, $4  }
0x81: {  	[hbm4b:s16+s3] =	stream.linear.scatter [tilespmem:s18], [sflag:$0x2], $0x4000, $0x38;
	[tilespmem:$0x1D000] =	vst v63  }
0x82: {  	_ =	swait.ge [sflag:s19], $0x4000  }
0x83: {  	[sflag:s19] =	ssyncset.done $0x0  }
0x84: {  	[sflag:s19] =	ssyncadd.s32 $0xFFFFC000  }
0x85: {  	_ =	sfence.sel $0x180000  }
0x86: {  	[bflag:$0x0] =	sbarrier.arrive $0xFFFF  }
0x87: {  	p0 =	sne.s32 s0, $0x0;
	_ =	strace $0x9000004A  }
0x88: {  	s0 =	sadd.s32 @!p0 $0x100000, s1;
	[bflag:$0x2] =	sbarrier.arrive $0xFFFF  }
0x89: {  	[sflag:s0] =	ssyncadd.tile.s32 @!p0 $0x1;
	_ =	shalt  }
.Lfunc_end2:
_tile_overlayer_lowered:
.L_overlay_start_2:
0x8a: {  	(tag) =	ssettag $0x2  }
0x8b: {  	s0 =	rddreg [dreg:$0x0];
	s2 =	stileid.u32  }
0x8c: {  	s1 =	rddreg [dreg:$0x1];
	p0 =	sne.s32 s2, $0x0  }
0x8d: {  	s3 =	rddreg [dreg:$0x2];
	[bflag:$0x3] =	sbarrier.arrive $0xFFFF;
	s2 =	simm.s32 @!p0 $0x1C02  }
0x8e: {  	[timem:s3], [sflag:s2] =	dma.local @!p0 [hbm:s0], s1  }
0x8f: {  	s0 =	simm.s32 @!p0 $0x2  }
0x90: {  	_ =	swait.ge @!p0 [sflag:s0], s1  }
0x91: {  	s1 =	ssub.s32 @!p0 $0x0, s1;
	[sflag:s0] =	ssyncset.done @!p0 $0x0  }
0x92: {  	[sflag:s0] =	ssyncadd.s32 @!p0 s1  }
0x93: {  	[bflag:$0x3] =	sbarrier.arrive $0xFFFF  }
0x94: {  	_ =	shalt  }

// kernel: kernel.16.cloned.1.call-start
scs
__scs_entry_jumppad:
0x0: {  	(pc) =	sbr.rel $0x88, $3  }
0x1: {  	(tag) =	ssettag $0x0;
	lr =	simm.s32 $0x1  }
0x2: {  	[smem:$0x3F99] =	sst lr;
	_ =	strace $0xD0000000  }
0x3: {  	_ = 	snop  }
0x4: {  	_ = 	snop  }
0x5: {  	_ = 	snop  }
0x6: {  	_ = 	snop  }
0x7: {  	_ = 	snop  }
__scs_overlays_trampoline_lowered:
0x8: {  	[smem:$0x3FA8] =	sst s0  }
0x9: {  	[smem:$0x3FA9] =	sst s1  }
0xa: {  	[smem:$0x3FAA] =	sst s2  }
0xb: {  	[smem:$0x3FAB] =	sst s3  }
0xc: {  	[smem:$0x3FAC] =	sst s4  }
0xd: {  	[smem:$0x3FAD] =	sst s5  }
0xe: {  	[smem:$0x3FAE] =	sst s6  }
0xf: {  	[smem:$0x3FAF] =	sst s7  }
0x10: {  	[smem:$0x3FB0] =	sst s8  }
0x11: {  	[smem:$0x3FB1] =	sst s9;
	s0 =	simm.s32 @!p0 $0x0  }
0x12: {  	s1 =	sld [smem:$0x3F97];
	s0 =	simm.s32 @p0 $0x1  }
0x13: {  	[smem:$0x3FB2] =	sst s0;
	s0 =	simm.s32 @!p1 $0x0  }
0x14: {  	s2 =	sld [smem:$0x3F96];
	s0 =	simm.s32 @p1 $0x1  }
0x15: {  	[smem:$0x3FB3] =	sst s0;
	s0 =	simm.s32 @!p2 $0x0  }
0x16: {  	s3 =	sld [smem:$0x3FDB];
	s0 =	simm.s32 @p2 $0x1  }
0x17: {  	s4 =	simm.s32 $0x1BF5;
	[smem:$0x3FB5] =	sst s0  }
0x18: {  	s0 =	sld [smem:$0x3F98];
	_ =	swait.ge [sflag:s4], $0x0  }
0x19: {  	s7 =	sld [smem:$0x3F99]  }
0x1a: {  	s8 =	sadd.s32 $0xFFFFE003, lr  }
0x1b: {  	s9 =	sadd.s32 $0xFFFFFEF7, lr;
	s5 =	simm.s32 $0xFFFFFFFF;
	p2 =	slt.u32 s8, $0xFFFFF086  }
0x1c: {  	p1 =	slt.u32 s9, $0xF7A;
	s5 =	simm.s32 @!p2 $0x0  }
0x1d: {  	s5 =	simm.s32 @p1 $0x1;
	p0 =	seq.s32 s7, s2  }
0x1e: {  	s7 =	smul.u32 @!p0 $0xF7A, s2;
	p2 =	seq.s32 @!p0 s5, $0x0  }
0x1f: {  	s9 =	smul.u32 $0xF7A, s1;
	s8 =	simm.s32 @!p0 $0x1BF5;
	p2 =	por !p2, p0  }
0x20: {  	[sflag:s8] =	ssyncset.s32 @!p0 $0xFFFFF086;
	s6 =	sadd.s32 @!p0 s3, s7;
	s7 =	simm.s32 @!p0 $0x108  }
0x21: {  	s3 =	sadd.s32 s3, s9;
	s6 =	sadd.s32 @!p0 $0x88, s6;
	s7 =	simm.s32 @p2 $0x1082  }
0x22: {  	[simem:s7], [sflag:s8] =	dma.local @!p0 [hbm:s6], $0xF7A  }
0x23: {  	s9 =	sor.u32 $0xD0000000, s2;
	s6 =	simm.s32 $0x108;
	_ =	swait.ge @!p0 [sflag:s8], $0x0  }
0x24: {  	s3 =	sadd.s32 $0x88, s3;
	s6 =	simm.s32 @!p1 $0x1082;
	[sflag:s4] =	ssyncset.s32 $0xFFFFF086  }
0x25: {  	[simem:s6], [sflag:s4] =	dma.local [hbm:s3], $0xF7A  }
0x26: {  	[smem:$0x3F99] =	sst s1;
	(tag) =	ssettag s2;
	_ =	strace s9  }
0x27: {  	s1 =	sld [smem:$0x3FA9]  }
0x28: {  	s2 =	sld [smem:$0x3FAA]  }
0x29: {  	s4 =	sld [smem:$0x3FAC]  }
0x2a: {  	p0 =	seq.s32 s5, $0x0;
	s5 =	sld [smem:$0x3FAD]  }
0x2b: {  	s6 =	sld [smem:$0x3FAE]  }
0x2c: {  	s7 =	sld [smem:$0x3FAF]  }
0x2d: {  	s3 =	simm.s32 $0x108;
	s8 =	sld [smem:$0x3FB0]  }
0x2e: {  	s3 =	simm.s32 @!p0 $0x1082;
	s9 =	sld [smem:$0x3FB1]  }
0x2f: {  	lr =	sadd.s32 s0, s3;
	s0 =	sld [smem:$0x3FA8]  }
0x30: {  	s3 =	sld [smem:$0x3FAB]  }
0x31: {  	[smem:$0x3FB4] =	sst s10  }
0x32: {  	s10 =	sld [smem:$0x3FB2];
	_ =	sdelay $0x3  }
0x33: {  	p0 =	seq.s32 s10, $0x1;
	s10 =	sld [smem:$0x3FB4];
	_ =	sdelay $0x3  }
0x34: {  	[smem:$0x3FB4] =	sst s10  }
0x35: {  	s10 =	sld [smem:$0x3FB3];
	_ =	sdelay $0x3  }
0x36: {  	p1 =	seq.s32 s10, $0x1;
	s10 =	sld [smem:$0x3FB4];
	_ =	sdelay $0x3  }
0x37: {  	[smem:$0x3FB4] =	sst s10  }
0x38: {  	s10 =	sld [smem:$0x3FB5]  }
0x39: {  	_ = 	snop;
	(pc) =	sbr.ind lr, $3  }
0x3a: {  	_ = 	snop  }
0x3b: {  	_ = 	snop  }
0x3c: {  	p2 =	seq.s32 s10, $0x1;
	s10 =	sld [smem:$0x3FB4]  }
0x3d: {  	_ =	shalt  }
0x3e: {  	_ =	shalt  }
0x3f: {  	_ =	shalt  }
0x40: {  	_ =	shalt  }
0x41: {  	_ =	shalt  }
0x42: {  	_ =	shalt  }
0x43: {  	_ =	shalt  }
0x44: {  	_ =	shalt  }
0x45: {  	_ =	shalt  }
0x46: {  	_ =	shalt  }
0x47: {  	_ =	shalt  }
0x48: {  	_ =	shalt  }
0x49: {  	_ =	shalt  }
0x4a: {  	_ =	shalt  }
0x4b: {  	_ =	shalt  }
0x4c: {  	_ =	shalt  }
0x4d: {  	_ =	shalt  }
0x4e: {  	_ =	shalt  }
0x4f: {  	_ =	shalt  }
0x50: {  	_ =	shalt  }
0x51: {  	_ =	shalt  }
0x52: {  	_ =	shalt  }
0x53: {  	_ =	shalt  }
0x54: {  	_ =	shalt  }
0x55: {  	_ =	shalt  }
0x56: {  	_ =	shalt  }
0x57: {  	_ =	shalt  }
0x58: {  	_ =	shalt  }
0x59: {  	_ =	shalt  }
0x5a: {  	_ =	shalt  }
0x5b: {  	_ =	shalt  }
0x5c: {  	_ =	shalt  }
0x5d: {  	_ =	shalt  }
0x5e: {  	_ =	shalt  }
0x5f: {  	_ =	shalt  }
0x60: {  	_ =	shalt  }
0x61: {  	_ =	shalt  }
0x62: {  	_ =	shalt  }
0x63: {  	_ =	shalt  }
0x64: {  	_ =	shalt  }
0x65: {  	_ =	shalt  }
0x66: {  	_ =	shalt  }
0x67: {  	_ =	shalt  }
0x68: {  	_ =	shalt  }
0x69: {  	_ =	shalt  }
0x6a: {  	_ =	shalt  }
0x6b: {  	_ =	shalt  }
0x6c: {  	_ =	shalt  }
0x6d: {  	_ =	shalt  }
0x6e: {  	_ =	shalt  }
0x6f: {  	_ =	shalt  }
0x70: {  	_ =	shalt  }
0x71: {  	_ =	shalt  }
0x72: {  	_ =	shalt  }
0x73: {  	_ =	shalt  }
0x74: {  	_ =	shalt  }
0x75: {  	_ =	shalt  }
0x76: {  	_ =	shalt  }
0x77: {  	_ =	shalt  }
0x78: {  	_ =	shalt  }
0x79: {  	_ =	shalt  }
0x7a: {  	_ =	shalt  }
0x7b: {  	_ =	shalt  }
0x7c: {  	_ =	shalt  }
0x7d: {  	_ =	shalt  }
0x7e: {  	_ =	shalt  }
0x7f: {  	_ =	shalt  }
0x80: {  	_ =	shalt  }
0x81: {  	_ =	shalt  }
0x82: {  	_ =	shalt  }
0x83: {  	_ =	shalt  }
0x84: {  	_ =	shalt  }
0x85: {  	_ =	shalt  }
0x86: {  	_ =	shalt  }
0x87: {  	_ =	shalt  }
.Lfunc_end0:
.L_simem_size_0:
called_computation.2_lowered:
.L_overlay_start_0:
0x88: {  	s2 =	sld [smem:$0x3FD9]  }
0x89: {  	s3 =	sld [smem:$0x3FFE];
	_ =	sdelay $0x1  }
0x8a: {  	s1 =	srdreg.scid  }
0x8b: {  	s0 =	sand.u32 $0x1, s1  }
0x8c: {  	s17 =	sshll.u32 s0, $0xA;
	s2 =	sadd.s32 s3, s2  }
0x8d: {  	s2 =	sadd.s32 s2, s17  }
0x8e: {  	[smem:$0x3FC0] =	sst s2  }
0x8f: {  	_ = 	snop  }
0x90: {  	s2 =	sld [smem:$0x3FD0];
	(tm) =	ssettm $0x1  }
0x91: {  	s18 =	sld [smem:$0x3FFB];
	_ =	sdelay $0x3  }
0x92: {  	_ =	strace s18  }
0x93: {  	s3 =	sld [smem:$0x3FFC];
	_ =	sdelay $0x3  }
0x94: {  	_ =	strace s3  }
0x95: {  	s3 =	sld [smem:$0x3FFD];
	_ =	sdelay $0x3  }
0x96: {  	_ =	strace s3  }
0x97: {  	_ =	strace $0x8FFFFFFF  }
0x98: {  	s19 =	sld [smem:$0x3FDB];
	_ =	sdelay $0x1  }
0x99: {  	s4 =	simm.s32 $_scs_section_size  }
0x9a: {  	s5 =	simm.s32 $_size__tile_overlayer_lowered;
	s6 =	simm.s32 $_tile_overlayer_lowered  }
0x9b: {  	s22 =	simm.s32 $0x1BFF;
	s21 =	sshll.u32 s6, $0x1;
	s3 =	sadd.s32 s4, s19  }
0x9c: {  	s7 =	simm.s32 $0x0;
	s20 =	sshll.u32 s5, $0x1;
	s5 =	sadd.s32 s21, s3  }
0x9d: {  	[timem:s7], [sflag:s22] =	dma.local [hbm:s5], s20  }
0x9e: {  	_ =	swait.ge [sflag:s22], s20  }
0x9f: {  	s4 =	ssub.s32 $0x0, s20;
	[sflag:s22] =	ssyncset.done $0x0  }
0xa0: {  	[sflag:s22] =	ssyncadd.s32 s4;
	_ =	sdelay $0x1  }
0xa1: {  	s23 =	simm.s32 $0x1B8B  }
0xa2: {  	_ =	swait.ge [sflag:s23], $0x1  }
0xa3: {  	[sflag:s23] =	ssyncset.done $0x0  }
0xa4: {  	s25 =	simm.s32 $0x1B8E;
	s24 =	sld [smem:$0x3FFE];
	[sflag:s23] =	ssyncadd.s32 $0xFFFFFFFF  }
0xa5: {  	s26 =	simm.s32 $execute0_lowered;
	[smem:$0x3FD2] =	sst s25  }
0xa6: {  	s5 =	sshll.u32 s26, $0x1;
	_ =	strace $0x8000004C;
	[dreg:$0x1] =	wrdreg $0xFFFFFFFF  }
0xa7: {  	s28 =	simm.s32 $_size_execute0_lowered;
	s3 =	sadd.s32 s3, s5;
	[dreg:$0x0] =	wrdreg $0x0  }
0xa8: {  	s5 =	sshll.u32 s28, $0x1;
	[dreg:$0x2] =	wrdreg s3  }
0xa9: {  	[dreg:$0x3] =	wrdreg s5  }
0xaa: {  	[dreg:$0x4] =	wrdreg $0xC0  }
0xab: {  	_ =	task [dreg:s7], $0x5FFFF  }
0xac: {  	[dreg:$0x1] =	wrdreg $0xFFFFFFFF  }
0xad: {  	[dreg:$0x0] =	wrdreg $0x60  }
0xae: {  	[dreg:$0x2] =	wrdreg s24  }
0xaf: {  	[dreg:$0x3] =	wrdreg s2  }
0xb0: {  	[dreg:$0x4] =	wrdreg $0x90000  }
0xb1: {  	[dreg:$0x5] =	wrdreg $0x9  }
0xb2: {  	_ =	task.clear_ibuf [dreg:s7], $0x6FFFF;
	_ =	strace $0x9000004C  }
0xb3: {  	s29 =	simm.s32 $0x9;
	_ =	strace $0x8000004E  }
0xb4: {  	_ =	swait.ge [sflag:s29], $0x1  }
0xb5: {  	[sflag:s29] =	ssyncadd.s32 $0xFFFFFFFF  }
0xb6: {  	_ =	strace $0x9000004E  }
0xb7: {  	_ =	sfence  }
0xb8: {  	s30 =	sld [smem:$0x0];
	_ =	sdelay $0x2  }
0xb9: {  	s31 =	sshll.u32 s1, $0xD;
	s1 =	sshrl.u32 s1, $0x2  }
0xba: {  	s3 =	sand.u32 $0x4000, s31;
	s1 =	sadd.s32 s1, s30  }
0xbb: {  	s0 =	sor.u32 s3, s0;
	s1 =	sshll.u32 s1, $0x11  }
0xbc: {  	s0 =	sor.u32 s1, s0  }
0xbd: {  	s0 =	sadd.s32 $0x8F2B, s0  }
0xbe: {  	[sflag:s0] =	ssyncadd.remote.s32 $0x1  }
0xbf: {  	_ =	sfence.sel $0xFFFF  }
0xc0: {  	[dreg:$0x0] =	wrdreg $0xFFFFFFFF;
	(pc) =	sbr.abs _section_cstart, $3  }
0xc1: {  	[dreg:$0x1] =	wrdreg $0xFFFFFFFF  }
0xc2: {  	_ =	task.clear_ibuf [dreg:s7], $0x2FFFF;
	_ =	strace $0x9FFFFFFF  }
0xc3: {  	(tm) =	ssettm $0x7FFFFFFF  }
tec
execute0_lowered:
.L_overlay_start_1:
0x0: {  	(tag) =	ssettag $0x1  }
0x1: {  	s5 =	rddreg [dreg:$0x0]  }
0x2: {  	s11 =	rddreg [dreg:$0x1];
	s1 =	srdreg.scid  }
0x3: {  	s0 =	stileid.u32;
	s2 =	rddreg [dreg:$0x2]  }
0x4: {  	s3 =	simm.s32 $0x0;
	s21 =	simm.s32 $0x80;
	s22 =	simm.s32 $0x1  }
0x5: {  	s23 =	simm.s32 $0x0;
	s7 =	sand.u32 $0x1, s1;
	s1 =	rddreg [dreg:$0x3]  }
0x6: {  	s4 =	sshll.u32 s0, $0x1;
	[smem:$0x7FF] =	sst s3;
	s6 =	smul.u32 $0x50000, s0  }
0x7: {  	s13 =	smul.u32 $0x14000, s0;
	s16 =	sadd.s32 $0x5D000, s5;
	s4 =	sor.u32 s7, s4  }
0x8: {  	_ =	strace $0x8000004D;
	s8 =	ssub.s32 $0x2, s7;
	s20 =	smul.u32 $0x140000, s7  }
0x9: {  	s12 =	smul.u32 $0x500, s4;
	s4 =	sadd.s32 $0x3000, s5;
	s24 =	sshrl.u32 s8, $0x1  }
0xa: {  	s25 =	sshrl.u32 s6, $0x2;
	s14 =	sadd.s32 $0x4000, s13;
	s15 =	sadd.s32 $0x8000, s13  }
0xb: {  	s18 =	sadd.s32 $0xC000, s13;
	s19 =	sadd.s32 $0x10000, s13;
	s17 =	ssub.s32 s8, s24  }
0xc: {  	s6 =	sadd.s32 s14, s2;
	s7 =	sadd.s32 s15, s2;
	s8 =	sadd.s32 s18, s2  }
0xd: {  	s9 =	sadd.s32 s19, s2;
	s13 =	sadd.s32 s13, s20;
	s14 =	sadd.s32 s20, s14  }
0xe: {  	s29 =	sadd.s32 s20, s15;
	s30 =	sadd.s32 s20, s18;
	s31 =	sadd.s32 s20, s19  }
0xf: {  	s19 =	simm.s32 $0x2;
	s20 =	simm.s32 $0x2800;
	s10 =	sadd.s32 s12, s5  }
0x10: {  	s5 =	sadd.s32 s25, s2;
	s11 =	sadd.s32 s11, s12;
	s26 =	sshrl.u32 s13, $0x3  }
0x11: {  	s28 =	sshrl.u32 s14, $0x3;
	s14 =	sshrl.u32 s29, $0x3;
	s15 =	sshrl.u32 s30, $0x3  }
0x12: {  	s18 =	sshrl.u32 s31, $0x3;
	s17 =	smax.u32 s17, $0x1;
	s10 =	sadd.s32 $0x53000, s10  }
0x13: {  	s12 =	sadd.s32 s16, s26;
	s13 =	sadd.s32 s16, s28;
	s14 =	sadd.s32 s16, s14  }
0x14: {  	v0 =	vimm.f32 $0.0e+00;
	s15 =	sadd.s32 s16, s15;
	s16 =	sadd.s32 s16, s18;
	s18 =	simm.s32 $0x5000  }
.LBB2_1:
0x15: {  	s24 =	simm.s32 $0x0;
	s25 =	simm.s32 $0x200  }
.LBB2_2:
0x16: {  	p0 =	sne.s32 s25, $0xFE00;
	[tilespmem:s24+$0x5070] =	vst v0  }
0x17: {  	[tilespmem:s24+$0x5000] =	vst v0  }
0x18: {  	[tilespmem:s24+$0x5010] =	vst v0  }
.Ltmp0:
0x19: {  	[tilespmem:s24+$0x5020] =	vst v0;
	(pc) =	sbr.rel @p0 .LBB2_2-.Ltmp0, $4  }
0x1a: {  	[tilespmem:s24+$0x5030] =	vst v0  }
0x1b: {  	[tilespmem:s24+$0x5040] =	vst v0  }
0x1c: {  	[tilespmem:s24+$0x5050] =	vst v0  }
0x1d: {  	[tilespmem:s24+$0x5060] =	vst v0;
	s24 =	sshra.s32 s25, $0x2;
	s25 =	sadd.s32 $0x200, s25  }
0x1e: {  	[tilespmem:s24+$0x5070] =	vst v0  }
0x1f: {  	[tilespmem:s24+$0x5000] =	vst v0  }
0x20: {  	[tilespmem:s24+$0x5010] =	vst v0  }
0x21: {  	[tilespmem:s24+$0x5020] =	vst v0  }
0x22: {  	[tilespmem:s24+$0x5030] =	vst v0  }
0x23: {  	[tilespmem:s24+$0x5040] =	vst v0  }
0x24: {  	[tilespmem:s24+$0x5050] =	vst v0  }
0x25: {  	[tilespmem:s24+$0x5060] =	vst v0  }
0x26: {  	[spmem:s5] =	stream.linear.scatter [tilespmem:s18], [sflag:$0x2], $0x4000, $0x38;
	[tilespmem:$0x1D000] =	vst v63  }
0x27: {  	_ =	swait.ge [sflag:s19], $0x4000  }
0x28: {  	[sflag:s19] =	ssyncset.done $0x0  }
0x29: {  	[sflag:s19] =	ssyncadd.s32 $0xFFFFC000  }
0x2a: {  	[spmem:s6] =	stream.linear.scatter [tilespmem:s18], [sflag:$0x2], $0x4000, $0x38;
	[tilespmem:$0x1D000] =	vst v63  }
0x2b: {  	_ =	swait.ge [sflag:s19], $0x4000  }
0x2c: {  	[sflag:s19] =	ssyncset.done $0x0  }
0x2d: {  	[sflag:s19] =	ssyncadd.s32 $0xFFFFC000  }
0x2e: {  	[spmem:s7] =	stream.linear.scatter [tilespmem:s18], [sflag:$0x2], $0x4000, $0x38;
	[tilespmem:$0x1D000] =	vst v63  }
0x2f: {  	_ =	swait.ge [sflag:s19], $0x4000  }
0x30: {  	[sflag:s19] =	ssyncset.done $0x0  }
0x31: {  	[sflag:s19] =	ssyncadd.s32 $0xFFFFC000  }
0x32: {  	[spmem:s8] =	stream.linear.scatter [tilespmem:s18], [sflag:$0x2], $0x4000, $0x38;
	[tilespmem:$0x1D000] =	vst v63  }
0x33: {  	_ =	swait.ge [sflag:s19], $0x4000  }
0x34: {  	[sflag:s19] =	ssyncset.done $0x0  }
0x35: {  	[sflag:s19] =	ssyncadd.s32 $0xFFFFC000  }
0x36: {  	[spmem:s9] =	stream.linear.scatter [tilespmem:s18], [sflag:$0x2], $0x4000, $0x38;
	[tilespmem:$0x1D000] =	vst v63  }
0x37: {  	_ =	swait.ge [sflag:s19], $0x4000  }
0x38: {  	[sflag:s19] =	ssyncset.done $0x0  }
0x39: {  	s29 =	simm.s32 $0x0;
	[sflag:s19] =	ssyncadd.s32 $0xFFFFC000  }
0x3a: {  	[tilespmem:s29], [sflag:$0x2] =	stream.linear.gather [hbm4b:s10+s29], $0x2780, $0x38;
	[tilespmem:$0x1D000] =	vst v63  }
0x3b: {  	_ =	swait.ge [sflag:s19], $0x2780  }
0x3c: {  	[sflag:s19] =	ssyncset.done $0x0  }
0x3d: {  	[sflag:s19] =	ssyncadd.s32 $0xFFFFD880  }
0x3e: {  	[tilespmem:s20], [sflag:$0x2] =	stream.linear.gather [hbm4b:s11+s29], $0x2780, $0x38;
	[tilespmem:$0x1D000] =	vst v63  }
0x3f: {  	_ =	swait.ge [sflag:s19], $0x2780  }
0x40: {  	[sflag:s19] =	ssyncset.done $0x0  }
0x41: {  	[sflag:s19] =	ssyncadd.s32 $0xFFFFD880  }
0x42: {  	s30 =	simm.s32 $0x0;
	[bflag:$0x0] =	sbarrier.arrive $0xFFFF  }
0x43: {  	[tilespmem:s18], [sflag:$0x1] =	stream.indirect.gather [hbm4b:s4+s21], $0x80, s30, s21, $0xb8;
	[tilespmem:$0x1D000] =	vst v63  }
0x44: {  	_ =	swait.ge [sflag:s22], $0x4000  }
0x45: {  	[sflag:s22] =	ssyncset.done $0x0  }
0x46: {  	s31 =	simm.s32 $0x2800;
	[sflag:s22] =	ssyncadd.s32 $0xFFFFC000  }
0x47: {  	[spmem:s2] =	stream.indirect.scatter.add.f32 [tilespmem:s18], [sflag:$0x2], $0x80, s31, s21, $0xb8;
	[tilespmem:$0x1D000] =	vst v63  }
0x48: {  	_ =	swait.ge [sflag:s19], $0x4000  }
0x49: {  	s24 =	simm.s32 $0x200;
	s25 =	simm.s32 $0x400;
	[sflag:s19] =	ssyncset.done $0x0  }
.LBB2_4:
0x4a: {  	s26 =	sshra.s32 s24, $0x2  }
0x4b: {  	[sflag:s19] =	ssyncadd.s32 $0xFFFFC000;
	s24 =	smov.u32 s25;
	s28 =	sadd.s32 $0x200, s25  }
0x4c: {  	[tilespmem:s18], [sflag:$0x1] =	stream.indirect.gather [hbm4b:s4+s21], $0x80, s26, s21, $0xb8;
	[tilespmem:$0x1D000] =	vst v63  }
0x4d: {  	p0 =	sne.s32 s25, $0x9C00;
	_ =	swait.ge [sflag:s22], $0x4000  }
.Ltmp1:
0x4e: {  	[sflag:s22] =	ssyncset.done $0x0;
	(pc) =	sbr.rel @p0 .LBB2_4-.Ltmp1, $4  }
0x4f: {  	s25 =	sadd.s32 $0x2800, s26;
	[sflag:s22] =	ssyncadd.s32 $0xFFFFC000  }
0x50: {  	[spmem:s2] =	stream.indirect.scatter.add.f32 [tilespmem:s18], [sflag:$0x2], $0x80, s25, s21, $0xb8;
	[tilespmem:$0x1D000] =	vst v63  }
0x51: {  	_ =	swait.ge [sflag:s19], $0x4000  }
0x52: {  	s25 =	smov.u32 s28;
	[sflag:s19] =	ssyncset.done $0x0  }
0x53: {  	s24 =	sshra.s32 s24, $0x2;
	[sflag:s19] =	ssyncadd.s32 $0xFFFFC000  }
0x54: {  	[tilespmem:s18], [sflag:$0x1] =	stream.indirect.gather [hbm4b:s4+s21], $0x80, s24, s21, $0xb8;
	[tilespmem:$0x1D000] =	vst v63  }
0x55: {  	_ =	swait.ge [sflag:s22], $0x4000  }
0x56: {  	[sflag:s22] =	ssyncset.done $0x0  }
0x57: {  	s24 =	sadd.s32 $0x2800, s24;
	[sflag:s22] =	ssyncadd.s32 $0xFFFFC000  }
0x58: {  	[spmem:s2] =	stream.indirect.scatter.add.f32 [tilespmem:s18], [sflag:$0x2], $0x80, s24, s21, $0xb8;
	[tilespmem:$0x1D000] =	vst v63  }
0x59: {  	_ =	swait.ge [sflag:s19], $0x4000  }
0x5a: {  	[sflag:s19] =	ssyncset.done $0x0  }
0x5b: {  	[sflag:s19] =	ssyncadd.s32 $0xFFFFC000  }
0x5c: {  	[bflag:$0x0] =	sbarrier.arrive $0xFFFF  }
0x5d: {  	[tilespmem:s18], [sflag:$0x2] =	stream.linear.gather [spmem:s5], $0x4000, $0x38;
	[tilespmem:$0x1D000] =	vst v63  }
0x5e: {  	_ =	swait.ge [sflag:s19], $0x4000  }
0x5f: {  	[sflag:s19] =	ssyncset.done $0x0  }
0x60: {  	[sflag:s19] =	ssyncadd.s32 $0xFFFFC000  }
0x61: {  	[hbm4b:s12+s3] =	stream.linear.scatter [tilespmem:s18], [sflag:$0x2], $0x4000, $0x38;
	[tilespmem:$0x1D000] =	vst v63  }
0x62: {  	_ =	swait.ge [sflag:s19], $0x4000  }
0x63: {  	[sflag:s19] =	ssyncset.done $0x0  }
0x64: {  	[sflag:s19] =	ssyncadd.s32 $0xFFFFC000  }
0x65: {  	[tilespmem:s18], [sflag:$0x2] =	stream.linear.gather [spmem:s6], $0x4000, $0x38;
	[tilespmem:$0x1D000] =	vst v63  }
0x66: {  	_ =	swait.ge [sflag:s19], $0x4000  }
0x67: {  	[sflag:s19] =	ssyncset.done $0x0  }
0x68: {  	[sflag:s19] =	ssyncadd.s32 $0xFFFFC000  }
0x69: {  	[hbm4b:s13+s3] =	stream.linear.scatter [tilespmem:s18], [sflag:$0x2], $0x4000, $0x38;
	[tilespmem:$0x1D000] =	vst v63  }
0x6a: {  	_ =	swait.ge [sflag:s19], $0x4000  }
0x6b: {  	[sflag:s19] =	ssyncset.done $0x0  }
0x6c: {  	[sflag:s19] =	ssyncadd.s32 $0xFFFFC000  }
0x6d: {  	[tilespmem:s18], [sflag:$0x2] =	stream.linear.gather [spmem:s7], $0x4000, $0x38;
	[tilespmem:$0x1D000] =	vst v63  }
0x6e: {  	_ =	swait.ge [sflag:s19], $0x4000  }
0x6f: {  	[sflag:s19] =	ssyncset.done $0x0  }
0x70: {  	[sflag:s19] =	ssyncadd.s32 $0xFFFFC000  }
0x71: {  	[hbm4b:s14+s3] =	stream.linear.scatter [tilespmem:s18], [sflag:$0x2], $0x4000, $0x38;
	[tilespmem:$0x1D000] =	vst v63  }
0x72: {  	_ =	swait.ge [sflag:s19], $0x4000  }
0x73: {  	[sflag:s19] =	ssyncset.done $0x0  }
0x74: {  	[sflag:s19] =	ssyncadd.s32 $0xFFFFC000  }
0x75: {  	[tilespmem:s18], [sflag:$0x2] =	stream.linear.gather [spmem:s8], $0x4000, $0x38;
	[tilespmem:$0x1D000] =	vst v63  }
0x76: {  	_ =	swait.ge [sflag:s19], $0x4000  }
0x77: {  	[sflag:s19] =	ssyncset.done $0x0  }
0x78: {  	[sflag:s19] =	ssyncadd.s32 $0xFFFFC000  }
0x79: {  	[hbm4b:s15+s3] =	stream.linear.scatter [tilespmem:s18], [sflag:$0x2], $0x4000, $0x38;
	[tilespmem:$0x1D000] =	vst v63  }
0x7a: {  	_ =	swait.ge [sflag:s19], $0x4000  }
0x7b: {  	[sflag:s19] =	ssyncset.done $0x0  }
0x7c: {  	[sflag:s19] =	ssyncadd.s32 $0xFFFFC000  }
0x7d: {  	[tilespmem:s18], [sflag:$0x2] =	stream.linear.gather [spmem:s9], $0x4000, $0x38;
	[tilespmem:$0x1D000] =	vst v63  }
0x7e: {  	s23 =	sadd.s32 $0x1, s23;
	_ =	swait.ge [sflag:s19], $0x4000  }
0x7f: {  	p0 =	sne.s32 s23, s17;
	[sflag:s19] =	ssyncset.done $0x0  }
.Ltmp2:
0x80: {  	[sflag:s19] =	ssyncadd.s32 $0xFFFFC000;
	(pc) =	sbr.rel @p0 .LBB2_1-.Ltmp2, $4  }
0x81: {  	[hbm4b:s16+s3] =	stream.linear.scatter [tilespmem:s18], [sflag:$0x2], $0x4000, $0x38;
	[tilespmem:$0x1D000] =	vst v63  }
0x82: {  	_ =	swait.ge [sflag:s19], $0x4000  }
0x83: {  	[sflag:s19] =	ssyncset.done $0x0  }
0x84: {  	[sflag:s19] =	ssyncadd.s32 $0xFFFFC000  }
0x85: {  	_ =	sfence.sel $0x180000  }
0x86: {  	[bflag:$0x0] =	sbarrier.arrive $0xFFFF  }
0x87: {  	p0 =	sne.s32 s0, $0x0;
	_ =	strace $0x9000004D  }
0x88: {  	s0 =	sadd.s32 @!p0 $0x100000, s1;
	[bflag:$0x2] =	sbarrier.arrive $0xFFFF  }
0x89: {  	[sflag:s0] =	ssyncadd.tile.s32 @!p0 $0x1;
	_ =	shalt  }
.Lfunc_end2:
_tile_overlayer_lowered:
.L_overlay_start_2:
0x8a: {  	(tag) =	ssettag $0x2  }
0x8b: {  	s0 =	rddreg [dreg:$0x0];
	s2 =	stileid.u32  }
0x8c: {  	s1 =	rddreg [dreg:$0x1];
	p0 =	sne.s32 s2, $0x0  }
0x8d: {  	s3 =	rddreg [dreg:$0x2];
	[bflag:$0x3] =	sbarrier.arrive $0xFFFF;
	s2 =	simm.s32 @!p0 $0x1C02  }
0x8e: {  	[timem:s3], [sflag:s2] =	dma.local @!p0 [hbm:s0], s1  }
0x8f: {  	s0 =	simm.s32 @!p0 $0x2  }
0x90: {  	_ =	swait.ge @!p0 [sflag:s0], s1  }
0x91: {  	s1 =	ssub.s32 @!p0 $0x0, s1;
	[sflag:s0] =	ssyncset.done @!p0 $0x0  }
0x92: {  	[sflag:s0] =	ssyncadd.s32 @!p0 s1  }
0x93: {  	[bflag:$0x3] =	sbarrier.arrive $0xFFFF  }
0x94: {  	_ =	shalt  }

// kernel: kernel.19.cloned.1.call-start
scs
__scs_entry_jumppad:
0x0: {  	(pc) =	sbr.rel $0x88, $3  }
0x1: {  	(tag) =	ssettag $0x0;
	lr =	simm.s32 $0x1  }
0x2: {  	[smem:$0x3F99] =	sst lr;
	_ =	strace $0xD0000000  }
0x3: {  	_ = 	snop  }
0x4: {  	_ = 	snop  }
0x5: {  	_ = 	snop  }
0x6: {  	_ = 	snop  }
0x7: {  	_ = 	snop  }
__scs_overlays_trampoline_lowered:
0x8: {  	[smem:$0x3FA8] =	sst s0  }
0x9: {  	[smem:$0x3FA9] =	sst s1  }
0xa: {  	[smem:$0x3FAA] =	sst s2  }
0xb: {  	[smem:$0x3FAB] =	sst s3  }
0xc: {  	[smem:$0x3FAC] =	sst s4  }
0xd: {  	[smem:$0x3FAD] =	sst s5  }
0xe: {  	[smem:$0x3FAE] =	sst s6  }
0xf: {  	[smem:$0x3FAF] =	sst s7  }
0x10: {  	[smem:$0x3FB0] =	sst s8  }
0x11: {  	[smem:$0x3FB1] =	sst s9;
	s0 =	simm.s32 @!p0 $0x0  }
0x12: {  	s1 =	sld [smem:$0x3F97];
	s0 =	simm.s32 @p0 $0x1  }
0x13: {  	[smem:$0x3FB2] =	sst s0;
	s0 =	simm.s32 @!p1 $0x0  }
0x14: {  	s2 =	sld [smem:$0x3F96];
	s0 =	simm.s32 @p1 $0x1  }
0x15: {  	[smem:$0x3FB3] =	sst s0;
	s0 =	simm.s32 @!p2 $0x0  }
0x16: {  	s3 =	sld [smem:$0x3FDB];
	s0 =	simm.s32 @p2 $0x1  }
0x17: {  	s4 =	simm.s32 $0x1BF5;
	[smem:$0x3FB5] =	sst s0  }
0x18: {  	s0 =	sld [smem:$0x3F98];
	_ =	swait.ge [sflag:s4], $0x0  }
0x19: {  	s7 =	sld [smem:$0x3F99]  }
0x1a: {  	s8 =	sadd.s32 $0xFFFFE003, lr  }
0x1b: {  	s9 =	sadd.s32 $0xFFFFFEF7, lr;
	s5 =	simm.s32 $0xFFFFFFFF;
	p2 =	slt.u32 s8, $0xFFFFF086  }
0x1c: {  	p1 =	slt.u32 s9, $0xF7A;
	s5 =	simm.s32 @!p2 $0x0  }
0x1d: {  	s5 =	simm.s32 @p1 $0x1;
	p0 =	seq.s32 s7, s2  }
0x1e: {  	s7 =	smul.u32 @!p0 $0xF7A, s2;
	p2 =	seq.s32 @!p0 s5, $0x0  }
0x1f: {  	s9 =	smul.u32 $0xF7A, s1;
	s8 =	simm.s32 @!p0 $0x1BF5;
	p2 =	por !p2, p0  }
0x20: {  	[sflag:s8] =	ssyncset.s32 @!p0 $0xFFFFF086;
	s6 =	sadd.s32 @!p0 s3, s7;
	s7 =	simm.s32 @!p0 $0x108  }
0x21: {  	s3 =	sadd.s32 s3, s9;
	s6 =	sadd.s32 @!p0 $0x88, s6;
	s7 =	simm.s32 @p2 $0x1082  }
0x22: {  	[simem:s7], [sflag:s8] =	dma.local @!p0 [hbm:s6], $0xF7A  }
0x23: {  	s9 =	sor.u32 $0xD0000000, s2;
	s6 =	simm.s32 $0x108;
	_ =	swait.ge @!p0 [sflag:s8], $0x0  }
0x24: {  	s3 =	sadd.s32 $0x88, s3;
	s6 =	simm.s32 @!p1 $0x1082;
	[sflag:s4] =	ssyncset.s32 $0xFFFFF086  }
0x25: {  	[simem:s6], [sflag:s4] =	dma.local [hbm:s3], $0xF7A  }
0x26: {  	[smem:$0x3F99] =	sst s1;
	(tag) =	ssettag s2;
	_ =	strace s9  }
0x27: {  	s1 =	sld [smem:$0x3FA9]  }
0x28: {  	s2 =	sld [smem:$0x3FAA]  }
0x29: {  	s4 =	sld [smem:$0x3FAC]  }
0x2a: {  	p0 =	seq.s32 s5, $0x0;
	s5 =	sld [smem:$0x3FAD]  }
0x2b: {  	s6 =	sld [smem:$0x3FAE]  }
0x2c: {  	s7 =	sld [smem:$0x3FAF]  }
0x2d: {  	s3 =	simm.s32 $0x108;
	s8 =	sld [smem:$0x3FB0]  }
0x2e: {  	s3 =	simm.s32 @!p0 $0x1082;
	s9 =	sld [smem:$0x3FB1]  }
0x2f: {  	lr =	sadd.s32 s0, s3;
	s0 =	sld [smem:$0x3FA8]  }
0x30: {  	s3 =	sld [smem:$0x3FAB]  }
0x31: {  	[smem:$0x3FB4] =	sst s10  }
0x32: {  	s10 =	sld [smem:$0x3FB2];
	_ =	sdelay $0x3  }
0x33: {  	p0 =	seq.s32 s10, $0x1;
	s10 =	sld [smem:$0x3FB4];
	_ =	sdelay $0x3  }
0x34: {  	[smem:$0x3FB4] =	sst s10  }
0x35: {  	s10 =	sld [smem:$0x3FB3];
	_ =	sdelay $0x3  }
0x36: {  	p1 =	seq.s32 s10, $0x1;
	s10 =	sld [smem:$0x3FB4];
	_ =	sdelay $0x3  }
0x37: {  	[smem:$0x3FB4] =	sst s10  }
0x38: {  	s10 =	sld [smem:$0x3FB5]  }
0x39: {  	_ = 	snop;
	(pc) =	sbr.ind lr, $3  }
0x3a: {  	_ = 	snop  }
0x3b: {  	_ = 	snop  }
0x3c: {  	p2 =	seq.s32 s10, $0x1;
	s10 =	sld [smem:$0x3FB4]  }
0x3d: {  	_ =	shalt  }
0x3e: {  	_ =	shalt  }
0x3f: {  	_ =	shalt  }
0x40: {  	_ =	shalt  }
0x41: {  	_ =	shalt  }
0x42: {  	_ =	shalt  }
0x43: {  	_ =	shalt  }
0x44: {  	_ =	shalt  }
0x45: {  	_ =	shalt  }
0x46: {  	_ =	shalt  }
0x47: {  	_ =	shalt  }
0x48: {  	_ =	shalt  }
0x49: {  	_ =	shalt  }
0x4a: {  	_ =	shalt  }
0x4b: {  	_ =	shalt  }
0x4c: {  	_ =	shalt  }
0x4d: {  	_ =	shalt  }
0x4e: {  	_ =	shalt  }
0x4f: {  	_ =	shalt  }
0x50: {  	_ =	shalt  }
0x51: {  	_ =	shalt  }
0x52: {  	_ =	shalt  }
0x53: {  	_ =	shalt  }
0x54: {  	_ =	shalt  }
0x55: {  	_ =	shalt  }
0x56: {  	_ =	shalt  }
0x57: {  	_ =	shalt  }
0x58: {  	_ =	shalt  }
0x59: {  	_ =	shalt  }
0x5a: {  	_ =	shalt  }
0x5b: {  	_ =	shalt  }
0x5c: {  	_ =	shalt  }
0x5d: {  	_ =	shalt  }
0x5e: {  	_ =	shalt  }
0x5f: {  	_ =	shalt  }
0x60: {  	_ =	shalt  }
0x61: {  	_ =	shalt  }
0x62: {  	_ =	shalt  }
0x63: {  	_ =	shalt  }
0x64: {  	_ =	shalt  }
0x65: {  	_ =	shalt  }
0x66: {  	_ =	shalt  }
0x67: {  	_ =	shalt  }
0x68: {  	_ =	shalt  }
0x69: {  	_ =	shalt  }
0x6a: {  	_ =	shalt  }
0x6b: {  	_ =	shalt  }
0x6c: {  	_ =	shalt  }
0x6d: {  	_ =	shalt  }
0x6e: {  	_ =	shalt  }
0x6f: {  	_ =	shalt  }
0x70: {  	_ =	shalt  }
0x71: {  	_ =	shalt  }
0x72: {  	_ =	shalt  }
0x73: {  	_ =	shalt  }
0x74: {  	_ =	shalt  }
0x75: {  	_ =	shalt  }
0x76: {  	_ =	shalt  }
0x77: {  	_ =	shalt  }
0x78: {  	_ =	shalt  }
0x79: {  	_ =	shalt  }
0x7a: {  	_ =	shalt  }
0x7b: {  	_ =	shalt  }
0x7c: {  	_ =	shalt  }
0x7d: {  	_ =	shalt  }
0x7e: {  	_ =	shalt  }
0x7f: {  	_ =	shalt  }
0x80: {  	_ =	shalt  }
0x81: {  	_ =	shalt  }
0x82: {  	_ =	shalt  }
0x83: {  	_ =	shalt  }
0x84: {  	_ =	shalt  }
0x85: {  	_ =	shalt  }
0x86: {  	_ =	shalt  }
0x87: {  	_ =	shalt  }
.Lfunc_end0:
.L_simem_size_0:
called_computation.3_lowered:
.L_overlay_start_0:
0x88: {  	s2 =	sld [smem:$0x3FD9]  }
0x89: {  	s3 =	sld [smem:$0x3FFE];
	_ =	sdelay $0x1  }
0x8a: {  	s1 =	srdreg.scid  }
0x8b: {  	s0 =	sand.u32 $0x1, s1  }
0x8c: {  	s17 =	sshll.u32 s0, $0xA;
	s2 =	sadd.s32 s3, s2  }
0x8d: {  	s2 =	sadd.s32 s2, s17  }
0x8e: {  	[smem:$0x3FC0] =	sst s2  }
0x8f: {  	_ = 	snop  }
0x90: {  	s2 =	sld [smem:$0x3FD0];
	(tm) =	ssettm $0x1  }
0x91: {  	s18 =	sld [smem:$0x3FFB];
	_ =	sdelay $0x3  }
0x92: {  	_ =	strace s18  }
0x93: {  	s3 =	sld [smem:$0x3FFC];
	_ =	sdelay $0x3  }
0x94: {  	_ =	strace s3  }
0x95: {  	s3 =	sld [smem:$0x3FFD];
	_ =	sdelay $0x3  }
0x96: {  	_ =	strace s3  }
0x97: {  	_ =	strace $0x8FFFFFFF  }
0x98: {  	s19 =	sld [smem:$0x3FDB];
	_ =	sdelay $0x1  }
0x99: {  	s4 =	simm.s32 $_scs_section_size  }
0x9a: {  	s5 =	simm.s32 $_size__tile_overlayer_lowered;
	s6 =	simm.s32 $_tile_overlayer_lowered  }
0x9b: {  	s22 =	simm.s32 $0x1BFF;
	s21 =	sshll.u32 s6, $0x1;
	s3 =	sadd.s32 s4, s19  }
0x9c: {  	s7 =	simm.s32 $0x0;
	s20 =	sshll.u32 s5, $0x1;
	s5 =	sadd.s32 s21, s3  }
0x9d: {  	[timem:s7], [sflag:s22] =	dma.local [hbm:s5], s20  }
0x9e: {  	_ =	swait.ge [sflag:s22], s20  }
0x9f: {  	s4 =	ssub.s32 $0x0, s20;
	[sflag:s22] =	ssyncset.done $0x0  }
0xa0: {  	[sflag:s22] =	ssyncadd.s32 s4;
	_ =	sdelay $0x1  }
0xa1: {  	s23 =	simm.s32 $0x1B8B  }
0xa2: {  	_ =	swait.ge [sflag:s23], $0x1  }
0xa3: {  	[sflag:s23] =	ssyncset.done $0x0  }
0xa4: {  	s25 =	simm.s32 $0x1B8E;
	s24 =	sld [smem:$0x3FFE];
	[sflag:s23] =	ssyncadd.s32 $0xFFFFFFFF  }
0xa5: {  	s26 =	simm.s32 $execute0_lowered;
	[smem:$0x3FD2] =	sst s25  }
0xa6: {  	s5 =	sshll.u32 s26, $0x1;
	_ =	strace $0x8000004F;
	[dreg:$0x1] =	wrdreg $0xFFFFFFFF  }
0xa7: {  	s28 =	simm.s32 $_size_execute0_lowered;
	s3 =	sadd.s32 s3, s5;
	[dreg:$0x0] =	wrdreg $0x0  }
0xa8: {  	s5 =	sshll.u32 s28, $0x1;
	[dreg:$0x2] =	wrdreg s3  }
0xa9: {  	[dreg:$0x3] =	wrdreg s5  }
0xaa: {  	[dreg:$0x4] =	wrdreg $0xC0  }
0xab: {  	_ =	task [dreg:s7], $0x5FFFF  }
0xac: {  	[dreg:$0x1] =	wrdreg $0xFFFFFFFF  }
0xad: {  	[dreg:$0x0] =	wrdreg $0x60  }
0xae: {  	[dreg:$0x2] =	wrdreg s24  }
0xaf: {  	[dreg:$0x3] =	wrdreg s2  }
0xb0: {  	[dreg:$0x4] =	wrdreg $0x90000  }
0xb1: {  	[dreg:$0x5] =	wrdreg $0x9  }
0xb2: {  	_ =	task.clear_ibuf [dreg:s7], $0x6FFFF;
	_ =	strace $0x9000004F  }
0xb3: {  	s29 =	simm.s32 $0x9;
	_ =	strace $0x80000051  }
0xb4: {  	_ =	swait.ge [sflag:s29], $0x1  }
0xb5: {  	[sflag:s29] =	ssyncadd.s32 $0xFFFFFFFF  }
0xb6: {  	_ =	strace $0x90000051  }
0xb7: {  	_ =	sfence  }
0xb8: {  	s30 =	sld [smem:$0x0];
	_ =	sdelay $0x2  }
0xb9: {  	s31 =	sshll.u32 s1, $0xD;
	s1 =	sshrl.u32 s1, $0x2  }
0xba: {  	s3 =	sand.u32 $0x4000, s31;
	s1 =	sadd.s32 s1, s30  }
0xbb: {  	s0 =	sor.u32 s3, s0;
	s1 =	sshll.u32 s1, $0x11  }
0xbc: {  	s0 =	sor.u32 s1, s0  }
0xbd: {  	s0 =	sadd.s32 $0x8F2B, s0  }
0xbe: {  	[sflag:s0] =	ssyncadd.remote.s32 $0x1  }
0xbf: {  	_ =	sfence.sel $0xFFFF  }
0xc0: {  	[dreg:$0x0] =	wrdreg $0xFFFFFFFF;
	(pc) =	sbr.abs _section_cstart, $3  }
0xc1: {  	[dreg:$0x1] =	wrdreg $0xFFFFFFFF  }
0xc2: {  	_ =	task.clear_ibuf [dreg:s7], $0x2FFFF;
	_ =	strace $0x9FFFFFFF  }
0xc3: {  	(tm) =	ssettm $0x7FFFFFFF  }
tec
execute0_lowered:
.L_overlay_start_1:
0x0: {  	(tag) =	ssettag $0x1  }
0x1: {  	s5 =	rddreg [dreg:$0x0]  }
0x2: {  	s11 =	rddreg [dreg:$0x1];
	s1 =	srdreg.scid  }
0x3: {  	s0 =	stileid.u32;
	s2 =	rddreg [dreg:$0x2]  }
0x4: {  	s3 =	simm.s32 $0x0;
	s21 =	simm.s32 $0x80;
	s22 =	simm.s32 $0x1  }
0x5: {  	s23 =	simm.s32 $0x0;
	s7 =	sand.u32 $0x1, s1;
	s1 =	rddreg [dreg:$0x3]  }
0x6: {  	s4 =	sshll.u32 s0, $0x1;
	[smem:$0x7FF] =	sst s3;
	s6 =	smul.u32 $0x50000, s0  }
0x7: {  	s13 =	smul.u32 $0x14000, s0;
	s16 =	sadd.s32 $0x5D000, s5;
	s4 =	sor.u32 s7, s4  }
0x8: {  	_ =	strace $0x80000050;
	s8 =	ssub.s32 $0x2, s7;
	s20 =	smul.u32 $0x140000, s7  }
0x9: {  	s12 =	smul.u32 $0x500, s4;
	s4 =	sadd.s32 $0x3000, s5;
	s24 =	sshrl.u32 s8, $0x1  }
0xa: {  	s25 =	sshrl.u32 s6, $0x2;
	s14 =	sadd.s32 $0x4000, s13;
	s15 =	sadd.s32 $0x8000, s13  }
0xb: {  	s18 =	sadd.s32 $0xC000, s13;
	s19 =	sadd.s32 $0x10000, s13;
	s17 =	ssub.s32 s8, s24  }
0xc: {  	s6 =	sadd.s32 s14, s2;
	s7 =	sadd.s32 s15, s2;
	s8 =	sadd.s32 s18, s2  }
0xd: {  	s9 =	sadd.s32 s19, s2;
	s13 =	sadd.s32 s13, s20;
	s14 =	sadd.s32 s20, s14  }
0xe: {  	s29 =	sadd.s32 s20, s15;
	s30 =	sadd.s32 s20, s18;
	s31 =	sadd.s32 s20, s19  }
0xf: {  	s19 =	simm.s32 $0x2;
	s20 =	simm.s32 $0x2800;
	s10 =	sadd.s32 s12, s5  }
0x10: {  	s5 =	sadd.s32 s25, s2;
	s11 =	sadd.s32 s11, s12;
	s26 =	sshrl.u32 s13, $0x3  }
0x11: {  	s28 =	sshrl.u32 s14, $0x3;
	s14 =	sshrl.u32 s29, $0x3;
	s15 =	sshrl.u32 s30, $0x3  }
0x12: {  	s18 =	sshrl.u32 s31, $0x3;
	s17 =	smax.u32 s17, $0x1;
	s10 =	sadd.s32 $0x53000, s10  }
0x13: {  	s12 =	sadd.s32 s16, s26;
	s13 =	sadd.s32 s16, s28;
	s14 =	sadd.s32 s16, s14  }
0x14: {  	v0 =	vimm.f32 $0.0e+00;
	s15 =	sadd.s32 s16, s15;
	s16 =	sadd.s32 s16, s18;
	s18 =	simm.s32 $0x5000  }
.LBB2_1:
0x15: {  	s24 =	simm.s32 $0x0;
	s25 =	simm.s32 $0x200  }
.LBB2_2:
0x16: {  	p0 =	sne.s32 s25, $0xFE00;
	[tilespmem:s24+$0x5070] =	vst v0  }
0x17: {  	[tilespmem:s24+$0x5000] =	vst v0  }
0x18: {  	[tilespmem:s24+$0x5010] =	vst v0  }
.Ltmp0:
0x19: {  	[tilespmem:s24+$0x5020] =	vst v0;
	(pc) =	sbr.rel @p0 .LBB2_2-.Ltmp0, $4  }
0x1a: {  	[tilespmem:s24+$0x5030] =	vst v0  }
0x1b: {  	[tilespmem:s24+$0x5040] =	vst v0  }
0x1c: {  	[tilespmem:s24+$0x5050] =	vst v0  }
0x1d: {  	[tilespmem:s24+$0x5060] =	vst v0;
	s24 =	sshra.s32 s25, $0x2;
	s25 =	sadd.s32 $0x200, s25  }
0x1e: {  	[tilespmem:s24+$0x5070] =	vst v0  }
0x1f: {  	[tilespmem:s24+$0x5000] =	vst v0  }
0x20: {  	[tilespmem:s24+$0x5010] =	vst v0  }
0x21: {  	[tilespmem:s24+$0x5020] =	vst v0  }
0x22: {  	[tilespmem:s24+$0x5030] =	vst v0  }
0x23: {  	[tilespmem:s24+$0x5040] =	vst v0  }
0x24: {  	[tilespmem:s24+$0x5050] =	vst v0  }
0x25: {  	[tilespmem:s24+$0x5060] =	vst v0  }
0x26: {  	[spmem:s5] =	stream.linear.scatter [tilespmem:s18], [sflag:$0x2], $0x4000, $0x38;
	[tilespmem:$0x1D000] =	vst v63  }
0x27: {  	_ =	swait.ge [sflag:s19], $0x4000  }
0x28: {  	[sflag:s19] =	ssyncset.done $0x0  }
0x29: {  	[sflag:s19] =	ssyncadd.s32 $0xFFFFC000  }
0x2a: {  	[spmem:s6] =	stream.linear.scatter [tilespmem:s18], [sflag:$0x2], $0x4000, $0x38;
	[tilespmem:$0x1D000] =	vst v63  }
0x2b: {  	_ =	swait.ge [sflag:s19], $0x4000  }
0x2c: {  	[sflag:s19] =	ssyncset.done $0x0  }
0x2d: {  	[sflag:s19] =	ssyncadd.s32 $0xFFFFC000  }
0x2e: {  	[spmem:s7] =	stream.linear.scatter [tilespmem:s18], [sflag:$0x2], $0x4000, $0x38;
	[tilespmem:$0x1D000] =	vst v63  }
0x2f: {  	_ =	swait.ge [sflag:s19], $0x4000  }
0x30: {  	[sflag:s19] =	ssyncset.done $0x0  }
0x31: {  	[sflag:s19] =	ssyncadd.s32 $0xFFFFC000  }
0x32: {  	[spmem:s8] =	stream.linear.scatter [tilespmem:s18], [sflag:$0x2], $0x4000, $0x38;
	[tilespmem:$0x1D000] =	vst v63  }
0x33: {  	_ =	swait.ge [sflag:s19], $0x4000  }
0x34: {  	[sflag:s19] =	ssyncset.done $0x0  }
0x35: {  	[sflag:s19] =	ssyncadd.s32 $0xFFFFC000  }
0x36: {  	[spmem:s9] =	stream.linear.scatter [tilespmem:s18], [sflag:$0x2], $0x4000, $0x38;
	[tilespmem:$0x1D000] =	vst v63  }
0x37: {  	_ =	swait.ge [sflag:s19], $0x4000  }
0x38: {  	[sflag:s19] =	ssyncset.done $0x0  }
0x39: {  	s29 =	simm.s32 $0x0;
	[sflag:s19] =	ssyncadd.s32 $0xFFFFC000  }
0x3a: {  	[tilespmem:s29], [sflag:$0x2] =	stream.linear.gather [hbm4b:s10+s29], $0x2780, $0x38;
	[tilespmem:$0x1D000] =	vst v63  }
0x3b: {  	_ =	swait.ge [sflag:s19], $0x2780  }
0x3c: {  	[sflag:s19] =	ssyncset.done $0x0  }
0x3d: {  	[sflag:s19] =	ssyncadd.s32 $0xFFFFD880  }
0x3e: {  	[tilespmem:s20], [sflag:$0x2] =	stream.linear.gather [hbm4b:s11+s29], $0x2780, $0x38;
	[tilespmem:$0x1D000] =	vst v63  }
0x3f: {  	_ =	swait.ge [sflag:s19], $0x2780  }
0x40: {  	[sflag:s19] =	ssyncset.done $0x0  }
0x41: {  	[sflag:s19] =	ssyncadd.s32 $0xFFFFD880  }
0x42: {  	s30 =	simm.s32 $0x0;
	[bflag:$0x0] =	sbarrier.arrive $0xFFFF  }
0x43: {  	[tilespmem:s18], [sflag:$0x1] =	stream.indirect.gather [hbm4b:s4+s21], $0x80, s30, s21, $0xb8;
	[tilespmem:$0x1D000] =	vst v63  }
0x44: {  	_ =	swait.ge [sflag:s22], $0x4000  }
0x45: {  	[sflag:s22] =	ssyncset.done $0x0  }
0x46: {  	s31 =	simm.s32 $0x2800;
	[sflag:s22] =	ssyncadd.s32 $0xFFFFC000  }
0x47: {  	[spmem:s2] =	stream.indirect.scatter.add.f32 [tilespmem:s18], [sflag:$0x2], $0x80, s31, s21, $0xb8;
	[tilespmem:$0x1D000] =	vst v63  }
0x48: {  	_ =	swait.ge [sflag:s19], $0x4000  }
0x49: {  	s24 =	simm.s32 $0x200;
	s25 =	simm.s32 $0x400;
	[sflag:s19] =	ssyncset.done $0x0  }
.LBB2_4:
0x4a: {  	s26 =	sshra.s32 s24, $0x2  }
0x4b: {  	[sflag:s19] =	ssyncadd.s32 $0xFFFFC000;
	s24 =	smov.u32 s25;
	s28 =	sadd.s32 $0x200, s25  }
0x4c: {  	[tilespmem:s18], [sflag:$0x1] =	stream.indirect.gather [hbm4b:s4+s21], $0x80, s26, s21, $0xb8;
	[tilespmem:$0x1D000] =	vst v63  }
0x4d: {  	p0 =	sne.s32 s25, $0x9C00;
	_ =	swait.ge [sflag:s22], $0x4000  }
.Ltmp1:
0x4e: {  	[sflag:s22] =	ssyncset.done $0x0;
	(pc) =	sbr.rel @p0 .LBB2_4-.Ltmp1, $4  }
0x4f: {  	s25 =	sadd.s32 $0x2800, s26;
	[sflag:s22] =	ssyncadd.s32 $0xFFFFC000  }
0x50: {  	[spmem:s2] =	stream.indirect.scatter.add.f32 [tilespmem:s18], [sflag:$0x2], $0x80, s25, s21, $0xb8;
	[tilespmem:$0x1D000] =	vst v63  }
0x51: {  	_ =	swait.ge [sflag:s19], $0x4000  }
0x52: {  	s25 =	smov.u32 s28;
	[sflag:s19] =	ssyncset.done $0x0  }
0x53: {  	s24 =	sshra.s32 s24, $0x2;
	[sflag:s19] =	ssyncadd.s32 $0xFFFFC000  }
0x54: {  	[tilespmem:s18], [sflag:$0x1] =	stream.indirect.gather [hbm4b:s4+s21], $0x80, s24, s21, $0xb8;
	[tilespmem:$0x1D000] =	vst v63  }
0x55: {  	_ =	swait.ge [sflag:s22], $0x4000  }
0x56: {  	[sflag:s22] =	ssyncset.done $0x0  }
0x57: {  	s24 =	sadd.s32 $0x2800, s24;
	[sflag:s22] =	ssyncadd.s32 $0xFFFFC000  }
0x58: {  	[spmem:s2] =	stream.indirect.scatter.add.f32 [tilespmem:s18], [sflag:$0x2], $0x80, s24, s21, $0xb8;
	[tilespmem:$0x1D000] =	vst v63  }
0x59: {  	_ =	swait.ge [sflag:s19], $0x4000  }
0x5a: {  	[sflag:s19] =	ssyncset.done $0x0  }
0x5b: {  	[sflag:s19] =	ssyncadd.s32 $0xFFFFC000  }
0x5c: {  	[bflag:$0x0] =	sbarrier.arrive $0xFFFF  }
0x5d: {  	[tilespmem:s18], [sflag:$0x2] =	stream.linear.gather [spmem:s5], $0x4000, $0x38;
	[tilespmem:$0x1D000] =	vst v63  }
0x5e: {  	_ =	swait.ge [sflag:s19], $0x4000  }
0x5f: {  	[sflag:s19] =	ssyncset.done $0x0  }
0x60: {  	[sflag:s19] =	ssyncadd.s32 $0xFFFFC000  }
0x61: {  	[hbm4b:s12+s3] =	stream.linear.scatter [tilespmem:s18], [sflag:$0x2], $0x4000, $0x38;
	[tilespmem:$0x1D000] =	vst v63  }
0x62: {  	_ =	swait.ge [sflag:s19], $0x4000  }
0x63: {  	[sflag:s19] =	ssyncset.done $0x0  }
0x64: {  	[sflag:s19] =	ssyncadd.s32 $0xFFFFC000  }
0x65: {  	[tilespmem:s18], [sflag:$0x2] =	stream.linear.gather [spmem:s6], $0x4000, $0x38;
	[tilespmem:$0x1D000] =	vst v63  }
0x66: {  	_ =	swait.ge [sflag:s19], $0x4000  }
0x67: {  	[sflag:s19] =	ssyncset.done $0x0  }
0x68: {  	[sflag:s19] =	ssyncadd.s32 $0xFFFFC000  }
0x69: {  	[hbm4b:s13+s3] =	stream.linear.scatter [tilespmem:s18], [sflag:$0x2], $0x4000, $0x38;
	[tilespmem:$0x1D000] =	vst v63  }
0x6a: {  	_ =	swait.ge [sflag:s19], $0x4000  }
0x6b: {  	[sflag:s19] =	ssyncset.done $0x0  }
0x6c: {  	[sflag:s19] =	ssyncadd.s32 $0xFFFFC000  }
0x6d: {  	[tilespmem:s18], [sflag:$0x2] =	stream.linear.gather [spmem:s7], $0x4000, $0x38;
	[tilespmem:$0x1D000] =	vst v63  }
0x6e: {  	_ =	swait.ge [sflag:s19], $0x4000  }
0x6f: {  	[sflag:s19] =	ssyncset.done $0x0  }
0x70: {  	[sflag:s19] =	ssyncadd.s32 $0xFFFFC000  }
0x71: {  	[hbm4b:s14+s3] =	stream.linear.scatter [tilespmem:s18], [sflag:$0x2], $0x4000, $0x38;
	[tilespmem:$0x1D000] =	vst v63  }
0x72: {  	_ =	swait.ge [sflag:s19], $0x4000  }
0x73: {  	[sflag:s19] =	ssyncset.done $0x0  }
0x74: {  	[sflag:s19] =	ssyncadd.s32 $0xFFFFC000  }
0x75: {  	[tilespmem:s18], [sflag:$0x2] =	stream.linear.gather [spmem:s8], $0x4000, $0x38;
	[tilespmem:$0x1D000] =	vst v63  }
0x76: {  	_ =	swait.ge [sflag:s19], $0x4000  }
0x77: {  	[sflag:s19] =	ssyncset.done $0x0  }
0x78: {  	[sflag:s19] =	ssyncadd.s32 $0xFFFFC000  }
0x79: {  	[hbm4b:s15+s3] =	stream.linear.scatter [tilespmem:s18], [sflag:$0x2], $0x4000, $0x38;
	[tilespmem:$0x1D000] =	vst v63  }
0x7a: {  	_ =	swait.ge [sflag:s19], $0x4000  }
0x7b: {  	[sflag:s19] =	ssyncset.done $0x0  }
0x7c: {  	[sflag:s19] =	ssyncadd.s32 $0xFFFFC000  }
0x7d: {  	[tilespmem:s18], [sflag:$0x2] =	stream.linear.gather [spmem:s9], $0x4000, $0x38;
	[tilespmem:$0x1D000] =	vst v63  }
0x7e: {  	s23 =	sadd.s32 $0x1, s23;
	_ =	swait.ge [sflag:s19], $0x4000  }
0x7f: {  	p0 =	sne.s32 s23, s17;
	[sflag:s19] =	ssyncset.done $0x0  }
.Ltmp2:
0x80: {  	[sflag:s19] =	ssyncadd.s32 $0xFFFFC000;
	(pc) =	sbr.rel @p0 .LBB2_1-.Ltmp2, $4  }
0x81: {  	[hbm4b:s16+s3] =	stream.linear.scatter [tilespmem:s18], [sflag:$0x2], $0x4000, $0x38;
	[tilespmem:$0x1D000] =	vst v63  }
0x82: {  	_ =	swait.ge [sflag:s19], $0x4000  }
0x83: {  	[sflag:s19] =	ssyncset.done $0x0  }
0x84: {  	[sflag:s19] =	ssyncadd.s32 $0xFFFFC000  }
0x85: {  	_ =	sfence.sel $0x180000  }
0x86: {  	[bflag:$0x0] =	sbarrier.arrive $0xFFFF  }
0x87: {  	p0 =	sne.s32 s0, $0x0;
	_ =	strace $0x90000050  }
0x88: {  	s0 =	sadd.s32 @!p0 $0x100000, s1;
	[bflag:$0x2] =	sbarrier.arrive $0xFFFF  }
0x89: {  	[sflag:s0] =	ssyncadd.tile.s32 @!p0 $0x1;
	_ =	shalt  }
.Lfunc_end2:
_tile_overlayer_lowered:
.L_overlay_start_2:
0x8a: {  	(tag) =	ssettag $0x2  }
0x8b: {  	s0 =	rddreg [dreg:$0x0];
	s2 =	stileid.u32  }
0x8c: {  	s1 =	rddreg [dreg:$0x1];
	p0 =	sne.s32 s2, $0x0  }
0x8d: {  	s3 =	rddreg [dreg:$0x2];
	[bflag:$0x3] =	sbarrier.arrive $0xFFFF;
	s2 =	simm.s32 @!p0 $0x1C02  }
0x8e: {  	[timem:s3], [sflag:s2] =	dma.local @!p0 [hbm:s0], s1  }
0x8f: {  	s0 =	simm.s32 @!p0 $0x2  }
0x90: {  	_ =	swait.ge @!p0 [sflag:s0], s1  }
0x91: {  	s1 =	ssub.s32 @!p0 $0x0, s1;
	[sflag:s0] =	ssyncset.done @!p0 $0x0  }
0x92: {  	[sflag:s0] =	ssyncadd.s32 @!p0 s1  }
0x93: {  	[bflag:$0x3] =	sbarrier.arrive $0xFFFF  }
0x94: {  	_ =	shalt  }

</sc_bundles>
